<compile_context>
chip_gen: v7x
topology: tpu7x:2x2x1
jax: 0.10.2.dev20260603
libtpu: 0.0.44.dev20260713+nightly
codegen_flags: <defaults>
</compile_context>

<pallas_src>
import jax
import jax.numpy as jnp
from jax import lax
from jax.experimental import pallas as pl
from jax.experimental.pallas import tpu as pltpu
from jax.experimental.pallas import tpu_sc as plsc

BATCH = 16384
NF = 26
ND = 13
VOCAB = 100000
NC, NS, L = 2, 16, 16
NW = NC * NS
BPW = BATCH // NW
CPW = BPW // L

GROUPS = (tuple(range(0, 13)) + tuple(range(20, 26)), tuple(range(13, 20)))


def _make_body(fields, with_dense):
    nf = len(fields)

    def _body(*args):
        a = iter(args)
        idx_t = next(a)
        dense_t = next(a) if with_dense else None
        tables = [next(a) for _ in range(nf)]
        w_hbm = next(a) if with_dense else None
        partial = None if with_dense else next(a)
        out_hbm = next(a)
        idx_v = next(a)
        fidx_v = next(a)
        vals_v = next(a)
        dense_v = next(a) if with_dense else None
        w_v = next(a) if with_dense else None
        part_v = None if with_dense else next(a)
        out_v = next(a)
        sem_g = next(a)
        sem_i = next(a)
        sem_d = next(a)

        wid = lax.axis_index("s") * NC + lax.axis_index("c")
        base = wid * BPW

        cp_i = pltpu.async_copy(idx_t.at[:, pl.ds(base, BPW)], idx_v, sem_i)
        if with_dense:
            cp_d = pltpu.async_copy(dense_t.at[:, pl.ds(base, BPW)], dense_v, sem_d)
            cp_w = pltpu.async_copy(w_hbm, w_v, sem_d)
        else:
            cp_p = pltpu.async_copy(partial.at[pl.ds(base, BPW)], part_v, sem_d)
        cp_i.wait()

        iota = lax.iota(jnp.int32, L)

        gathers = []
        for k, f in enumerate(fields):
            frow = jnp.full((L,), f, jnp.int32)

            def fld(c, carry, frow=frow, k=k):
                cols = c * L + iota
                fidx_v[pl.ds(k * BPW + c * L, L)] = plsc.load_gather(idx_v, [frow, cols])
                return carry
            lax.fori_loop(0, CPW, fld, 0)
            gathers.append(pltpu.async_copy(
                tables[k].at[fidx_v.at[pl.ds(k * BPW, BPW)]],
                vals_v.at[pl.ds(k * BPW, BPW)], sem_g))

        if with_dense:
            cp_d.wait()
            cp_w.wait()
            wvec = w_v[:]

            def dense_chunk(c, carry):
                j0 = c * L
                cols = j0 + iota
                acc = jnp.zeros((L,), jnp.float32)
                for d in range(ND):
                    acc = acc + plsc.load_gather(
                        dense_v, [jnp.full((L,), d, jnp.int32), cols]) * wvec[d]
                out_v[pl.ds(j0, L)] = acc
                return carry
            lax.fori_loop(0, CPW, dense_chunk, 0)
        else:
            cp_p.wait()

            def seed_chunk(c, carry):
                j0 = c * L
                out_v[pl.ds(j0, L)] = part_v[pl.ds(j0, L)]
                return carry
            lax.fori_loop(0, CPW, seed_chunk, 0)

        for g in gathers:
            g.wait()

        def emb_chunk(c, carry):
            j0 = c * L
            acc = out_v[pl.ds(j0, L)]
            for k in range(nf):
                acc = acc + vals_v[pl.ds(k * BPW + j0, L)]
            out_v[pl.ds(j0, L)] = acc
            return carry
        lax.fori_loop(0, CPW, emb_chunk, 0)

        pltpu.async_copy(out_v, out_hbm.at[pl.ds(base, BPW)], sem_g).wait()

    return _body


def _make_call(fields, with_dense):
    nf = len(fields)
    scratch = [pltpu.VMEM((NF, BPW), jnp.int32),
               pltpu.VMEM((nf * BPW,), jnp.int32),
               pltpu.VMEM((nf * BPW,), jnp.float32)]
    if with_dense:
        scratch += [pltpu.VMEM((ND, BPW), jnp.float32),
                    pltpu.VMEM((L,), jnp.float32)]
    else:
        scratch += [pltpu.VMEM((BPW,), jnp.float32)]
    scratch += [pltpu.VMEM((BPW,), jnp.float32),
                pltpu.SemaphoreType.DMA,
                pltpu.SemaphoreType.DMA,
                pltpu.SemaphoreType.DMA]
    return pl.kernel(
        _make_body(fields, with_dense),
        out_type=jax.ShapeDtypeStruct((BATCH,), jnp.float32),
        mesh=plsc.VectorSubcoreMesh(core_axis_name="c", subcore_axis_name="s"),
        compiler_params=pltpu.CompilerParams(needs_layout_passes=False),
        scratch_types=scratch,
    )


_sc_calls = [_make_call(g, i == 0) for i, g in enumerate(GROUPS)]


def kernel(sparse_indices, dense_inputs, embed_tables, dense_weights):
    idx_t = sparse_indices.T
    dense_t = dense_inputs.T
    gtables = [
        jax.lax.optimization_barrier(tuple(embed_tables[f, :, 0] for f in g))
        for g in GROUPS
    ]
    w = jnp.pad(dense_weights.reshape(-1), (0, L - ND))
    part = _sc_calls[0](idx_t, dense_t, *gtables[0], w)
    for i in range(1, len(GROUPS)):
        part = _sc_calls[i](idx_t, *gtables[i], part)
    return part.reshape(BATCH, 1)

# --- scband reference (transcript-rebuilt; emitter-appended) ---
"""Pipeline reference for scband-one-order-21990232556143 (READ-ONLY COPY).

The authoritative reference and input builder live on the scoring server;
editing this copy changes nothing except your own understanding.
"""

import jax, jax.numpy as jnp
import numpy as np

BATCH = 16384
N_SPARSE = 26
VOCAB = 100000
N_DENSE = 13


def setup_inputs(seed: int = 0) -> dict:
    key = jax.random.key(seed)
    k1, k2, k3, k4 = jax.random.split(key, 4)
    sparse_indices = jax.random.randint(k1, (BATCH, N_SPARSE), 0, VOCAB, dtype=jnp.int32)
    dense_inputs = jax.random.normal(k2, (BATCH, N_DENSE), dtype=jnp.float32)
    # learned parameters: one (vocab, 1) first-order embedding table per sparse field,
    # stacked as [N_SPARSE, VOCAB, 1], plus dense one-order weights [N_DENSE, 1]
    embed_tables = jax.random.normal(k3, (N_SPARSE, VOCAB, 1), dtype=jnp.float32) * 0.01
    dense_weights = jax.random.normal(k4, (N_DENSE, 1), dtype=jnp.float32) * (1.0 / np.sqrt(N_DENSE))
    return {
        "sparse_indices": sparse_indices,
        "dense_inputs": dense_inputs,
        "embed_tables": embed_tables,
        "dense_weights": dense_weights,
    }


def reference(sparse_indices, dense_inputs, embed_tables, dense_weights):
    # FM first-order term: sum over sparse fields of per-field scalar embeddings,
    # plus linear term on concatenated dense features (K.dot(dense, W)).
    batch = dense_inputs.shape[0]
    output = jnp.zeros((batch, 1), dtype=dense_inputs.dtype)
    n_fields = embed_tables.shape[0]
    for f in range(n_fields):
        # Embedding(vocab, 1)(sparse_input) -> gather scalar weight per example
        output = output + jnp.take(embed_tables[f], sparse_indices[:, f], axis=0)
    # dense_inputs = K.concatenate(dense_inputs) -> already [B, n_dense]
    output = output + jnp.dot(dense_inputs, dense_weights)
    return output

if __name__ == "__main__":
    import jax
    _d = setup_inputs()
    print(jax.jit(kernel)(*tuple(_d.values())))

</pallas_src>

<mosaic_0001>
#map = affine_map<(d0, d1) -> (0, 0)>
#map1 = affine_map<(d0, d1) -> (0)>
module attributes {stable_mosaic.version = 14 : i64} {
  func.func @_body(%arg0: i32, %arg1: i32, %arg2: memref<26x16384xi32, #tpu.memory_space<hbm>>, %arg3: memref<13x16384xf32, #tpu.memory_space<hbm>>, %arg4: memref<100000xf32, #tpu.memory_space<hbm>>, %arg5: memref<100000xf32, #tpu.memory_space<hbm>>, %arg6: memref<100000xf32, #tpu.memory_space<hbm>>, %arg7: memref<100000xf32, #tpu.memory_space<hbm>>, %arg8: memref<100000xf32, #tpu.memory_space<hbm>>, %arg9: memref<100000xf32, #tpu.memory_space<hbm>>, %arg10: memref<100000xf32, #tpu.memory_space<hbm>>, %arg11: memref<100000xf32, #tpu.memory_space<hbm>>, %arg12: memref<100000xf32, #tpu.memory_space<hbm>>, %arg13: memref<100000xf32, #tpu.memory_space<hbm>>, %arg14: memref<100000xf32, #tpu.memory_space<hbm>>, %arg15: memref<100000xf32, #tpu.memory_space<hbm>>, %arg16: memref<100000xf32, #tpu.memory_space<hbm>>, %arg17: memref<100000xf32, #tpu.memory_space<hbm>>, %arg18: memref<100000xf32, #tpu.memory_space<hbm>>, %arg19: memref<100000xf32, #tpu.memory_space<hbm>>, %arg20: memref<100000xf32, #tpu.memory_space<hbm>>, %arg21: memref<100000xf32, #tpu.memory_space<hbm>>, %arg22: memref<100000xf32, #tpu.memory_space<hbm>>, %arg23: memref<16xf32, #tpu.memory_space<hbm>>, %arg24: memref<16384xf32, #tpu.memory_space<hbm>>, %arg25: memref<26x512xi32, #tpu.memory_space<vmem>>, %arg26: memref<9728xi32, #tpu.memory_space<vmem>>, %arg27: memref<9728xf32, #tpu.memory_space<vmem>>, %arg28: memref<13x512xf32, #tpu.memory_space<vmem>>, %arg29: memref<16xf32, #tpu.memory_space<vmem>>, %arg30: memref<512xf32, #tpu.memory_space<vmem>>, %arg31: memref<!tpu.dma_semaphore, #tpu.memory_space<semaphore_mem>>, %arg32: memref<!tpu.dma_semaphore, #tpu.memory_space<semaphore_mem>>, %arg33: memref<!tpu.dma_semaphore, #tpu.memory_space<semaphore_mem>>) attributes {dimension_semantics = [#tpu.dimension_semantics<core_parallel>, #tpu.dimension_semantics<subcore_parallel>], iteration_bounds = array<i64: 2, 16>, scalar_prefetch = 0 : i64, scratch_operands = 9 : i64, tpu.core_type = #tpu.core_type<sc_vector_subcore>, window_params = [{transform_indices = #map}, {transform_indices = #map}, {transform_indices = #map1}, {transform_indices = #map1}, {transform_indices = #map1}, {transform_indices = #map1}, {transform_indices = #map1}, {transform_indices = #map1}, {transform_indices = #map1}, {transform_indices = #map1}, {transform_indices = #map1}, {transform_indices = #map1}, {transform_indices = #map1}, {transform_indices = #map1}, {transform_indices = #map1}, {transform_indices = #map1}, {transform_indices = #map1}, {transform_indices = #map1}, {transform_indices = #map1}, {transform_indices = #map1}, {transform_indices = #map1}, {transform_indices = #map1}, {transform_indices = #map1}]} {
    %mul3A = arith.constant 2 : i32
    %mul3A_0 = arith.muli %arg1, %mul3A : i32
    %add3A = arith.addi %mul3A_0, %arg0 : i32
    %mul3A_1 = arith.constant 512 : i32
    %mul3A_2 = arith.muli %add3A, %mul3A_1 : i32
    %dma_start3A = arith.constant 0 : i32
    %dma_start3A_3 = tpu.memref_slice %arg2[%dma_start3A, %mul3A_2] : memref<26x16384xi32, #tpu.memory_space<hbm>> -> memref<26x512xi32, #tpu.memory_space<hbm>>
    %dma_start3A_4 = arith.constant 0 : i32
    %dma_start3A_5 = tpu.memref_slice %arg2[%dma_start3A_4, %mul3A_2] : memref<26x16384xi32, #tpu.memory_space<hbm>> -> memref<26x512xi32, #tpu.memory_space<hbm>>
    tpu.enqueue_dma source(%dma_start3A_5 : memref<26x512xi32, #tpu.memory_space<hbm>>) target(%arg25 : memref<26x512xi32, #tpu.memory_space<vmem>>) target_semaphore(%arg32 : memref<!tpu.dma_semaphore, #tpu.memory_space<semaphore_mem>>)
    %dma_start3A_6 = arith.constant 0 : i32
    %dma_start3A_7 = tpu.memref_slice %arg3[%dma_start3A_6, %mul3A_2] : memref<13x16384xf32, #tpu.memory_space<hbm>> -> memref<13x512xf32, #tpu.memory_space<hbm>>
    %dma_start3A_8 = arith.constant 0 : i32
    %dma_start3A_9 = tpu.memref_slice %arg3[%dma_start3A_8, %mul3A_2] : memref<13x16384xf32, #tpu.memory_space<hbm>> -> memref<13x512xf32, #tpu.memory_space<hbm>>
    tpu.enqueue_dma source(%dma_start3A_9 : memref<13x512xf32, #tpu.memory_space<hbm>>) target(%arg28 : memref<13x512xf32, #tpu.memory_space<vmem>>) target_semaphore(%arg33 : memref<!tpu.dma_semaphore, #tpu.memory_space<semaphore_mem>>)
    tpu.enqueue_dma source(%arg23 : memref<16xf32, #tpu.memory_space<hbm>>) target(%arg29 : memref<16xf32, #tpu.memory_space<vmem>>) target_semaphore(%arg33 : memref<!tpu.dma_semaphore, #tpu.memory_space<semaphore_mem>>)
    %dma_wait3A = arith.constant 0 : i32
    %dma_wait3A_10 = tpu.memref_slice %arg2[%dma_wait3A, %mul3A_2] : memref<26x16384xi32, #tpu.memory_space<hbm>> -> memref<26x512xi32, #tpu.memory_space<hbm>>
    %dma_wait3A_11 = arith.constant 0 : i32
    %dma_wait3A_12 = tpu.memref_slice %arg2[%dma_wait3A_11, %mul3A_2] : memref<26x16384xi32, #tpu.memory_space<hbm>> -> memref<26x512xi32, #tpu.memory_space<hbm>>
    tpu.wait_dma2 semaphore(%arg32 : memref<!tpu.dma_semaphore, #tpu.memory_space<semaphore_mem>>) src(%dma_wait3A_12 : memref<26x512xi32, #tpu.memory_space<hbm>>) dst(%arg25 : memref<26x512xi32, #tpu.memory_space<vmem>>)
    %iota3A = tpu.iota {dimensions = array<i32: 0>} : vector<16xi32>
    %broadcast_in_dim3A = arith.constant 0 : i32
    %broadcast_in_dim3A_13 = vector.broadcast %broadcast_in_dim3A : i32 to vector<16xi32>
    %scan3A = arith.constant 0 : i32
    %scan3A_14 = arith.constant 0 : i32
    %scan3A_15 = arith.constant 32 : i32
    %scan3A_16 = arith.addi %scan3A_14, %scan3A_15 : i32
    %scan3A_17 = arith.constant 1 : i32
    scf.for %scan3A_412 = %scan3A_14 to %scan3A_16 step %scan3A_17  : i32 {
      %mul3A_413 = arith.constant 16 : i32
      %mul3A_414 = arith.muli %scan3A_412, %mul3A_413 : i32
      %add3A_415 = vector.broadcast %mul3A_414 : i32 to vector<16xi32>
      %add3A_416 = arith.addi %add3A_415, %iota3A : vector<16xi32>
      %gather3A = tpu.vector_load_idx %arg25[%broadcast_in_dim3A_13, %add3A_416] : memref<26x512xi32, #tpu.memory_space<vmem>>[vector<16xi32>, vector<16xi32>], vector<16xi32>,
      %mul3A_417 = arith.constant 16 : i32
      %mul3A_418 = arith.muli %scan3A_412, %mul3A_417 : i32
      %add3A_419 = arith.constant 0 : i32
      %add3A_420 = arith.addi %add3A_419, %mul3A_418 : i32
      %swap3A = arith.index_cast %add3A_420 : i32 to index
      %swap3A_421 = tpu.vector_load %arg26[%swap3A] {strides = array<i32>} : memref<9728xi32, #tpu.memory_space<vmem>>, vector<16xi32>,
      tpu.vector_store %arg26[%swap3A], %gather3A {strides = array<i32>} : memref<9728xi32, #tpu.memory_space<vmem>>, vector<16xi32>,
    }
    %scan3A_18 = arith.constant 32 : i32
    %dma_start3A_19 = arith.constant 0 : i32
    %dma_start3A_20 = tpu.memref_slice %arg27[%dma_start3A_19] : memref<9728xf32, #tpu.memory_space<vmem>> -> memref<512xf32, #tpu.memory_space<vmem>>
    %dma_start3A_21 = arith.constant 0 : i32
    %dma_start3A_22 = tpu.memref_slice %arg26[%dma_start3A_21] : memref<9728xi32, #tpu.memory_space<vmem>> -> memref<512xi32, #tpu.memory_space<vmem>>
    %dma_start3A_23 = arith.constant 0 : i32
    %dma_start3A_24 = tpu.memref_slice %arg4[%dma_start3A_23] : memref<100000xf32, #tpu.memory_space<hbm>> -> memref<100000xf32, #tpu.memory_space<hbm>>
    tpu.enqueue_indirect_dma source(%dma_start3A_24 : memref<100000xf32, #tpu.memory_space<hbm>>) target(%dma_start3A_20 : memref<512xf32, #tpu.memory_space<vmem>>) offsets(%dma_start3A_22 : memref<512xi32, #tpu.memory_space<vmem>>) semaphore(%arg31 : memref<!tpu.dma_semaphore, #tpu.memory_space<semaphore_mem>>)
    %broadcast_in_dim3A_25 = arith.constant 1 : i32
    %broadcast_in_dim3A_26 = vector.broadcast %broadcast_in_dim3A_25 : i32 to vector<16xi32>
    %scan3A_27 = arith.constant 0 : i32
    %scan3A_28 = arith.constant 0 : i32
    %scan3A_29 = arith.constant 32 : i32
    %scan3A_30 = arith.addi %scan3A_28, %scan3A_29 : i32
    %scan3A_31 = arith.constant 1 : i32
    scf.for %scan3A_412 = %scan3A_28 to %scan3A_30 step %scan3A_31  : i32 {
      %mul3A_413 = arith.constant 16 : i32
      %mul3A_414 = arith.muli %scan3A_412, %mul3A_413 : i32
      %add3A_415 = vector.broadcast %mul3A_414 : i32 to vector<16xi32>
      %add3A_416 = arith.addi %add3A_415, %iota3A : vector<16xi32>
      %gather3A = tpu.vector_load_idx %arg25[%broadcast_in_dim3A_26, %add3A_416] : memref<26x512xi32, #tpu.memory_space<vmem>>[vector<16xi32>, vector<16xi32>], vector<16xi32>,
      %mul3A_417 = arith.constant 16 : i32
      %mul3A_418 = arith.muli %scan3A_412, %mul3A_417 : i32
      %add3A_419 = arith.constant 512 : i32
      %add3A_420 = arith.addi %add3A_419, %mul3A_418 : i32
      %swap3A = arith.index_cast %add3A_420 : i32 to index
      %swap3A_421 = tpu.vector_load %arg26[%swap3A] {strides = array<i32>} : memref<9728xi32, #tpu.memory_space<vmem>>, vector<16xi32>,
      tpu.vector_store %arg26[%swap3A], %gather3A {strides = array<i32>} : memref<9728xi32, #tpu.memory_space<vmem>>, vector<16xi32>,
    }
    %scan3A_32 = arith.constant 32 : i32
    %dma_start3A_33 = arith.constant 512 : i32
    %dma_start3A_34 = tpu.memref_slice %arg27[%dma_start3A_33] : memref<9728xf32, #tpu.memory_space<vmem>> -> memref<512xf32, #tpu.memory_space<vmem>>
    %dma_start3A_35 = arith.constant 512 : i32
    %dma_start3A_36 = tpu.memref_slice %arg26[%dma_start3A_35] : memref<9728xi32, #tpu.memory_space<vmem>> -> memref<512xi32, #tpu.memory_space<vmem>>
    %dma_start3A_37 = arith.constant 0 : i32
    %dma_start3A_38 = tpu.memref_slice %arg5[%dma_start3A_37] : memref<100000xf32, #tpu.memory_space<hbm>> -> memref<100000xf32, #tpu.memory_space<hbm>>
    tpu.enqueue_indirect_dma source(%dma_start3A_38 : memref<100000xf32, #tpu.memory_space<hbm>>) target(%dma_start3A_34 : memref<512xf32, #tpu.memory_space<vmem>>) offsets(%dma_start3A_36 : memref<512xi32, #tpu.memory_space<vmem>>) semaphore(%arg31 : memref<!tpu.dma_semaphore, #tpu.memory_space<semaphore_mem>>)
    %broadcast_in_dim3A_39 = arith.constant 2 : i32
    %broadcast_in_dim3A_40 = vector.broadcast %broadcast_in_dim3A_39 : i32 to vector<16xi32>
    %scan3A_41 = arith.constant 0 : i32
    %scan3A_42 = arith.constant 0 : i32
    %scan3A_43 = arith.constant 32 : i32
    %scan3A_44 = arith.addi %scan3A_42, %scan3A_43 : i32
    %scan3A_45 = arith.constant 1 : i32
    scf.for %scan3A_412 = %scan3A_42 to %scan3A_44 step %scan3A_45  : i32 {
      %mul3A_413 = arith.constant 16 : i32
      %mul3A_414 = arith.muli %scan3A_412, %mul3A_413 : i32
      %add3A_415 = vector.broadcast %mul3A_414 : i32 to vector<16xi32>
      %add3A_416 = arith.addi %add3A_415, %iota3A : vector<16xi32>
      %gather3A = tpu.vector_load_idx %arg25[%broadcast_in_dim3A_40, %add3A_416] : memref<26x512xi32, #tpu.memory_space<vmem>>[vector<16xi32>, vector<16xi32>], vector<16xi32>,
      %mul3A_417 = arith.constant 16 : i32
      %mul3A_418 = arith.muli %scan3A_412, %mul3A_417 : i32
      %add3A_419 = arith.constant 1024 : i32
      %add3A_420 = arith.addi %add3A_419, %mul3A_418 : i32
      %swap3A = arith.index_cast %add3A_420 : i32 to index
      %swap3A_421 = tpu.vector_load %arg26[%swap3A] {strides = array<i32>} : memref<9728xi32, #tpu.memory_space<vmem>>, vector<16xi32>,
      tpu.vector_store %arg26[%swap3A], %gather3A {strides = array<i32>} : memref<9728xi32, #tpu.memory_space<vmem>>, vector<16xi32>,
    }
    %scan3A_46 = arith.constant 32 : i32
    %dma_start3A_47 = arith.constant 1024 : i32
    %dma_start3A_48 = tpu.memref_slice %arg27[%dma_start3A_47] : memref<9728xf32, #tpu.memory_space<vmem>> -> memref<512xf32, #tpu.memory_space<vmem>>
    %dma_start3A_49 = arith.constant 1024 : i32
    %dma_start3A_50 = tpu.memref_slice %arg26[%dma_start3A_49] : memref<9728xi32, #tpu.memory_space<vmem>> -> memref<512xi32, #tpu.memory_space<vmem>>
    %dma_start3A_51 = arith.constant 0 : i32
    %dma_start3A_52 = tpu.memref_slice %arg6[%dma_start3A_51] : memref<100000xf32, #tpu.memory_space<hbm>> -> memref<100000xf32, #tpu.memory_space<hbm>>
    tpu.enqueue_indirect_dma source(%dma_start3A_52 : memref<100000xf32, #tpu.memory_space<hbm>>) target(%dma_start3A_48 : memref<512xf32, #tpu.memory_space<vmem>>) offsets(%dma_start3A_50 : memref<512xi32, #tpu.memory_space<vmem>>) semaphore(%arg31 : memref<!tpu.dma_semaphore, #tpu.memory_space<semaphore_mem>>)
    %broadcast_in_dim3A_53 = arith.constant 3 : i32
    %broadcast_in_dim3A_54 = vector.broadcast %broadcast_in_dim3A_53 : i32 to vector<16xi32>
    %scan3A_55 = arith.constant 0 : i32
    %scan3A_56 = arith.constant 0 : i32
    %scan3A_57 = arith.constant 32 : i32
    %scan3A_58 = arith.addi %scan3A_56, %scan3A_57 : i32
    %scan3A_59 = arith.constant 1 : i32
    scf.for %scan3A_412 = %scan3A_56 to %scan3A_58 step %scan3A_59  : i32 {
      %mul3A_413 = arith.constant 16 : i32
      %mul3A_414 = arith.muli %scan3A_412, %mul3A_413 : i32
      %add3A_415 = vector.broadcast %mul3A_414 : i32 to vector<16xi32>
      %add3A_416 = arith.addi %add3A_415, %iota3A : vector<16xi32>
      %gather3A = tpu.vector_load_idx %arg25[%broadcast_in_dim3A_54, %add3A_416] : memref<26x512xi32, #tpu.memory_space<vmem>>[vector<16xi32>, vector<16xi32>], vector<16xi32>,
      %mul3A_417 = arith.constant 16 : i32
      %mul3A_418 = arith.muli %scan3A_412, %mul3A_417 : i32
      %add3A_419 = arith.constant 1536 : i32
      %add3A_420 = arith.addi %add3A_419, %mul3A_418 : i32
      %swap3A = arith.index_cast %add3A_420 : i32 to index
      %swap3A_421 = tpu.vector_load %arg26[%swap3A] {strides = array<i32>} : memref<9728xi32, #tpu.memory_space<vmem>>, vector<16xi32>,
      tpu.vector_store %arg26[%swap3A], %gather3A {strides = array<i32>} : memref<9728xi32, #tpu.memory_space<vmem>>, vector<16xi32>,
    }
    %scan3A_60 = arith.constant 32 : i32
    %dma_start3A_61 = arith.constant 1536 : i32
    %dma_start3A_62 = tpu.memref_slice %arg27[%dma_start3A_61] : memref<9728xf32, #tpu.memory_space<vmem>> -> memref<512xf32, #tpu.memory_space<vmem>>
    %dma_start3A_63 = arith.constant 1536 : i32
    %dma_start3A_64 = tpu.memref_slice %arg26[%dma_start3A_63] : memref<9728xi32, #tpu.memory_space<vmem>> -> memref<512xi32, #tpu.memory_space<vmem>>
    %dma_start3A_65 = arith.constant 0 : i32
    %dma_start3A_66 = tpu.memref_slice %arg7[%dma_start3A_65] : memref<100000xf32, #tpu.memory_space<hbm>> -> memref<100000xf32, #tpu.memory_space<hbm>>
    tpu.enqueue_indirect_dma source(%dma_start3A_66 : memref<100000xf32, #tpu.memory_space<hbm>>) target(%dma_start3A_62 : memref<512xf32, #tpu.memory_space<vmem>>) offsets(%dma_start3A_64 : memref<512xi32, #tpu.memory_space<vmem>>) semaphore(%arg31 : memref<!tpu.dma_semaphore, #tpu.memory_space<semaphore_mem>>)
    %broadcast_in_dim3A_67 = arith.constant 4 : i32
    %broadcast_in_dim3A_68 = vector.broadcast %broadcast_in_dim3A_67 : i32 to vector<16xi32>
    %scan3A_69 = arith.constant 0 : i32
    %scan3A_70 = arith.constant 0 : i32
    %scan3A_71 = arith.constant 32 : i32
    %scan3A_72 = arith.addi %scan3A_70, %scan3A_71 : i32
    %scan3A_73 = arith.constant 1 : i32
    scf.for %scan3A_412 = %scan3A_70 to %scan3A_72 step %scan3A_73  : i32 {
      %mul3A_413 = arith.constant 16 : i32
      %mul3A_414 = arith.muli %scan3A_412, %mul3A_413 : i32
      %add3A_415 = vector.broadcast %mul3A_414 : i32 to vector<16xi32>
      %add3A_416 = arith.addi %add3A_415, %iota3A : vector<16xi32>
      %gather3A = tpu.vector_load_idx %arg25[%broadcast_in_dim3A_68, %add3A_416] : memref<26x512xi32, #tpu.memory_space<vmem>>[vector<16xi32>, vector<16xi32>], vector<16xi32>,
      %mul3A_417 = arith.constant 16 : i32
      %mul3A_418 = arith.muli %scan3A_412, %mul3A_417 : i32
      %add3A_419 = arith.constant 2048 : i32
      %add3A_420 = arith.addi %add3A_419, %mul3A_418 : i32
      %swap3A = arith.index_cast %add3A_420 : i32 to index
      %swap3A_421 = tpu.vector_load %arg26[%swap3A] {strides = array<i32>} : memref<9728xi32, #tpu.memory_space<vmem>>, vector<16xi32>,
      tpu.vector_store %arg26[%swap3A], %gather3A {strides = array<i32>} : memref<9728xi32, #tpu.memory_space<vmem>>, vector<16xi32>,
    }
    %scan3A_74 = arith.constant 32 : i32
    %dma_start3A_75 = arith.constant 2048 : i32
    %dma_start3A_76 = tpu.memref_slice %arg27[%dma_start3A_75] : memref<9728xf32, #tpu.memory_space<vmem>> -> memref<512xf32, #tpu.memory_space<vmem>>
    %dma_start3A_77 = arith.constant 2048 : i32
    %dma_start3A_78 = tpu.memref_slice %arg26[%dma_start3A_77] : memref<9728xi32, #tpu.memory_space<vmem>> -> memref<512xi32, #tpu.memory_space<vmem>>
    %dma_start3A_79 = arith.constant 0 : i32
    %dma_start3A_80 = tpu.memref_slice %arg8[%dma_start3A_79] : memref<100000xf32, #tpu.memory_space<hbm>> -> memref<100000xf32, #tpu.memory_space<hbm>>
    tpu.enqueue_indirect_dma source(%dma_start3A_80 : memref<100000xf32, #tpu.memory_space<hbm>>) target(%dma_start3A_76 : memref<512xf32, #tpu.memory_space<vmem>>) offsets(%dma_start3A_78 : memref<512xi32, #tpu.memory_space<vmem>>) semaphore(%arg31 : memref<!tpu.dma_semaphore, #tpu.memory_space<semaphore_mem>>)
    %broadcast_in_dim3A_81 = arith.constant 5 : i32
    %broadcast_in_dim3A_82 = vector.broadcast %broadcast_in_dim3A_81 : i32 to vector<16xi32>
    %scan3A_83 = arith.constant 0 : i32
    %scan3A_84 = arith.constant 0 : i32
    %scan3A_85 = arith.constant 32 : i32
    %scan3A_86 = arith.addi %scan3A_84, %scan3A_85 : i32
    %scan3A_87 = arith.constant 1 : i32
    scf.for %scan3A_412 = %scan3A_84 to %scan3A_86 step %scan3A_87  : i32 {
      %mul3A_413 = arith.constant 16 : i32
      %mul3A_414 = arith.muli %scan3A_412, %mul3A_413 : i32
      %add3A_415 = vector.broadcast %mul3A_414 : i32 to vector<16xi32>
      %add3A_416 = arith.addi %add3A_415, %iota3A : vector<16xi32>
      %gather3A = tpu.vector_load_idx %arg25[%broadcast_in_dim3A_82, %add3A_416] : memref<26x512xi32, #tpu.memory_space<vmem>>[vector<16xi32>, vector<16xi32>], vector<16xi32>,
      %mul3A_417 = arith.constant 16 : i32
      %mul3A_418 = arith.muli %scan3A_412, %mul3A_417 : i32
      %add3A_419 = arith.constant 2560 : i32
      %add3A_420 = arith.addi %add3A_419, %mul3A_418 : i32
      %swap3A = arith.index_cast %add3A_420 : i32 to index
      %swap3A_421 = tpu.vector_load %arg26[%swap3A] {strides = array<i32>} : memref<9728xi32, #tpu.memory_space<vmem>>, vector<16xi32>,
      tpu.vector_store %arg26[%swap3A], %gather3A {strides = array<i32>} : memref<9728xi32, #tpu.memory_space<vmem>>, vector<16xi32>,
    }
    %scan3A_88 = arith.constant 32 : i32
    %dma_start3A_89 = arith.constant 2560 : i32
    %dma_start3A_90 = tpu.memref_slice %arg27[%dma_start3A_89] : memref<9728xf32, #tpu.memory_space<vmem>> -> memref<512xf32, #tpu.memory_space<vmem>>
    %dma_start3A_91 = arith.constant 2560 : i32
    %dma_start3A_92 = tpu.memref_slice %arg26[%dma_start3A_91] : memref<9728xi32, #tpu.memory_space<vmem>> -> memref<512xi32, #tpu.memory_space<vmem>>
    %dma_start3A_93 = arith.constant 0 : i32
    %dma_start3A_94 = tpu.memref_slice %arg9[%dma_start3A_93] : memref<100000xf32, #tpu.memory_space<hbm>> -> memref<100000xf32, #tpu.memory_space<hbm>>
    tpu.enqueue_indirect_dma source(%dma_start3A_94 : memref<100000xf32, #tpu.memory_space<hbm>>) target(%dma_start3A_90 : memref<512xf32, #tpu.memory_space<vmem>>) offsets(%dma_start3A_92 : memref<512xi32, #tpu.memory_space<vmem>>) semaphore(%arg31 : memref<!tpu.dma_semaphore, #tpu.memory_space<semaphore_mem>>)
    %broadcast_in_dim3A_95 = arith.constant 6 : i32
    %broadcast_in_dim3A_96 = vector.broadcast %broadcast_in_dim3A_95 : i32 to vector<16xi32>
    %scan3A_97 = arith.constant 0 : i32
    %scan3A_98 = arith.constant 0 : i32
    %scan3A_99 = arith.constant 32 : i32
    %scan3A_100 = arith.addi %scan3A_98, %scan3A_99 : i32
    %scan3A_101 = arith.constant 1 : i32
    scf.for %scan3A_412 = %scan3A_98 to %scan3A_100 step %scan3A_101  : i32 {
      %mul3A_413 = arith.constant 16 : i32
      %mul3A_414 = arith.muli %scan3A_412, %mul3A_413 : i32
      %add3A_415 = vector.broadcast %mul3A_414 : i32 to vector<16xi32>
      %add3A_416 = arith.addi %add3A_415, %iota3A : vector<16xi32>
      %gather3A = tpu.vector_load_idx %arg25[%broadcast_in_dim3A_96, %add3A_416] : memref<26x512xi32, #tpu.memory_space<vmem>>[vector<16xi32>, vector<16xi32>], vector<16xi32>,
      %mul3A_417 = arith.constant 16 : i32
      %mul3A_418 = arith.muli %scan3A_412, %mul3A_417 : i32
      %add3A_419 = arith.constant 3072 : i32
      %add3A_420 = arith.addi %add3A_419, %mul3A_418 : i32
      %swap3A = arith.index_cast %add3A_420 : i32 to index
      %swap3A_421 = tpu.vector_load %arg26[%swap3A] {strides = array<i32>} : memref<9728xi32, #tpu.memory_space<vmem>>, vector<16xi32>,
      tpu.vector_store %arg26[%swap3A], %gather3A {strides = array<i32>} : memref<9728xi32, #tpu.memory_space<vmem>>, vector<16xi32>,
    }
    %scan3A_102 = arith.constant 32 : i32
    %dma_start3A_103 = arith.constant 3072 : i32
    %dma_start3A_104 = tpu.memref_slice %arg27[%dma_start3A_103] : memref<9728xf32, #tpu.memory_space<vmem>> -> memref<512xf32, #tpu.memory_space<vmem>>
    %dma_start3A_105 = arith.constant 3072 : i32
    %dma_start3A_106 = tpu.memref_slice %arg26[%dma_start3A_105] : memref<9728xi32, #tpu.memory_space<vmem>> -> memref<512xi32, #tpu.memory_space<vmem>>
    %dma_start3A_107 = arith.constant 0 : i32
    %dma_start3A_108 = tpu.memref_slice %arg10[%dma_start3A_107] : memref<100000xf32, #tpu.memory_space<hbm>> -> memref<100000xf32, #tpu.memory_space<hbm>>
    tpu.enqueue_indirect_dma source(%dma_start3A_108 : memref<100000xf32, #tpu.memory_space<hbm>>) target(%dma_start3A_104 : memref<512xf32, #tpu.memory_space<vmem>>) offsets(%dma_start3A_106 : memref<512xi32, #tpu.memory_space<vmem>>) semaphore(%arg31 : memref<!tpu.dma_semaphore, #tpu.memory_space<semaphore_mem>>)
    %broadcast_in_dim3A_109 = arith.constant 7 : i32
    %broadcast_in_dim3A_110 = vector.broadcast %broadcast_in_dim3A_109 : i32 to vector<16xi32>
    %scan3A_111 = arith.constant 0 : i32
    %scan3A_112 = arith.constant 0 : i32
    %scan3A_113 = arith.constant 32 : i32
    %scan3A_114 = arith.addi %scan3A_112, %scan3A_113 : i32
    %scan3A_115 = arith.constant 1 : i32
    scf.for %scan3A_412 = %scan3A_112 to %scan3A_114 step %scan3A_115  : i32 {
      %mul3A_413 = arith.constant 16 : i32
      %mul3A_414 = arith.muli %scan3A_412, %mul3A_413 : i32
      %add3A_415 = vector.broadcast %mul3A_414 : i32 to vector<16xi32>
      %add3A_416 = arith.addi %add3A_415, %iota3A : vector<16xi32>
      %gather3A = tpu.vector_load_idx %arg25[%broadcast_in_dim3A_110, %add3A_416] : memref<26x512xi32, #tpu.memory_space<vmem>>[vector<16xi32>, vector<16xi32>], vector<16xi32>,
      %mul3A_417 = arith.constant 16 : i32
      %mul3A_418 = arith.muli %scan3A_412, %mul3A_417 : i32
      %add3A_419 = arith.constant 3584 : i32
      %add3A_420 = arith.addi %add3A_419, %mul3A_418 : i32
      %swap3A = arith.index_cast %add3A_420 : i32 to index
      %swap3A_421 = tpu.vector_load %arg26[%swap3A] {strides = array<i32>} : memref<9728xi32, #tpu.memory_space<vmem>>, vector<16xi32>,
      tpu.vector_store %arg26[%swap3A], %gather3A {strides = array<i32>} : memref<9728xi32, #tpu.memory_space<vmem>>, vector<16xi32>,
    }
    %scan3A_116 = arith.constant 32 : i32
    %dma_start3A_117 = arith.constant 3584 : i32
    %dma_start3A_118 = tpu.memref_slice %arg27[%dma_start3A_117] : memref<9728xf32, #tpu.memory_space<vmem>> -> memref<512xf32, #tpu.memory_space<vmem>>
    %dma_start3A_119 = arith.constant 3584 : i32
    %dma_start3A_120 = tpu.memref_slice %arg26[%dma_start3A_119] : memref<9728xi32, #tpu.memory_space<vmem>> -> memref<512xi32, #tpu.memory_space<vmem>>
    %dma_start3A_121 = arith.constant 0 : i32
    %dma_start3A_122 = tpu.memref_slice %arg11[%dma_start3A_121] : memref<100000xf32, #tpu.memory_space<hbm>> -> memref<100000xf32, #tpu.memory_space<hbm>>
    tpu.enqueue_indirect_dma source(%dma_start3A_122 : memref<100000xf32, #tpu.memory_space<hbm>>) target(%dma_start3A_118 : memref<512xf32, #tpu.memory_space<vmem>>) offsets(%dma_start3A_120 : memref<512xi32, #tpu.memory_space<vmem>>) semaphore(%arg31 : memref<!tpu.dma_semaphore, #tpu.memory_space<semaphore_mem>>)
    %broadcast_in_dim3A_123 = arith.constant 8 : i32
    %broadcast_in_dim3A_124 = vector.broadcast %broadcast_in_dim3A_123 : i32 to vector<16xi32>
    %scan3A_125 = arith.constant 0 : i32
    %scan3A_126 = arith.constant 0 : i32
    %scan3A_127 = arith.constant 32 : i32
    %scan3A_128 = arith.addi %scan3A_126, %scan3A_127 : i32
    %scan3A_129 = arith.constant 1 : i32
    scf.for %scan3A_412 = %scan3A_126 to %scan3A_128 step %scan3A_129  : i32 {
      %mul3A_413 = arith.constant 16 : i32
      %mul3A_414 = arith.muli %scan3A_412, %mul3A_413 : i32
      %add3A_415 = vector.broadcast %mul3A_414 : i32 to vector<16xi32>
      %add3A_416 = arith.addi %add3A_415, %iota3A : vector<16xi32>
      %gather3A = tpu.vector_load_idx %arg25[%broadcast_in_dim3A_124, %add3A_416] : memref<26x512xi32, #tpu.memory_space<vmem>>[vector<16xi32>, vector<16xi32>], vector<16xi32>,
      %mul3A_417 = arith.constant 16 : i32
      %mul3A_418 = arith.muli %scan3A_412, %mul3A_417 : i32
      %add3A_419 = arith.constant 4096 : i32
      %add3A_420 = arith.addi %add3A_419, %mul3A_418 : i32
      %swap3A = arith.index_cast %add3A_420 : i32 to index
      %swap3A_421 = tpu.vector_load %arg26[%swap3A] {strides = array<i32>} : memref<9728xi32, #tpu.memory_space<vmem>>, vector<16xi32>,
      tpu.vector_store %arg26[%swap3A], %gather3A {strides = array<i32>} : memref<9728xi32, #tpu.memory_space<vmem>>, vector<16xi32>,
    }
    %scan3A_130 = arith.constant 32 : i32
    %dma_start3A_131 = arith.constant 4096 : i32
    %dma_start3A_132 = tpu.memref_slice %arg27[%dma_start3A_131] : memref<9728xf32, #tpu.memory_space<vmem>> -> memref<512xf32, #tpu.memory_space<vmem>>
    %dma_start3A_133 = arith.constant 4096 : i32
    %dma_start3A_134 = tpu.memref_slice %arg26[%dma_start3A_133] : memref<9728xi32, #tpu.memory_space<vmem>> -> memref<512xi32, #tpu.memory_space<vmem>>
    %dma_start3A_135 = arith.constant 0 : i32
    %dma_start3A_136 = tpu.memref_slice %arg12[%dma_start3A_135] : memref<100000xf32, #tpu.memory_space<hbm>> -> memref<100000xf32, #tpu.memory_space<hbm>>
    tpu.enqueue_indirect_dma source(%dma_start3A_136 : memref<100000xf32, #tpu.memory_space<hbm>>) target(%dma_start3A_132 : memref<512xf32, #tpu.memory_space<vmem>>) offsets(%dma_start3A_134 : memref<512xi32, #tpu.memory_space<vmem>>) semaphore(%arg31 : memref<!tpu.dma_semaphore, #tpu.memory_space<semaphore_mem>>)
    %broadcast_in_dim3A_137 = arith.constant 9 : i32
    %broadcast_in_dim3A_138 = vector.broadcast %broadcast_in_dim3A_137 : i32 to vector<16xi32>
    %scan3A_139 = arith.constant 0 : i32
    %scan3A_140 = arith.constant 0 : i32
    %scan3A_141 = arith.constant 32 : i32
    %scan3A_142 = arith.addi %scan3A_140, %scan3A_141 : i32
    %scan3A_143 = arith.constant 1 : i32
    scf.for %scan3A_412 = %scan3A_140 to %scan3A_142 step %scan3A_143  : i32 {
      %mul3A_413 = arith.constant 16 : i32
      %mul3A_414 = arith.muli %scan3A_412, %mul3A_413 : i32
      %add3A_415 = vector.broadcast %mul3A_414 : i32 to vector<16xi32>
      %add3A_416 = arith.addi %add3A_415, %iota3A : vector<16xi32>
      %gather3A = tpu.vector_load_idx %arg25[%broadcast_in_dim3A_138, %add3A_416] : memref<26x512xi32, #tpu.memory_space<vmem>>[vector<16xi32>, vector<16xi32>], vector<16xi32>,
      %mul3A_417 = arith.constant 16 : i32
      %mul3A_418 = arith.muli %scan3A_412, %mul3A_417 : i32
      %add3A_419 = arith.constant 4608 : i32
      %add3A_420 = arith.addi %add3A_419, %mul3A_418 : i32
      %swap3A = arith.index_cast %add3A_420 : i32 to index
      %swap3A_421 = tpu.vector_load %arg26[%swap3A] {strides = array<i32>} : memref<9728xi32, #tpu.memory_space<vmem>>, vector<16xi32>,
      tpu.vector_store %arg26[%swap3A], %gather3A {strides = array<i32>} : memref<9728xi32, #tpu.memory_space<vmem>>, vector<16xi32>,
    }
    %scan3A_144 = arith.constant 32 : i32
    %dma_start3A_145 = arith.constant 4608 : i32
    %dma_start3A_146 = tpu.memref_slice %arg27[%dma_start3A_145] : memref<9728xf32, #tpu.memory_space<vmem>> -> memref<512xf32, #tpu.memory_space<vmem>>
    %dma_start3A_147 = arith.constant 4608 : i32
    %dma_start3A_148 = tpu.memref_slice %arg26[%dma_start3A_147] : memref<9728xi32, #tpu.memory_space<vmem>> -> memref<512xi32, #tpu.memory_space<vmem>>
    %dma_start3A_149 = arith.constant 0 : i32
    %dma_start3A_150 = tpu.memref_slice %arg13[%dma_start3A_149] : memref<100000xf32, #tpu.memory_space<hbm>> -> memref<100000xf32, #tpu.memory_space<hbm>>
    tpu.enqueue_indirect_dma source(%dma_start3A_150 : memref<100000xf32, #tpu.memory_space<hbm>>) target(%dma_start3A_146 : memref<512xf32, #tpu.memory_space<vmem>>) offsets(%dma_start3A_148 : memref<512xi32, #tpu.memory_space<vmem>>) semaphore(%arg31 : memref<!tpu.dma_semaphore, #tpu.memory_space<semaphore_mem>>)
    %broadcast_in_dim3A_151 = arith.constant 10 : i32
    %broadcast_in_dim3A_152 = vector.broadcast %broadcast_in_dim3A_151 : i32 to vector<16xi32>
    %scan3A_153 = arith.constant 0 : i32
    %scan3A_154 = arith.constant 0 : i32
    %scan3A_155 = arith.constant 32 : i32
    %scan3A_156 = arith.addi %scan3A_154, %scan3A_155 : i32
    %scan3A_157 = arith.constant 1 : i32
    scf.for %scan3A_412 = %scan3A_154 to %scan3A_156 step %scan3A_157  : i32 {
      %mul3A_413 = arith.constant 16 : i32
      %mul3A_414 = arith.muli %scan3A_412, %mul3A_413 : i32
      %add3A_415 = vector.broadcast %mul3A_414 : i32 to vector<16xi32>
      %add3A_416 = arith.addi %add3A_415, %iota3A : vector<16xi32>
      %gather3A = tpu.vector_load_idx %arg25[%broadcast_in_dim3A_152, %add3A_416] : memref<26x512xi32, #tpu.memory_space<vmem>>[vector<16xi32>, vector<16xi32>], vector<16xi32>,
      %mul3A_417 = arith.constant 16 : i32
      %mul3A_418 = arith.muli %scan3A_412, %mul3A_417 : i32
      %add3A_419 = arith.constant 5120 : i32
      %add3A_420 = arith.addi %add3A_419, %mul3A_418 : i32
      %swap3A = arith.index_cast %add3A_420 : i32 to index
      %swap3A_421 = tpu.vector_load %arg26[%swap3A] {strides = array<i32>} : memref<9728xi32, #tpu.memory_space<vmem>>, vector<16xi32>,
      tpu.vector_store %arg26[%swap3A], %gather3A {strides = array<i32>} : memref<9728xi32, #tpu.memory_space<vmem>>, vector<16xi32>,
    }
    %scan3A_158 = arith.constant 32 : i32
    %dma_start3A_159 = arith.constant 5120 : i32
    %dma_start3A_160 = tpu.memref_slice %arg27[%dma_start3A_159] : memref<9728xf32, #tpu.memory_space<vmem>> -> memref<512xf32, #tpu.memory_space<vmem>>
    %dma_start3A_161 = arith.constant 5120 : i32
    %dma_start3A_162 = tpu.memref_slice %arg26[%dma_start3A_161] : memref<9728xi32, #tpu.memory_space<vmem>> -> memref<512xi32, #tpu.memory_space<vmem>>
    %dma_start3A_163 = arith.constant 0 : i32
    %dma_start3A_164 = tpu.memref_slice %arg14[%dma_start3A_163] : memref<100000xf32, #tpu.memory_space<hbm>> -> memref<100000xf32, #tpu.memory_space<hbm>>
    tpu.enqueue_indirect_dma source(%dma_start3A_164 : memref<100000xf32, #tpu.memory_space<hbm>>) target(%dma_start3A_160 : memref<512xf32, #tpu.memory_space<vmem>>) offsets(%dma_start3A_162 : memref<512xi32, #tpu.memory_space<vmem>>) semaphore(%arg31 : memref<!tpu.dma_semaphore, #tpu.memory_space<semaphore_mem>>)
    %broadcast_in_dim3A_165 = arith.constant 11 : i32
    %broadcast_in_dim3A_166 = vector.broadcast %broadcast_in_dim3A_165 : i32 to vector<16xi32>
    %scan3A_167 = arith.constant 0 : i32
    %scan3A_168 = arith.constant 0 : i32
    %scan3A_169 = arith.constant 32 : i32
    %scan3A_170 = arith.addi %scan3A_168, %scan3A_169 : i32
    %scan3A_171 = arith.constant 1 : i32
    scf.for %scan3A_412 = %scan3A_168 to %scan3A_170 step %scan3A_171  : i32 {
      %mul3A_413 = arith.constant 16 : i32
      %mul3A_414 = arith.muli %scan3A_412, %mul3A_413 : i32
      %add3A_415 = vector.broadcast %mul3A_414 : i32 to vector<16xi32>
      %add3A_416 = arith.addi %add3A_415, %iota3A : vector<16xi32>
      %gather3A = tpu.vector_load_idx %arg25[%broadcast_in_dim3A_166, %add3A_416] : memref<26x512xi32, #tpu.memory_space<vmem>>[vector<16xi32>, vector<16xi32>], vector<16xi32>,
      %mul3A_417 = arith.constant 16 : i32
      %mul3A_418 = arith.muli %scan3A_412, %mul3A_417 : i32
      %add3A_419 = arith.constant 5632 : i32
      %add3A_420 = arith.addi %add3A_419, %mul3A_418 : i32
      %swap3A = arith.index_cast %add3A_420 : i32 to index
      %swap3A_421 = tpu.vector_load %arg26[%swap3A] {strides = array<i32>} : memref<9728xi32, #tpu.memory_space<vmem>>, vector<16xi32>,
      tpu.vector_store %arg26[%swap3A], %gather3A {strides = array<i32>} : memref<9728xi32, #tpu.memory_space<vmem>>, vector<16xi32>,
    }
    %scan3A_172 = arith.constant 32 : i32
    %dma_start3A_173 = arith.constant 5632 : i32
    %dma_start3A_174 = tpu.memref_slice %arg27[%dma_start3A_173] : memref<9728xf32, #tpu.memory_space<vmem>> -> memref<512xf32, #tpu.memory_space<vmem>>
    %dma_start3A_175 = arith.constant 5632 : i32
    %dma_start3A_176 = tpu.memref_slice %arg26[%dma_start3A_175] : memref<9728xi32, #tpu.memory_space<vmem>> -> memref<512xi32, #tpu.memory_space<vmem>>
    %dma_start3A_177 = arith.constant 0 : i32
    %dma_start3A_178 = tpu.memref_slice %arg15[%dma_start3A_177] : memref<100000xf32, #tpu.memory_space<hbm>> -> memref<100000xf32, #tpu.memory_space<hbm>>
    tpu.enqueue_indirect_dma source(%dma_start3A_178 : memref<100000xf32, #tpu.memory_space<hbm>>) target(%dma_start3A_174 : memref<512xf32, #tpu.memory_space<vmem>>) offsets(%dma_start3A_176 : memref<512xi32, #tpu.memory_space<vmem>>) semaphore(%arg31 : memref<!tpu.dma_semaphore, #tpu.memory_space<semaphore_mem>>)
    %broadcast_in_dim3A_179 = arith.constant 12 : i32
    %broadcast_in_dim3A_180 = vector.broadcast %broadcast_in_dim3A_179 : i32 to vector<16xi32>
    %scan3A_181 = arith.constant 0 : i32
    %scan3A_182 = arith.constant 0 : i32
    %scan3A_183 = arith.constant 32 : i32
    %scan3A_184 = arith.addi %scan3A_182, %scan3A_183 : i32
    %scan3A_185 = arith.constant 1 : i32
    scf.for %scan3A_412 = %scan3A_182 to %scan3A_184 step %scan3A_185  : i32 {
      %mul3A_413 = arith.constant 16 : i32
      %mul3A_414 = arith.muli %scan3A_412, %mul3A_413 : i32
      %add3A_415 = vector.broadcast %mul3A_414 : i32 to vector<16xi32>
      %add3A_416 = arith.addi %add3A_415, %iota3A : vector<16xi32>
      %gather3A = tpu.vector_load_idx %arg25[%broadcast_in_dim3A_180, %add3A_416] : memref<26x512xi32, #tpu.memory_space<vmem>>[vector<16xi32>, vector<16xi32>], vector<16xi32>,
      %mul3A_417 = arith.constant 16 : i32
      %mul3A_418 = arith.muli %scan3A_412, %mul3A_417 : i32
      %add3A_419 = arith.constant 6144 : i32
      %add3A_420 = arith.addi %add3A_419, %mul3A_418 : i32
      %swap3A = arith.index_cast %add3A_420 : i32 to index
      %swap3A_421 = tpu.vector_load %arg26[%swap3A] {strides = array<i32>} : memref<9728xi32, #tpu.memory_space<vmem>>, vector<16xi32>,
      tpu.vector_store %arg26[%swap3A], %gather3A {strides = array<i32>} : memref<9728xi32, #tpu.memory_space<vmem>>, vector<16xi32>,
    }
    %scan3A_186 = arith.constant 32 : i32
    %dma_start3A_187 = arith.constant 6144 : i32
    %dma_start3A_188 = tpu.memref_slice %arg27[%dma_start3A_187] : memref<9728xf32, #tpu.memory_space<vmem>> -> memref<512xf32, #tpu.memory_space<vmem>>
    %dma_start3A_189 = arith.constant 6144 : i32
    %dma_start3A_190 = tpu.memref_slice %arg26[%dma_start3A_189] : memref<9728xi32, #tpu.memory_space<vmem>> -> memref<512xi32, #tpu.memory_space<vmem>>
    %dma_start3A_191 = arith.constant 0 : i32
    %dma_start3A_192 = tpu.memref_slice %arg16[%dma_start3A_191] : memref<100000xf32, #tpu.memory_space<hbm>> -> memref<100000xf32, #tpu.memory_space<hbm>>
    tpu.enqueue_indirect_dma source(%dma_start3A_192 : memref<100000xf32, #tpu.memory_space<hbm>>) target(%dma_start3A_188 : memref<512xf32, #tpu.memory_space<vmem>>) offsets(%dma_start3A_190 : memref<512xi32, #tpu.memory_space<vmem>>) semaphore(%arg31 : memref<!tpu.dma_semaphore, #tpu.memory_space<semaphore_mem>>)
    %broadcast_in_dim3A_193 = arith.constant 20 : i32
    %broadcast_in_dim3A_194 = vector.broadcast %broadcast_in_dim3A_193 : i32 to vector<16xi32>
    %scan3A_195 = arith.constant 0 : i32
    %scan3A_196 = arith.constant 0 : i32
    %scan3A_197 = arith.constant 32 : i32
    %scan3A_198 = arith.addi %scan3A_196, %scan3A_197 : i32
    %scan3A_199 = arith.constant 1 : i32
    scf.for %scan3A_412 = %scan3A_196 to %scan3A_198 step %scan3A_199  : i32 {
      %mul3A_413 = arith.constant 16 : i32
      %mul3A_414 = arith.muli %scan3A_412, %mul3A_413 : i32
      %add3A_415 = vector.broadcast %mul3A_414 : i32 to vector<16xi32>
      %add3A_416 = arith.addi %add3A_415, %iota3A : vector<16xi32>
      %gather3A = tpu.vector_load_idx %arg25[%broadcast_in_dim3A_194, %add3A_416] : memref<26x512xi32, #tpu.memory_space<vmem>>[vector<16xi32>, vector<16xi32>], vector<16xi32>,
      %mul3A_417 = arith.constant 16 : i32
      %mul3A_418 = arith.muli %scan3A_412, %mul3A_417 : i32
      %add3A_419 = arith.constant 6656 : i32
      %add3A_420 = arith.addi %add3A_419, %mul3A_418 : i32
      %swap3A = arith.index_cast %add3A_420 : i32 to index
      %swap3A_421 = tpu.vector_load %arg26[%swap3A] {strides = array<i32>} : memref<9728xi32, #tpu.memory_space<vmem>>, vector<16xi32>,
      tpu.vector_store %arg26[%swap3A], %gather3A {strides = array<i32>} : memref<9728xi32, #tpu.memory_space<vmem>>, vector<16xi32>,
    }
    %scan3A_200 = arith.constant 32 : i32
    %dma_start3A_201 = arith.constant 6656 : i32
    %dma_start3A_202 = tpu.memref_slice %arg27[%dma_start3A_201] : memref<9728xf32, #tpu.memory_space<vmem>> -> memref<512xf32, #tpu.memory_space<vmem>>
    %dma_start3A_203 = arith.constant 6656 : i32
    %dma_start3A_204 = tpu.memref_slice %arg26[%dma_start3A_203] : memref<9728xi32, #tpu.memory_space<vmem>> -> memref<512xi32, #tpu.memory_space<vmem>>
    %dma_start3A_205 = arith.constant 0 : i32
    %dma_start3A_206 = tpu.memref_slice %arg17[%dma_start3A_205] : memref<100000xf32, #tpu.memory_space<hbm>> -> memref<100000xf32, #tpu.memory_space<hbm>>
    tpu.enqueue_indirect_dma source(%dma_start3A_206 : memref<100000xf32, #tpu.memory_space<hbm>>) target(%dma_start3A_202 : memref<512xf32, #tpu.memory_space<vmem>>) offsets(%dma_start3A_204 : memref<512xi32, #tpu.memory_space<vmem>>) semaphore(%arg31 : memref<!tpu.dma_semaphore, #tpu.memory_space<semaphore_mem>>)
    %broadcast_in_dim3A_207 = arith.constant 21 : i32
    %broadcast_in_dim3A_208 = vector.broadcast %broadcast_in_dim3A_207 : i32 to vector<16xi32>
    %scan3A_209 = arith.constant 0 : i32
    %scan3A_210 = arith.constant 0 : i32
    %scan3A_211 = arith.constant 32 : i32
    %scan3A_212 = arith.addi %scan3A_210, %scan3A_211 : i32
    %scan3A_213 = arith.constant 1 : i32
    scf.for %scan3A_412 = %scan3A_210 to %scan3A_212 step %scan3A_213  : i32 {
      %mul3A_413 = arith.constant 16 : i32
      %mul3A_414 = arith.muli %scan3A_412, %mul3A_413 : i32
      %add3A_415 = vector.broadcast %mul3A_414 : i32 to vector<16xi32>
      %add3A_416 = arith.addi %add3A_415, %iota3A : vector<16xi32>
      %gather3A = tpu.vector_load_idx %arg25[%broadcast_in_dim3A_208, %add3A_416] : memref<26x512xi32, #tpu.memory_space<vmem>>[vector<16xi32>, vector<16xi32>], vector<16xi32>,
      %mul3A_417 = arith.constant 16 : i32
      %mul3A_418 = arith.muli %scan3A_412, %mul3A_417 : i32
      %add3A_419 = arith.constant 7168 : i32
      %add3A_420 = arith.addi %add3A_419, %mul3A_418 : i32
      %swap3A = arith.index_cast %add3A_420 : i32 to index
      %swap3A_421 = tpu.vector_load %arg26[%swap3A] {strides = array<i32>} : memref<9728xi32, #tpu.memory_space<vmem>>, vector<16xi32>,
      tpu.vector_store %arg26[%swap3A], %gather3A {strides = array<i32>} : memref<9728xi32, #tpu.memory_space<vmem>>, vector<16xi32>,
    }
    %scan3A_214 = arith.constant 32 : i32
    %dma_start3A_215 = arith.constant 7168 : i32
    %dma_start3A_216 = tpu.memref_slice %arg27[%dma_start3A_215] : memref<9728xf32, #tpu.memory_space<vmem>> -> memref<512xf32, #tpu.memory_space<vmem>>
    %dma_start3A_217 = arith.constant 7168 : i32
    %dma_start3A_218 = tpu.memref_slice %arg26[%dma_start3A_217] : memref<9728xi32, #tpu.memory_space<vmem>> -> memref<512xi32, #tpu.memory_space<vmem>>
    %dma_start3A_219 = arith.constant 0 : i32
    %dma_start3A_220 = tpu.memref_slice %arg18[%dma_start3A_219] : memref<100000xf32, #tpu.memory_space<hbm>> -> memref<100000xf32, #tpu.memory_space<hbm>>
    tpu.enqueue_indirect_dma source(%dma_start3A_220 : memref<100000xf32, #tpu.memory_space<hbm>>) target(%dma_start3A_216 : memref<512xf32, #tpu.memory_space<vmem>>) offsets(%dma_start3A_218 : memref<512xi32, #tpu.memory_space<vmem>>) semaphore(%arg31 : memref<!tpu.dma_semaphore, #tpu.memory_space<semaphore_mem>>)
    %broadcast_in_dim3A_221 = arith.constant 22 : i32
    %broadcast_in_dim3A_222 = vector.broadcast %broadcast_in_dim3A_221 : i32 to vector<16xi32>
    %scan3A_223 = arith.constant 0 : i32
    %scan3A_224 = arith.constant 0 : i32
    %scan3A_225 = arith.constant 32 : i32
    %scan3A_226 = arith.addi %scan3A_224, %scan3A_225 : i32
    %scan3A_227 = arith.constant 1 : i32
    scf.for %scan3A_412 = %scan3A_224 to %scan3A_226 step %scan3A_227  : i32 {
      %mul3A_413 = arith.constant 16 : i32
      %mul3A_414 = arith.muli %scan3A_412, %mul3A_413 : i32
      %add3A_415 = vector.broadcast %mul3A_414 : i32 to vector<16xi32>
      %add3A_416 = arith.addi %add3A_415, %iota3A : vector<16xi32>
      %gather3A = tpu.vector_load_idx %arg25[%broadcast_in_dim3A_222, %add3A_416] : memref<26x512xi32, #tpu.memory_space<vmem>>[vector<16xi32>, vector<16xi32>], vector<16xi32>,
      %mul3A_417 = arith.constant 16 : i32
      %mul3A_418 = arith.muli %scan3A_412, %mul3A_417 : i32
      %add3A_419 = arith.constant 7680 : i32
      %add3A_420 = arith.addi %add3A_419, %mul3A_418 : i32
      %swap3A = arith.index_cast %add3A_420 : i32 to index
      %swap3A_421 = tpu.vector_load %arg26[%swap3A] {strides = array<i32>} : memref<9728xi32, #tpu.memory_space<vmem>>, vector<16xi32>,
      tpu.vector_store %arg26[%swap3A], %gather3A {strides = array<i32>} : memref<9728xi32, #tpu.memory_space<vmem>>, vector<16xi32>,
    }
    %scan3A_228 = arith.constant 32 : i32
    %dma_start3A_229 = arith.constant 7680 : i32
    %dma_start3A_230 = tpu.memref_slice %arg27[%dma_start3A_229] : memref<9728xf32, #tpu.memory_space<vmem>> -> memref<512xf32, #tpu.memory_space<vmem>>
    %dma_start3A_231 = arith.constant 7680 : i32
    %dma_start3A_232 = tpu.memref_slice %arg26[%dma_start3A_231] : memref<9728xi32, #tpu.memory_space<vmem>> -> memref<512xi32, #tpu.memory_space<vmem>>
    %dma_start3A_233 = arith.constant 0 : i32
    %dma_start3A_234 = tpu.memref_slice %arg19[%dma_start3A_233] : memref<100000xf32, #tpu.memory_space<hbm>> -> memref<100000xf32, #tpu.memory_space<hbm>>
    tpu.enqueue_indirect_dma source(%dma_start3A_234 : memref<100000xf32, #tpu.memory_space<hbm>>) target(%dma_start3A_230 : memref<512xf32, #tpu.memory_space<vmem>>) offsets(%dma_start3A_232 : memref<512xi32, #tpu.memory_space<vmem>>) semaphore(%arg31 : memref<!tpu.dma_semaphore, #tpu.memory_space<semaphore_mem>>)
    %broadcast_in_dim3A_235 = arith.constant 23 : i32
    %broadcast_in_dim3A_236 = vector.broadcast %broadcast_in_dim3A_235 : i32 to vector<16xi32>
    %scan3A_237 = arith.constant 0 : i32
    %scan3A_238 = arith.constant 0 : i32
    %scan3A_239 = arith.constant 32 : i32
    %scan3A_240 = arith.addi %scan3A_238, %scan3A_239 : i32
    %scan3A_241 = arith.constant 1 : i32
    scf.for %scan3A_412 = %scan3A_238 to %scan3A_240 step %scan3A_241  : i32 {
      %mul3A_413 = arith.constant 16 : i32
      %mul3A_414 = arith.muli %scan3A_412, %mul3A_413 : i32
      %add3A_415 = vector.broadcast %mul3A_414 : i32 to vector<16xi32>
      %add3A_416 = arith.addi %add3A_415, %iota3A : vector<16xi32>
      %gather3A = tpu.vector_load_idx %arg25[%broadcast_in_dim3A_236, %add3A_416] : memref<26x512xi32, #tpu.memory_space<vmem>>[vector<16xi32>, vector<16xi32>], vector<16xi32>,
      %mul3A_417 = arith.constant 16 : i32
      %mul3A_418 = arith.muli %scan3A_412, %mul3A_417 : i32
      %add3A_419 = arith.constant 8192 : i32
      %add3A_420 = arith.addi %add3A_419, %mul3A_418 : i32
      %swap3A = arith.index_cast %add3A_420 : i32 to index
      %swap3A_421 = tpu.vector_load %arg26[%swap3A] {strides = array<i32>} : memref<9728xi32, #tpu.memory_space<vmem>>, vector<16xi32>,
      tpu.vector_store %arg26[%swap3A], %gather3A {strides = array<i32>} : memref<9728xi32, #tpu.memory_space<vmem>>, vector<16xi32>,
    }
    %scan3A_242 = arith.constant 32 : i32
    %dma_start3A_243 = arith.constant 8192 : i32
    %dma_start3A_244 = tpu.memref_slice %arg27[%dma_start3A_243] : memref<9728xf32, #tpu.memory_space<vmem>> -> memref<512xf32, #tpu.memory_space<vmem>>
    %dma_start3A_245 = arith.constant 8192 : i32
    %dma_start3A_246 = tpu.memref_slice %arg26[%dma_start3A_245] : memref<9728xi32, #tpu.memory_space<vmem>> -> memref<512xi32, #tpu.memory_space<vmem>>
    %dma_start3A_247 = arith.constant 0 : i32
    %dma_start3A_248 = tpu.memref_slice %arg20[%dma_start3A_247] : memref<100000xf32, #tpu.memory_space<hbm>> -> memref<100000xf32, #tpu.memory_space<hbm>>
    tpu.enqueue_indirect_dma source(%dma_start3A_248 : memref<100000xf32, #tpu.memory_space<hbm>>) target(%dma_start3A_244 : memref<512xf32, #tpu.memory_space<vmem>>) offsets(%dma_start3A_246 : memref<512xi32, #tpu.memory_space<vmem>>) semaphore(%arg31 : memref<!tpu.dma_semaphore, #tpu.memory_space<semaphore_mem>>)
    %broadcast_in_dim3A_249 = arith.constant 24 : i32
    %broadcast_in_dim3A_250 = vector.broadcast %broadcast_in_dim3A_249 : i32 to vector<16xi32>
    %scan3A_251 = arith.constant 0 : i32
    %scan3A_252 = arith.constant 0 : i32
    %scan3A_253 = arith.constant 32 : i32
    %scan3A_254 = arith.addi %scan3A_252, %scan3A_253 : i32
    %scan3A_255 = arith.constant 1 : i32
    scf.for %scan3A_412 = %scan3A_252 to %scan3A_254 step %scan3A_255  : i32 {
      %mul3A_413 = arith.constant 16 : i32
      %mul3A_414 = arith.muli %scan3A_412, %mul3A_413 : i32
      %add3A_415 = vector.broadcast %mul3A_414 : i32 to vector<16xi32>
      %add3A_416 = arith.addi %add3A_415, %iota3A : vector<16xi32>
      %gather3A = tpu.vector_load_idx %arg25[%broadcast_in_dim3A_250, %add3A_416] : memref<26x512xi32, #tpu.memory_space<vmem>>[vector<16xi32>, vector<16xi32>], vector<16xi32>,
      %mul3A_417 = arith.constant 16 : i32
      %mul3A_418 = arith.muli %scan3A_412, %mul3A_417 : i32
      %add3A_419 = arith.constant 8704 : i32
      %add3A_420 = arith.addi %add3A_419, %mul3A_418 : i32
      %swap3A = arith.index_cast %add3A_420 : i32 to index
      %swap3A_421 = tpu.vector_load %arg26[%swap3A] {strides = array<i32>} : memref<9728xi32, #tpu.memory_space<vmem>>, vector<16xi32>,
      tpu.vector_store %arg26[%swap3A], %gather3A {strides = array<i32>} : memref<9728xi32, #tpu.memory_space<vmem>>, vector<16xi32>,
    }
    %scan3A_256 = arith.constant 32 : i32
    %dma_start3A_257 = arith.constant 8704 : i32
    %dma_start3A_258 = tpu.memref_slice %arg27[%dma_start3A_257] : memref<9728xf32, #tpu.memory_space<vmem>> -> memref<512xf32, #tpu.memory_space<vmem>>
    %dma_start3A_259 = arith.constant 8704 : i32
    %dma_start3A_260 = tpu.memref_slice %arg26[%dma_start3A_259] : memref<9728xi32, #tpu.memory_space<vmem>> -> memref<512xi32, #tpu.memory_space<vmem>>
    %dma_start3A_261 = arith.constant 0 : i32
    %dma_start3A_262 = tpu.memref_slice %arg21[%dma_start3A_261] : memref<100000xf32, #tpu.memory_space<hbm>> -> memref<100000xf32, #tpu.memory_space<hbm>>
    tpu.enqueue_indirect_dma source(%dma_start3A_262 : memref<100000xf32, #tpu.memory_space<hbm>>) target(%dma_start3A_258 : memref<512xf32, #tpu.memory_space<vmem>>) offsets(%dma_start3A_260 : memref<512xi32, #tpu.memory_space<vmem>>) semaphore(%arg31 : memref<!tpu.dma_semaphore, #tpu.memory_space<semaphore_mem>>)
    %broadcast_in_dim3A_263 = arith.constant 25 : i32
    %broadcast_in_dim3A_264 = vector.broadcast %broadcast_in_dim3A_263 : i32 to vector<16xi32>
    %scan3A_265 = arith.constant 0 : i32
    %scan3A_266 = arith.constant 0 : i32
    %scan3A_267 = arith.constant 32 : i32
    %scan3A_268 = arith.addi %scan3A_266, %scan3A_267 : i32
    %scan3A_269 = arith.constant 1 : i32
    scf.for %scan3A_412 = %scan3A_266 to %scan3A_268 step %scan3A_269  : i32 {
      %mul3A_413 = arith.constant 16 : i32
      %mul3A_414 = arith.muli %scan3A_412, %mul3A_413 : i32
      %add3A_415 = vector.broadcast %mul3A_414 : i32 to vector<16xi32>
      %add3A_416 = arith.addi %add3A_415, %iota3A : vector<16xi32>
      %gather3A = tpu.vector_load_idx %arg25[%broadcast_in_dim3A_264, %add3A_416] : memref<26x512xi32, #tpu.memory_space<vmem>>[vector<16xi32>, vector<16xi32>], vector<16xi32>,
      %mul3A_417 = arith.constant 16 : i32
      %mul3A_418 = arith.muli %scan3A_412, %mul3A_417 : i32
      %add3A_419 = arith.constant 9216 : i32
      %add3A_420 = arith.addi %add3A_419, %mul3A_418 : i32
      %swap3A = arith.index_cast %add3A_420 : i32 to index
      %swap3A_421 = tpu.vector_load %arg26[%swap3A] {strides = array<i32>} : memref<9728xi32, #tpu.memory_space<vmem>>, vector<16xi32>,
      tpu.vector_store %arg26[%swap3A], %gather3A {strides = array<i32>} : memref<9728xi32, #tpu.memory_space<vmem>>, vector<16xi32>,
    }
    %scan3A_270 = arith.constant 32 : i32
    %dma_start3A_271 = arith.constant 9216 : i32
    %dma_start3A_272 = tpu.memref_slice %arg27[%dma_start3A_271] : memref<9728xf32, #tpu.memory_space<vmem>> -> memref<512xf32, #tpu.memory_space<vmem>>
    %dma_start3A_273 = arith.constant 9216 : i32
    %dma_start3A_274 = tpu.memref_slice %arg26[%dma_start3A_273] : memref<9728xi32, #tpu.memory_space<vmem>> -> memref<512xi32, #tpu.memory_space<vmem>>
    %dma_start3A_275 = arith.constant 0 : i32
    %dma_start3A_276 = tpu.memref_slice %arg22[%dma_start3A_275] : memref<100000xf32, #tpu.memory_space<hbm>> -> memref<100000xf32, #tpu.memory_space<hbm>>
    tpu.enqueue_indirect_dma source(%dma_start3A_276 : memref<100000xf32, #tpu.memory_space<hbm>>) target(%dma_start3A_272 : memref<512xf32, #tpu.memory_space<vmem>>) offsets(%dma_start3A_274 : memref<512xi32, #tpu.memory_space<vmem>>) semaphore(%arg31 : memref<!tpu.dma_semaphore, #tpu.memory_space<semaphore_mem>>)
    %dma_wait3A_277 = arith.constant 0 : i32
    %dma_wait3A_278 = tpu.memref_slice %arg3[%dma_wait3A_277, %mul3A_2] : memref<13x16384xf32, #tpu.memory_space<hbm>> -> memref<13x512xf32, #tpu.memory_space<hbm>>
    %dma_wait3A_279 = arith.constant 0 : i32
    %dma_wait3A_280 = tpu.memref_slice %arg3[%dma_wait3A_279, %mul3A_2] : memref<13x16384xf32, #tpu.memory_space<hbm>> -> memref<13x512xf32, #tpu.memory_space<hbm>>
    tpu.wait_dma2 semaphore(%arg33 : memref<!tpu.dma_semaphore, #tpu.memory_space<semaphore_mem>>) src(%dma_wait3A_280 : memref<13x512xf32, #tpu.memory_space<hbm>>) dst(%arg28 : memref<13x512xf32, #tpu.memory_space<vmem>>)
    tpu.wait_dma2 semaphore(%arg33 : memref<!tpu.dma_semaphore, #tpu.memory_space<semaphore_mem>>) src(%arg23 : memref<16xf32, #tpu.memory_space<hbm>>) dst(%arg29 : memref<16xf32, #tpu.memory_space<vmem>>)
    %get3A = arith.constant 0 : index
    %get3A_281 = tpu.vector_load %arg29[%get3A] {strides = array<i32>} : memref<16xf32, #tpu.memory_space<vmem>>, vector<16xf32>,
    %scan3A_282 = arith.constant 0 : i32
    %scan3A_283 = arith.constant 0 : i32
    %scan3A_284 = arith.constant 32 : i32
    %scan3A_285 = arith.addi %scan3A_283, %scan3A_284 : i32
    %scan3A_286 = arith.constant 1 : i32
    scf.for %scan3A_412 = %scan3A_283 to %scan3A_285 step %scan3A_286  : i32 {
      %mul3A_413 = arith.constant 16 : i32
      %mul3A_414 = arith.muli %scan3A_412, %mul3A_413 : i32
      %add3A_415 = vector.broadcast %mul3A_414 : i32 to vector<16xi32>
      %add3A_416 = arith.addi %add3A_415, %iota3A : vector<16xi32>
      %broadcast_in_dim3A_417 = arith.constant 0.000000e+00 : f32
      %broadcast_in_dim3A_418 = vector.broadcast %broadcast_in_dim3A_417 : f32 to vector<16xf32>
      %broadcast_in_dim3A_419 = arith.constant 0 : i32
      %broadcast_in_dim3A_420 = vector.broadcast %broadcast_in_dim3A_419 : i32 to vector<16xi32>
      %gather3A = tpu.vector_load_idx %arg28[%broadcast_in_dim3A_420, %add3A_416] : memref<13x512xf32, #tpu.memory_space<vmem>>[vector<16xi32>, vector<16xi32>], vector<16xf32>,
      %slice3A = vector.extract_strided_slice %get3A_281 {offsets = [0], sizes = [1], strides = [1]} : vector<16xf32> to vector<1xf32>
      %squeeze3A = vector.extract %slice3A[0] : f32 from vector<1xf32>
      %mul3A_421 = vector.broadcast %squeeze3A : f32 to vector<16xf32>
      %mul3A_422 = arith.mulf %gather3A, %mul3A_421 : vector<16xf32>
      %add3A_423 = arith.addf %broadcast_in_dim3A_418, %mul3A_422 : vector<16xf32>
      %broadcast_in_dim3A_424 = arith.constant 1 : i32
      %broadcast_in_dim3A_425 = vector.broadcast %broadcast_in_dim3A_424 : i32 to vector<16xi32>
      %gather3A_426 = tpu.vector_load_idx %arg28[%broadcast_in_dim3A_425, %add3A_416] : memref<13x512xf32, #tpu.memory_space<vmem>>[vector<16xi32>, vector<16xi32>], vector<16xf32>,
      %slice3A_427 = vector.extract_strided_slice %get3A_281 {offsets = [1], sizes = [1], strides = [1]} : vector<16xf32> to vector<1xf32>
      %squeeze3A_428 = vector.extract %slice3A_427[0] : f32 from vector<1xf32>
      %mul3A_429 = vector.broadcast %squeeze3A_428 : f32 to vector<16xf32>
      %mul3A_430 = arith.mulf %gather3A_426, %mul3A_429 : vector<16xf32>
      %add3A_431 = arith.addf %add3A_423, %mul3A_430 : vector<16xf32>
      %broadcast_in_dim3A_432 = arith.constant 2 : i32
      %broadcast_in_dim3A_433 = vector.broadcast %broadcast_in_dim3A_432 : i32 to vector<16xi32>
      %gather3A_434 = tpu.vector_load_idx %arg28[%broadcast_in_dim3A_433, %add3A_416] : memref<13x512xf32, #tpu.memory_space<vmem>>[vector<16xi32>, vector<16xi32>], vector<16xf32>,
      %slice3A_435 = vector.extract_strided_slice %get3A_281 {offsets = [2], sizes = [1], strides = [1]} : vector<16xf32> to vector<1xf32>
      %squeeze3A_436 = vector.extract %slice3A_435[0] : f32 from vector<1xf32>
      %mul3A_437 = vector.broadcast %squeeze3A_436 : f32 to vector<16xf32>
      %mul3A_438 = arith.mulf %gather3A_434, %mul3A_437 : vector<16xf32>
      %add3A_439 = arith.addf %add3A_431, %mul3A_438 : vector<16xf32>
      %broadcast_in_dim3A_440 = arith.constant 3 : i32
      %broadcast_in_dim3A_441 = vector.broadcast %broadcast_in_dim3A_440 : i32 to vector<16xi32>
      %gather3A_442 = tpu.vector_load_idx %arg28[%broadcast_in_dim3A_441, %add3A_416] : memref<13x512xf32, #tpu.memory_space<vmem>>[vector<16xi32>, vector<16xi32>], vector<16xf32>,
      %slice3A_443 = vector.extract_strided_slice %get3A_281 {offsets = [3], sizes = [1], strides = [1]} : vector<16xf32> to vector<1xf32>
      %squeeze3A_444 = vector.extract %slice3A_443[0] : f32 from vector<1xf32>
      %mul3A_445 = vector.broadcast %squeeze3A_444 : f32 to vector<16xf32>
      %mul3A_446 = arith.mulf %gather3A_442, %mul3A_445 : vector<16xf32>
      %add3A_447 = arith.addf %add3A_439, %mul3A_446 : vector<16xf32>
      %broadcast_in_dim3A_448 = arith.constant 4 : i32
      %broadcast_in_dim3A_449 = vector.broadcast %broadcast_in_dim3A_448 : i32 to vector<16xi32>
      %gather3A_450 = tpu.vector_load_idx %arg28[%broadcast_in_dim3A_449, %add3A_416] : memref<13x512xf32, #tpu.memory_space<vmem>>[vector<16xi32>, vector<16xi32>], vector<16xf32>,
      %slice3A_451 = vector.extract_strided_slice %get3A_281 {offsets = [4], sizes = [1], strides = [1]} : vector<16xf32> to vector<1xf32>
      %squeeze3A_452 = vector.extract %slice3A_451[0] : f32 from vector<1xf32>
      %mul3A_453 = vector.broadcast %squeeze3A_452 : f32 to vector<16xf32>
      %mul3A_454 = arith.mulf %gather3A_450, %mul3A_453 : vector<16xf32>
      %add3A_455 = arith.addf %add3A_447, %mul3A_454 : vector<16xf32>
      %broadcast_in_dim3A_456 = arith.constant 5 : i32
      %broadcast_in_dim3A_457 = vector.broadcast %broadcast_in_dim3A_456 : i32 to vector<16xi32>
      %gather3A_458 = tpu.vector_load_idx %arg28[%broadcast_in_dim3A_457, %add3A_416] : memref<13x512xf32, #tpu.memory_space<vmem>>[vector<16xi32>, vector<16xi32>], vector<16xf32>,
      %slice3A_459 = vector.extract_strided_slice %get3A_281 {offsets = [5], sizes = [1], strides = [1]} : vector<16xf32> to vector<1xf32>
      %squeeze3A_460 = vector.extract %slice3A_459[0] : f32 from vector<1xf32>
      %mul3A_461 = vector.broadcast %squeeze3A_460 : f32 to vector<16xf32>
      %mul3A_462 = arith.mulf %gather3A_458, %mul3A_461 : vector<16xf32>
      %add3A_463 = arith.addf %add3A_455, %mul3A_462 : vector<16xf32>
      %broadcast_in_dim3A_464 = arith.constant 6 : i32
      %broadcast_in_dim3A_465 = vector.broadcast %broadcast_in_dim3A_464 : i32 to vector<16xi32>
      %gather3A_466 = tpu.vector_load_idx %arg28[%broadcast_in_dim3A_465, %add3A_416] : memref<13x512xf32, #tpu.memory_space<vmem>>[vector<16xi32>, vector<16xi32>], vector<16xf32>,
      %slice3A_467 = vector.extract_strided_slice %get3A_281 {offsets = [6], sizes = [1], strides = [1]} : vector<16xf32> to vector<1xf32>
      %squeeze3A_468 = vector.extract %slice3A_467[0] : f32 from vector<1xf32>
      %mul3A_469 = vector.broadcast %squeeze3A_468 : f32 to vector<16xf32>
      %mul3A_470 = arith.mulf %gather3A_466, %mul3A_469 : vector<16xf32>
      %add3A_471 = arith.addf %add3A_463, %mul3A_470 : vector<16xf32>
      %broadcast_in_dim3A_472 = arith.constant 7 : i32
      %broadcast_in_dim3A_473 = vector.broadcast %broadcast_in_dim3A_472 : i32 to vector<16xi32>
      %gather3A_474 = tpu.vector_load_idx %arg28[%broadcast_in_dim3A_473, %add3A_416] : memref<13x512xf32, #tpu.memory_space<vmem>>[vector<16xi32>, vector<16xi32>], vector<16xf32>,
      %slice3A_475 = vector.extract_strided_slice %get3A_281 {offsets = [7], sizes = [1], strides = [1]} : vector<16xf32> to vector<1xf32>
      %squeeze3A_476 = vector.extract %slice3A_475[0] : f32 from vector<1xf32>
      %mul3A_477 = vector.broadcast %squeeze3A_476 : f32 to vector<16xf32>
      %mul3A_478 = arith.mulf %gather3A_474, %mul3A_477 : vector<16xf32>
      %add3A_479 = arith.addf %add3A_471, %mul3A_478 : vector<16xf32>
      %broadcast_in_dim3A_480 = arith.constant 8 : i32
      %broadcast_in_dim3A_481 = vector.broadcast %broadcast_in_dim3A_480 : i32 to vector<16xi32>
      %gather3A_482 = tpu.vector_load_idx %arg28[%broadcast_in_dim3A_481, %add3A_416] : memref<13x512xf32, #tpu.memory_space<vmem>>[vector<16xi32>, vector<16xi32>], vector<16xf32>,
      %slice3A_483 = vector.extract_strided_slice %get3A_281 {offsets = [8], sizes = [1], strides = [1]} : vector<16xf32> to vector<1xf32>
      %squeeze3A_484 = vector.extract %slice3A_483[0] : f32 from vector<1xf32>
      %mul3A_485 = vector.broadcast %squeeze3A_484 : f32 to vector<16xf32>
      %mul3A_486 = arith.mulf %gather3A_482, %mul3A_485 : vector<16xf32>
      %add3A_487 = arith.addf %add3A_479, %mul3A_486 : vector<16xf32>
      %broadcast_in_dim3A_488 = arith.constant 9 : i32
      %broadcast_in_dim3A_489 = vector.broadcast %broadcast_in_dim3A_488 : i32 to vector<16xi32>
      %gather3A_490 = tpu.vector_load_idx %arg28[%broadcast_in_dim3A_489, %add3A_416] : memref<13x512xf32, #tpu.memory_space<vmem>>[vector<16xi32>, vector<16xi32>], vector<16xf32>,
      %slice3A_491 = vector.extract_strided_slice %get3A_281 {offsets = [9], sizes = [1], strides = [1]} : vector<16xf32> to vector<1xf32>
      %squeeze3A_492 = vector.extract %slice3A_491[0] : f32 from vector<1xf32>
      %mul3A_493 = vector.broadcast %squeeze3A_492 : f32 to vector<16xf32>
      %mul3A_494 = arith.mulf %gather3A_490, %mul3A_493 : vector<16xf32>
      %add3A_495 = arith.addf %add3A_487, %mul3A_494 : vector<16xf32>
      %broadcast_in_dim3A_496 = arith.constant 10 : i32
      %broadcast_in_dim3A_497 = vector.broadcast %broadcast_in_dim3A_496 : i32 to vector<16xi32>
      %gather3A_498 = tpu.vector_load_idx %arg28[%broadcast_in_dim3A_497, %add3A_416] : memref<13x512xf32, #tpu.memory_space<vmem>>[vector<16xi32>, vector<16xi32>], vector<16xf32>,
      %slice3A_499 = vector.extract_strided_slice %get3A_281 {offsets = [10], sizes = [1], strides = [1]} : vector<16xf32> to vector<1xf32>
      %squeeze3A_500 = vector.extract %slice3A_499[0] : f32 from vector<1xf32>
      %mul3A_501 = vector.broadcast %squeeze3A_500 : f32 to vector<16xf32>
      %mul3A_502 = arith.mulf %gather3A_498, %mul3A_501 : vector<16xf32>
      %add3A_503 = arith.addf %add3A_495, %mul3A_502 : vector<16xf32>
      %broadcast_in_dim3A_504 = arith.constant 11 : i32
      %broadcast_in_dim3A_505 = vector.broadcast %broadcast_in_dim3A_504 : i32 to vector<16xi32>
      %gather3A_506 = tpu.vector_load_idx %arg28[%broadcast_in_dim3A_505, %add3A_416] : memref<13x512xf32, #tpu.memory_space<vmem>>[vector<16xi32>, vector<16xi32>], vector<16xf32>,
      %slice3A_507 = vector.extract_strided_slice %get3A_281 {offsets = [11], sizes = [1], strides = [1]} : vector<16xf32> to vector<1xf32>
      %squeeze3A_508 = vector.extract %slice3A_507[0] : f32 from vector<1xf32>
      %mul3A_509 = vector.broadcast %squeeze3A_508 : f32 to vector<16xf32>
      %mul3A_510 = arith.mulf %gather3A_506, %mul3A_509 : vector<16xf32>
      %add3A_511 = arith.addf %add3A_503, %mul3A_510 : vector<16xf32>
      %broadcast_in_dim3A_512 = arith.constant 12 : i32
      %broadcast_in_dim3A_513 = vector.broadcast %broadcast_in_dim3A_512 : i32 to vector<16xi32>
      %gather3A_514 = tpu.vector_load_idx %arg28[%broadcast_in_dim3A_513, %add3A_416] : memref<13x512xf32, #tpu.memory_space<vmem>>[vector<16xi32>, vector<16xi32>], vector<16xf32>,
      %slice3A_515 = vector.extract_strided_slice %get3A_281 {offsets = [12], sizes = [1], strides = [1]} : vector<16xf32> to vector<1xf32>
      %squeeze3A_516 = vector.extract %slice3A_515[0] : f32 from vector<1xf32>
      %mul3A_517 = vector.broadcast %squeeze3A_516 : f32 to vector<16xf32>
      %mul3A_518 = arith.mulf %gather3A_514, %mul3A_517 : vector<16xf32>
      %add3A_519 = arith.addf %add3A_511, %mul3A_518 : vector<16xf32>
      %swap3A = arith.index_cast %mul3A_414 : i32 to index
      %swap3A_520 = tpu.vector_load %arg30[%swap3A] {strides = array<i32>} : memref<512xf32, #tpu.memory_space<vmem>>, vector<16xf32>,
      tpu.vector_store %arg30[%swap3A], %add3A_519 {strides = array<i32>} : memref<512xf32, #tpu.memory_space<vmem>>, vector<16xf32>,
    }
    %scan3A_287 = arith.constant 32 : i32
    %dma_wait3A_288 = arith.constant 0 : i32
    %dma_wait3A_289 = tpu.memref_slice %arg27[%dma_wait3A_288] : memref<9728xf32, #tpu.memory_space<vmem>> -> memref<512xf32, #tpu.memory_space<vmem>>
    %dma_wait3A_290 = arith.constant 0 : i32
    %dma_wait3A_291 = tpu.memref_slice %arg26[%dma_wait3A_290] : memref<9728xi32, #tpu.memory_space<vmem>> -> memref<512xi32, #tpu.memory_space<vmem>>
    %dma_wait3A_292 = arith.constant 0 : i32
    %dma_wait3A_293 = tpu.memref_slice %arg4[%dma_wait3A_292] : memref<100000xf32, #tpu.memory_space<hbm>> -> memref<100000xf32, #tpu.memory_space<hbm>>
    tpu.wait_indirect_dma semaphore(%arg31 : memref<!tpu.dma_semaphore, #tpu.memory_space<semaphore_mem>>) src(%dma_wait3A_293 : memref<100000xf32, #tpu.memory_space<hbm>>) dst(%dma_wait3A_289 : memref<512xf32, #tpu.memory_space<vmem>>)
    %dma_wait3A_294 = arith.constant 512 : i32
    %dma_wait3A_295 = tpu.memref_slice %arg27[%dma_wait3A_294] : memref<9728xf32, #tpu.memory_space<vmem>> -> memref<512xf32, #tpu.memory_space<vmem>>
    %dma_wait3A_296 = arith.constant 512 : i32
    %dma_wait3A_297 = tpu.memref_slice %arg26[%dma_wait3A_296] : memref<9728xi32, #tpu.memory_space<vmem>> -> memref<512xi32, #tpu.memory_space<vmem>>
    %dma_wait3A_298 = arith.constant 0 : i32
    %dma_wait3A_299 = tpu.memref_slice %arg5[%dma_wait3A_298] : memref<100000xf32, #tpu.memory_space<hbm>> -> memref<100000xf32, #tpu.memory_space<hbm>>
    tpu.wait_indirect_dma semaphore(%arg31 : memref<!tpu.dma_semaphore, #tpu.memory_space<semaphore_mem>>) src(%dma_wait3A_299 : memref<100000xf32, #tpu.memory_space<hbm>>) dst(%dma_wait3A_295 : memref<512xf32, #tpu.memory_space<vmem>>)
    %dma_wait3A_300 = arith.constant 1024 : i32
    %dma_wait3A_301 = tpu.memref_slice %arg27[%dma_wait3A_300] : memref<9728xf32, #tpu.memory_space<vmem>> -> memref<512xf32, #tpu.memory_space<vmem>>
    %dma_wait3A_302 = arith.constant 1024 : i32
    %dma_wait3A_303 = tpu.memref_slice %arg26[%dma_wait3A_302] : memref<9728xi32, #tpu.memory_space<vmem>> -> memref<512xi32, #tpu.memory_space<vmem>>
    %dma_wait3A_304 = arith.constant 0 : i32
    %dma_wait3A_305 = tpu.memref_slice %arg6[%dma_wait3A_304] : memref<100000xf32, #tpu.memory_space<hbm>> -> memref<100000xf32, #tpu.memory_space<hbm>>
    tpu.wait_indirect_dma semaphore(%arg31 : memref<!tpu.dma_semaphore, #tpu.memory_space<semaphore_mem>>) src(%dma_wait3A_305 : memref<100000xf32, #tpu.memory_space<hbm>>) dst(%dma_wait3A_301 : memref<512xf32, #tpu.memory_space<vmem>>)
    %dma_wait3A_306 = arith.constant 1536 : i32
    %dma_wait3A_307 = tpu.memref_slice %arg27[%dma_wait3A_306] : memref<9728xf32, #tpu.memory_space<vmem>> -> memref<512xf32, #tpu.memory_space<vmem>>
    %dma_wait3A_308 = arith.constant 1536 : i32
    %dma_wait3A_309 = tpu.memref_slice %arg26[%dma_wait3A_308] : memref<9728xi32, #tpu.memory_space<vmem>> -> memref<512xi32, #tpu.memory_space<vmem>>
    %dma_wait3A_310 = arith.constant 0 : i32
    %dma_wait3A_311 = tpu.memref_slice %arg7[%dma_wait3A_310] : memref<100000xf32, #tpu.memory_space<hbm>> -> memref<100000xf32, #tpu.memory_space<hbm>>
    tpu.wait_indirect_dma semaphore(%arg31 : memref<!tpu.dma_semaphore, #tpu.memory_space<semaphore_mem>>) src(%dma_wait3A_311 : memref<100000xf32, #tpu.memory_space<hbm>>) dst(%dma_wait3A_307 : memref<512xf32, #tpu.memory_space<vmem>>)
    %dma_wait3A_312 = arith.constant 2048 : i32
    %dma_wait3A_313 = tpu.memref_slice %arg27[%dma_wait3A_312] : memref<9728xf32, #tpu.memory_space<vmem>> -> memref<512xf32, #tpu.memory_space<vmem>>
    %dma_wait3A_314 = arith.constant 2048 : i32
    %dma_wait3A_315 = tpu.memref_slice %arg26[%dma_wait3A_314] : memref<9728xi32, #tpu.memory_space<vmem>> -> memref<512xi32, #tpu.memory_space<vmem>>
    %dma_wait3A_316 = arith.constant 0 : i32
    %dma_wait3A_317 = tpu.memref_slice %arg8[%dma_wait3A_316] : memref<100000xf32, #tpu.memory_space<hbm>> -> memref<100000xf32, #tpu.memory_space<hbm>>
    tpu.wait_indirect_dma semaphore(%arg31 : memref<!tpu.dma_semaphore, #tpu.memory_space<semaphore_mem>>) src(%dma_wait3A_317 : memref<100000xf32, #tpu.memory_space<hbm>>) dst(%dma_wait3A_313 : memref<512xf32, #tpu.memory_space<vmem>>)
    %dma_wait3A_318 = arith.constant 2560 : i32
    %dma_wait3A_319 = tpu.memref_slice %arg27[%dma_wait3A_318] : memref<9728xf32, #tpu.memory_space<vmem>> -> memref<512xf32, #tpu.memory_space<vmem>>
    %dma_wait3A_320 = arith.constant 2560 : i32
    %dma_wait3A_321 = tpu.memref_slice %arg26[%dma_wait3A_320] : memref<9728xi32, #tpu.memory_space<vmem>> -> memref<512xi32, #tpu.memory_space<vmem>>
    %dma_wait3A_322 = arith.constant 0 : i32
    %dma_wait3A_323 = tpu.memref_slice %arg9[%dma_wait3A_322] : memref<100000xf32, #tpu.memory_space<hbm>> -> memref<100000xf32, #tpu.memory_space<hbm>>
    tpu.wait_indirect_dma semaphore(%arg31 : memref<!tpu.dma_semaphore, #tpu.memory_space<semaphore_mem>>) src(%dma_wait3A_323 : memref<100000xf32, #tpu.memory_space<hbm>>) dst(%dma_wait3A_319 : memref<512xf32, #tpu.memory_space<vmem>>)
    %dma_wait3A_324 = arith.constant 3072 : i32
    %dma_wait3A_325 = tpu.memref_slice %arg27[%dma_wait3A_324] : memref<9728xf32, #tpu.memory_space<vmem>> -> memref<512xf32, #tpu.memory_space<vmem>>
    %dma_wait3A_326 = arith.constant 3072 : i32
    %dma_wait3A_327 = tpu.memref_slice %arg26[%dma_wait3A_326] : memref<9728xi32, #tpu.memory_space<vmem>> -> memref<512xi32, #tpu.memory_space<vmem>>
    %dma_wait3A_328 = arith.constant 0 : i32
    %dma_wait3A_329 = tpu.memref_slice %arg10[%dma_wait3A_328] : memref<100000xf32, #tpu.memory_space<hbm>> -> memref<100000xf32, #tpu.memory_space<hbm>>
    tpu.wait_indirect_dma semaphore(%arg31 : memref<!tpu.dma_semaphore, #tpu.memory_space<semaphore_mem>>) src(%dma_wait3A_329 : memref<100000xf32, #tpu.memory_space<hbm>>) dst(%dma_wait3A_325 : memref<512xf32, #tpu.memory_space<vmem>>)
    %dma_wait3A_330 = arith.constant 3584 : i32
    %dma_wait3A_331 = tpu.memref_slice %arg27[%dma_wait3A_330] : memref<9728xf32, #tpu.memory_space<vmem>> -> memref<512xf32, #tpu.memory_space<vmem>>
    %dma_wait3A_332 = arith.constant 3584 : i32
    %dma_wait3A_333 = tpu.memref_slice %arg26[%dma_wait3A_332] : memref<9728xi32, #tpu.memory_space<vmem>> -> memref<512xi32, #tpu.memory_space<vmem>>
    %dma_wait3A_334 = arith.constant 0 : i32
    %dma_wait3A_335 = tpu.memref_slice %arg11[%dma_wait3A_334] : memref<100000xf32, #tpu.memory_space<hbm>> -> memref<100000xf32, #tpu.memory_space<hbm>>
    tpu.wait_indirect_dma semaphore(%arg31 : memref<!tpu.dma_semaphore, #tpu.memory_space<semaphore_mem>>) src(%dma_wait3A_335 : memref<100000xf32, #tpu.memory_space<hbm>>) dst(%dma_wait3A_331 : memref<512xf32, #tpu.memory_space<vmem>>)
    %dma_wait3A_336 = arith.constant 4096 : i32
    %dma_wait3A_337 = tpu.memref_slice %arg27[%dma_wait3A_336] : memref<9728xf32, #tpu.memory_space<vmem>> -> memref<512xf32, #tpu.memory_space<vmem>>
    %dma_wait3A_338 = arith.constant 4096 : i32
    %dma_wait3A_339 = tpu.memref_slice %arg26[%dma_wait3A_338] : memref<9728xi32, #tpu.memory_space<vmem>> -> memref<512xi32, #tpu.memory_space<vmem>>
    %dma_wait3A_340 = arith.constant 0 : i32
    %dma_wait3A_341 = tpu.memref_slice %arg12[%dma_wait3A_340] : memref<100000xf32, #tpu.memory_space<hbm>> -> memref<100000xf32, #tpu.memory_space<hbm>>
    tpu.wait_indirect_dma semaphore(%arg31 : memref<!tpu.dma_semaphore, #tpu.memory_space<semaphore_mem>>) src(%dma_wait3A_341 : memref<100000xf32, #tpu.memory_space<hbm>>) dst(%dma_wait3A_337 : memref<512xf32, #tpu.memory_space<vmem>>)
    %dma_wait3A_342 = arith.constant 4608 : i32
    %dma_wait3A_343 = tpu.memref_slice %arg27[%dma_wait3A_342] : memref<9728xf32, #tpu.memory_space<vmem>> -> memref<512xf32, #tpu.memory_space<vmem>>
    %dma_wait3A_344 = arith.constant 4608 : i32
    %dma_wait3A_345 = tpu.memref_slice %arg26[%dma_wait3A_344] : memref<9728xi32, #tpu.memory_space<vmem>> -> memref<512xi32, #tpu.memory_space<vmem>>
    %dma_wait3A_346 = arith.constant 0 : i32
    %dma_wait3A_347 = tpu.memref_slice %arg13[%dma_wait3A_346] : memref<100000xf32, #tpu.memory_space<hbm>> -> memref<100000xf32, #tpu.memory_space<hbm>>
    tpu.wait_indirect_dma semaphore(%arg31 : memref<!tpu.dma_semaphore, #tpu.memory_space<semaphore_mem>>) src(%dma_wait3A_347 : memref<100000xf32, #tpu.memory_space<hbm>>) dst(%dma_wait3A_343 : memref<512xf32, #tpu.memory_space<vmem>>)
    %dma_wait3A_348 = arith.constant 5120 : i32
    %dma_wait3A_349 = tpu.memref_slice %arg27[%dma_wait3A_348] : memref<9728xf32, #tpu.memory_space<vmem>> -> memref<512xf32, #tpu.memory_space<vmem>>
    %dma_wait3A_350 = arith.constant 5120 : i32
    %dma_wait3A_351 = tpu.memref_slice %arg26[%dma_wait3A_350] : memref<9728xi32, #tpu.memory_space<vmem>> -> memref<512xi32, #tpu.memory_space<vmem>>
    %dma_wait3A_352 = arith.constant 0 : i32
    %dma_wait3A_353 = tpu.memref_slice %arg14[%dma_wait3A_352] : memref<100000xf32, #tpu.memory_space<hbm>> -> memref<100000xf32, #tpu.memory_space<hbm>>
    tpu.wait_indirect_dma semaphore(%arg31 : memref<!tpu.dma_semaphore, #tpu.memory_space<semaphore_mem>>) src(%dma_wait3A_353 : memref<100000xf32, #tpu.memory_space<hbm>>) dst(%dma_wait3A_349 : memref<512xf32, #tpu.memory_space<vmem>>)
    %dma_wait3A_354 = arith.constant 5632 : i32
    %dma_wait3A_355 = tpu.memref_slice %arg27[%dma_wait3A_354] : memref<9728xf32, #tpu.memory_space<vmem>> -> memref<512xf32, #tpu.memory_space<vmem>>
    %dma_wait3A_356 = arith.constant 5632 : i32
    %dma_wait3A_357 = tpu.memref_slice %arg26[%dma_wait3A_356] : memref<9728xi32, #tpu.memory_space<vmem>> -> memref<512xi32, #tpu.memory_space<vmem>>
    %dma_wait3A_358 = arith.constant 0 : i32
    %dma_wait3A_359 = tpu.memref_slice %arg15[%dma_wait3A_358] : memref<100000xf32, #tpu.memory_space<hbm>> -> memref<100000xf32, #tpu.memory_space<hbm>>
    tpu.wait_indirect_dma semaphore(%arg31 : memref<!tpu.dma_semaphore, #tpu.memory_space<semaphore_mem>>) src(%dma_wait3A_359 : memref<100000xf32, #tpu.memory_space<hbm>>) dst(%dma_wait3A_355 : memref<512xf32, #tpu.memory_space<vmem>>)
    %dma_wait3A_360 = arith.constant 6144 : i32
    %dma_wait3A_361 = tpu.memref_slice %arg27[%dma_wait3A_360] : memref<9728xf32, #tpu.memory_space<vmem>> -> memref<512xf32, #tpu.memory_space<vmem>>
    %dma_wait3A_362 = arith.constant 6144 : i32
    %dma_wait3A_363 = tpu.memref_slice %arg26[%dma_wait3A_362] : memref<9728xi32, #tpu.memory_space<vmem>> -> memref<512xi32, #tpu.memory_space<vmem>>
    %dma_wait3A_364 = arith.constant 0 : i32
    %dma_wait3A_365 = tpu.memref_slice %arg16[%dma_wait3A_364] : memref<100000xf32, #tpu.memory_space<hbm>> -> memref<100000xf32, #tpu.memory_space<hbm>>
    tpu.wait_indirect_dma semaphore(%arg31 : memref<!tpu.dma_semaphore, #tpu.memory_space<semaphore_mem>>) src(%dma_wait3A_365 : memref<100000xf32, #tpu.memory_space<hbm>>) dst(%dma_wait3A_361 : memref<512xf32, #tpu.memory_space<vmem>>)
    %dma_wait3A_366 = arith.constant 6656 : i32
    %dma_wait3A_367 = tpu.memref_slice %arg27[%dma_wait3A_366] : memref<9728xf32, #tpu.memory_space<vmem>> -> memref<512xf32, #tpu.memory_space<vmem>>
    %dma_wait3A_368 = arith.constant 6656 : i32
    %dma_wait3A_369 = tpu.memref_slice %arg26[%dma_wait3A_368] : memref<9728xi32, #tpu.memory_space<vmem>> -> memref<512xi32, #tpu.memory_space<vmem>>
    %dma_wait3A_370 = arith.constant 0 : i32
    %dma_wait3A_371 = tpu.memref_slice %arg17[%dma_wait3A_370] : memref<100000xf32, #tpu.memory_space<hbm>> -> memref<100000xf32, #tpu.memory_space<hbm>>
    tpu.wait_indirect_dma semaphore(%arg31 : memref<!tpu.dma_semaphore, #tpu.memory_space<semaphore_mem>>) src(%dma_wait3A_371 : memref<100000xf32, #tpu.memory_space<hbm>>) dst(%dma_wait3A_367 : memref<512xf32, #tpu.memory_space<vmem>>)
    %dma_wait3A_372 = arith.constant 7168 : i32
    %dma_wait3A_373 = tpu.memref_slice %arg27[%dma_wait3A_372] : memref<9728xf32, #tpu.memory_space<vmem>> -> memref<512xf32, #tpu.memory_space<vmem>>
    %dma_wait3A_374 = arith.constant 7168 : i32
    %dma_wait3A_375 = tpu.memref_slice %arg26[%dma_wait3A_374] : memref<9728xi32, #tpu.memory_space<vmem>> -> memref<512xi32, #tpu.memory_space<vmem>>
    %dma_wait3A_376 = arith.constant 0 : i32
    %dma_wait3A_377 = tpu.memref_slice %arg18[%dma_wait3A_376] : memref<100000xf32, #tpu.memory_space<hbm>> -> memref<100000xf32, #tpu.memory_space<hbm>>
    tpu.wait_indirect_dma semaphore(%arg31 : memref<!tpu.dma_semaphore, #tpu.memory_space<semaphore_mem>>) src(%dma_wait3A_377 : memref<100000xf32, #tpu.memory_space<hbm>>) dst(%dma_wait3A_373 : memref<512xf32, #tpu.memory_space<vmem>>)
    %dma_wait3A_378 = arith.constant 7680 : i32
    %dma_wait3A_379 = tpu.memref_slice %arg27[%dma_wait3A_378] : memref<9728xf32, #tpu.memory_space<vmem>> -> memref<512xf32, #tpu.memory_space<vmem>>
    %dma_wait3A_380 = arith.constant 7680 : i32
    %dma_wait3A_381 = tpu.memref_slice %arg26[%dma_wait3A_380] : memref<9728xi32, #tpu.memory_space<vmem>> -> memref<512xi32, #tpu.memory_space<vmem>>
    %dma_wait3A_382 = arith.constant 0 : i32
    %dma_wait3A_383 = tpu.memref_slice %arg19[%dma_wait3A_382] : memref<100000xf32, #tpu.memory_space<hbm>> -> memref<100000xf32, #tpu.memory_space<hbm>>
    tpu.wait_indirect_dma semaphore(%arg31 : memref<!tpu.dma_semaphore, #tpu.memory_space<semaphore_mem>>) src(%dma_wait3A_383 : memref<100000xf32, #tpu.memory_space<hbm>>) dst(%dma_wait3A_379 : memref<512xf32, #tpu.memory_space<vmem>>)
    %dma_wait3A_384 = arith.constant 8192 : i32
    %dma_wait3A_385 = tpu.memref_slice %arg27[%dma_wait3A_384] : memref<9728xf32, #tpu.memory_space<vmem>> -> memref<512xf32, #tpu.memory_space<vmem>>
    %dma_wait3A_386 = arith.constant 8192 : i32
    %dma_wait3A_387 = tpu.memref_slice %arg26[%dma_wait3A_386] : memref<9728xi32, #tpu.memory_space<vmem>> -> memref<512xi32, #tpu.memory_space<vmem>>
    %dma_wait3A_388 = arith.constant 0 : i32
    %dma_wait3A_389 = tpu.memref_slice %arg20[%dma_wait3A_388] : memref<100000xf32, #tpu.memory_space<hbm>> -> memref<100000xf32, #tpu.memory_space<hbm>>
    tpu.wait_indirect_dma semaphore(%arg31 : memref<!tpu.dma_semaphore, #tpu.memory_space<semaphore_mem>>) src(%dma_wait3A_389 : memref<100000xf32, #tpu.memory_space<hbm>>) dst(%dma_wait3A_385 : memref<512xf32, #tpu.memory_space<vmem>>)
    %dma_wait3A_390 = arith.constant 8704 : i32
    %dma_wait3A_391 = tpu.memref_slice %arg27[%dma_wait3A_390] : memref<9728xf32, #tpu.memory_space<vmem>> -> memref<512xf32, #tpu.memory_space<vmem>>
    %dma_wait3A_392 = arith.constant 8704 : i32
    %dma_wait3A_393 = tpu.memref_slice %arg26[%dma_wait3A_392] : memref<9728xi32, #tpu.memory_space<vmem>> -> memref<512xi32, #tpu.memory_space<vmem>>
    %dma_wait3A_394 = arith.constant 0 : i32
    %dma_wait3A_395 = tpu.memref_slice %arg21[%dma_wait3A_394] : memref<100000xf32, #tpu.memory_space<hbm>> -> memref<100000xf32, #tpu.memory_space<hbm>>
    tpu.wait_indirect_dma semaphore(%arg31 : memref<!tpu.dma_semaphore, #tpu.memory_space<semaphore_mem>>) src(%dma_wait3A_395 : memref<100000xf32, #tpu.memory_space<hbm>>) dst(%dma_wait3A_391 : memref<512xf32, #tpu.memory_space<vmem>>)
    %dma_wait3A_396 = arith.constant 9216 : i32
    %dma_wait3A_397 = tpu.memref_slice %arg27[%dma_wait3A_396] : memref<9728xf32, #tpu.memory_space<vmem>> -> memref<512xf32, #tpu.memory_space<vmem>>
    %dma_wait3A_398 = arith.constant 9216 : i32
    %dma_wait3A_399 = tpu.memref_slice %arg26[%dma_wait3A_398] : memref<9728xi32, #tpu.memory_space<vmem>> -> memref<512xi32, #tpu.memory_space<vmem>>
    %dma_wait3A_400 = arith.constant 0 : i32
    %dma_wait3A_401 = tpu.memref_slice %arg22[%dma_wait3A_400] : memref<100000xf32, #tpu.memory_space<hbm>> -> memref<100000xf32, #tpu.memory_space<hbm>>
    tpu.wait_indirect_dma semaphore(%arg31 : memref<!tpu.dma_semaphore, #tpu.memory_space<semaphore_mem>>) src(%dma_wait3A_401 : memref<100000xf32, #tpu.memory_space<hbm>>) dst(%dma_wait3A_397 : memref<512xf32, #tpu.memory_space<vmem>>)
    %scan3A_402 = arith.constant 0 : i32
    %scan3A_403 = arith.constant 0 : i32
    %scan3A_404 = arith.constant 32 : i32
    %scan3A_405 = arith.addi %scan3A_403, %scan3A_404 : i32
    %scan3A_406 = arith.constant 1 : i32
    scf.for %scan3A_412 = %scan3A_403 to %scan3A_405 step %scan3A_406  : i32 {
      %mul3A_413 = arith.constant 16 : i32
      %mul3A_414 = arith.muli %scan3A_412, %mul3A_413 : i32
      %get3A_415 = arith.index_cast %mul3A_414 : i32 to index
      %get3A_416 = tpu.vector_load %arg30[%get3A_415] {strides = array<i32>} : memref<512xf32, #tpu.memory_space<vmem>>, vector<16xf32>,
      %add3A_417 = arith.constant 0 : i32
      %add3A_418 = arith.addi %add3A_417, %mul3A_414 : i32
      %get3A_419 = arith.index_cast %add3A_418 : i32 to index
      %get3A_420 = tpu.vector_load %arg27[%get3A_419] {strides = array<i32>} : memref<9728xf32, #tpu.memory_space<vmem>>, vector<16xf32>,
      %add3A_421 = arith.addf %get3A_416, %get3A_420 : vector<16xf32>
      %add3A_422 = arith.constant 512 : i32
      %add3A_423 = arith.addi %add3A_422, %mul3A_414 : i32
      %get3A_424 = arith.index_cast %add3A_423 : i32 to index
      %get3A_425 = tpu.vector_load %arg27[%get3A_424] {strides = array<i32>} : memref<9728xf32, #tpu.memory_space<vmem>>, vector<16xf32>,
      %add3A_426 = arith.addf %add3A_421, %get3A_425 : vector<16xf32>
      %add3A_427 = arith.constant 1024 : i32
      %add3A_428 = arith.addi %add3A_427, %mul3A_414 : i32
      %get3A_429 = arith.index_cast %add3A_428 : i32 to index
      %get3A_430 = tpu.vector_load %arg27[%get3A_429] {strides = array<i32>} : memref<9728xf32, #tpu.memory_space<vmem>>, vector<16xf32>,
      %add3A_431 = arith.addf %add3A_426, %get3A_430 : vector<16xf32>
      %add3A_432 = arith.constant 1536 : i32
      %add3A_433 = arith.addi %add3A_432, %mul3A_414 : i32
      %get3A_434 = arith.index_cast %add3A_433 : i32 to index
      %get3A_435 = tpu.vector_load %arg27[%get3A_434] {strides = array<i32>} : memref<9728xf32, #tpu.memory_space<vmem>>, vector<16xf32>,
      %add3A_436 = arith.addf %add3A_431, %get3A_435 : vector<16xf32>
      %add3A_437 = arith.constant 2048 : i32
      %add3A_438 = arith.addi %add3A_437, %mul3A_414 : i32
      %get3A_439 = arith.index_cast %add3A_438 : i32 to index
      %get3A_440 = tpu.vector_load %arg27[%get3A_439] {strides = array<i32>} : memref<9728xf32, #tpu.memory_space<vmem>>, vector<16xf32>,
      %add3A_441 = arith.addf %add3A_436, %get3A_440 : vector<16xf32>
      %add3A_442 = arith.constant 2560 : i32
      %add3A_443 = arith.addi %add3A_442, %mul3A_414 : i32
      %get3A_444 = arith.index_cast %add3A_443 : i32 to index
      %get3A_445 = tpu.vector_load %arg27[%get3A_444] {strides = array<i32>} : memref<9728xf32, #tpu.memory_space<vmem>>, vector<16xf32>,
      %add3A_446 = arith.addf %add3A_441, %get3A_445 : vector<16xf32>
      %add3A_447 = arith.constant 3072 : i32
      %add3A_448 = arith.addi %add3A_447, %mul3A_414 : i32
      %get3A_449 = arith.index_cast %add3A_448 : i32 to index
      %get3A_450 = tpu.vector_load %arg27[%get3A_449] {strides = array<i32>} : memref<9728xf32, #tpu.memory_space<vmem>>, vector<16xf32>,
      %add3A_451 = arith.addf %add3A_446, %get3A_450 : vector<16xf32>
      %add3A_452 = arith.constant 3584 : i32
      %add3A_453 = arith.addi %add3A_452, %mul3A_414 : i32
      %get3A_454 = arith.index_cast %add3A_453 : i32 to index
      %get3A_455 = tpu.vector_load %arg27[%get3A_454] {strides = array<i32>} : memref<9728xf32, #tpu.memory_space<vmem>>, vector<16xf32>,
      %add3A_456 = arith.addf %add3A_451, %get3A_455 : vector<16xf32>
      %add3A_457 = arith.constant 4096 : i32
      %add3A_458 = arith.addi %add3A_457, %mul3A_414 : i32
      %get3A_459 = arith.index_cast %add3A_458 : i32 to index
      %get3A_460 = tpu.vector_load %arg27[%get3A_459] {strides = array<i32>} : memref<9728xf32, #tpu.memory_space<vmem>>, vector<16xf32>,
      %add3A_461 = arith.addf %add3A_456, %get3A_460 : vector<16xf32>
      %add3A_462 = arith.constant 4608 : i32
      %add3A_463 = arith.addi %add3A_462, %mul3A_414 : i32
      %get3A_464 = arith.index_cast %add3A_463 : i32 to index
      %get3A_465 = tpu.vector_load %arg27[%get3A_464] {strides = array<i32>} : memref<9728xf32, #tpu.memory_space<vmem>>, vector<16xf32>,
      %add3A_466 = arith.addf %add3A_461, %get3A_465 : vector<16xf32>
      %add3A_467 = arith.constant 5120 : i32
      %add3A_468 = arith.addi %add3A_467, %mul3A_414 : i32
      %get3A_469 = arith.index_cast %add3A_468 : i32 to index
      %get3A_470 = tpu.vector_load %arg27[%get3A_469] {strides = array<i32>} : memref<9728xf32, #tpu.memory_space<vmem>>, vector<16xf32>,
      %add3A_471 = arith.addf %add3A_466, %get3A_470 : vector<16xf32>
      %add3A_472 = arith.constant 5632 : i32
      %add3A_473 = arith.addi %add3A_472, %mul3A_414 : i32
      %get3A_474 = arith.index_cast %add3A_473 : i32 to index
      %get3A_475 = tpu.vector_load %arg27[%get3A_474] {strides = array<i32>} : memref<9728xf32, #tpu.memory_space<vmem>>, vector<16xf32>,
      %add3A_476 = arith.addf %add3A_471, %get3A_475 : vector<16xf32>
      %add3A_477 = arith.constant 6144 : i32
      %add3A_478 = arith.addi %add3A_477, %mul3A_414 : i32
      %get3A_479 = arith.index_cast %add3A_478 : i32 to index
      %get3A_480 = tpu.vector_load %arg27[%get3A_479] {strides = array<i32>} : memref<9728xf32, #tpu.memory_space<vmem>>, vector<16xf32>,
      %add3A_481 = arith.addf %add3A_476, %get3A_480 : vector<16xf32>
      %add3A_482 = arith.constant 6656 : i32
      %add3A_483 = arith.addi %add3A_482, %mul3A_414 : i32
      %get3A_484 = arith.index_cast %add3A_483 : i32 to index
      %get3A_485 = tpu.vector_load %arg27[%get3A_484] {strides = array<i32>} : memref<9728xf32, #tpu.memory_space<vmem>>, vector<16xf32>,
      %add3A_486 = arith.addf %add3A_481, %get3A_485 : vector<16xf32>
      %add3A_487 = arith.constant 7168 : i32
      %add3A_488 = arith.addi %add3A_487, %mul3A_414 : i32
      %get3A_489 = arith.index_cast %add3A_488 : i32 to index
      %get3A_490 = tpu.vector_load %arg27[%get3A_489] {strides = array<i32>} : memref<9728xf32, #tpu.memory_space<vmem>>, vector<16xf32>,
      %add3A_491 = arith.addf %add3A_486, %get3A_490 : vector<16xf32>
      %add3A_492 = arith.constant 7680 : i32
      %add3A_493 = arith.addi %add3A_492, %mul3A_414 : i32
      %get3A_494 = arith.index_cast %add3A_493 : i32 to index
      %get3A_495 = tpu.vector_load %arg27[%get3A_494] {strides = array<i32>} : memref<9728xf32, #tpu.memory_space<vmem>>, vector<16xf32>,
      %add3A_496 = arith.addf %add3A_491, %get3A_495 : vector<16xf32>
      %add3A_497 = arith.constant 8192 : i32
      %add3A_498 = arith.addi %add3A_497, %mul3A_414 : i32
      %get3A_499 = arith.index_cast %add3A_498 : i32 to index
      %get3A_500 = tpu.vector_load %arg27[%get3A_499] {strides = array<i32>} : memref<9728xf32, #tpu.memory_space<vmem>>, vector<16xf32>,
      %add3A_501 = arith.addf %add3A_496, %get3A_500 : vector<16xf32>
      %add3A_502 = arith.constant 8704 : i32
      %add3A_503 = arith.addi %add3A_502, %mul3A_414 : i32
      %get3A_504 = arith.index_cast %add3A_503 : i32 to index
      %get3A_505 = tpu.vector_load %arg27[%get3A_504] {strides = array<i32>} : memref<9728xf32, #tpu.memory_space<vmem>>, vector<16xf32>,
      %add3A_506 = arith.addf %add3A_501, %get3A_505 : vector<16xf32>
      %add3A_507 = arith.constant 9216 : i32
      %add3A_508 = arith.addi %add3A_507, %mul3A_414 : i32
      %get3A_509 = arith.index_cast %add3A_508 : i32 to index
      %get3A_510 = tpu.vector_load %arg27[%get3A_509] {strides = array<i32>} : memref<9728xf32, #tpu.memory_space<vmem>>, vector<16xf32>,
      %add3A_511 = arith.addf %add3A_506, %get3A_510 : vector<16xf32>
      %swap3A = arith.index_cast %mul3A_414 : i32 to index
      %swap3A_512 = tpu.vector_load %arg30[%swap3A] {strides = array<i32>} : memref<512xf32, #tpu.memory_space<vmem>>, vector<16xf32>,
      tpu.vector_store %arg30[%swap3A], %add3A_511 {strides = array<i32>} : memref<512xf32, #tpu.memory_space<vmem>>, vector<16xf32>,
    }
    %scan3A_407 = arith.constant 32 : i32
    %dma_start3A_408 = tpu.memref_slice %arg24[%mul3A_2] : memref<16384xf32, #tpu.memory_space<hbm>> -> memref<512xf32, #tpu.memory_space<hbm>>
    %dma_start3A_409 = tpu.memref_slice %arg24[%mul3A_2] : memref<16384xf32, #tpu.memory_space<hbm>> -> memref<512xf32, #tpu.memory_space<hbm>>
    tpu.enqueue_dma source(%arg30 : memref<512xf32, #tpu.memory_space<vmem>>) target(%dma_start3A_409 : memref<512xf32, #tpu.memory_space<hbm>>) target_semaphore(%arg31 : memref<!tpu.dma_semaphore, #tpu.memory_space<semaphore_mem>>)
    %dma_wait3A_410 = tpu.memref_slice %arg24[%mul3A_2] : memref<16384xf32, #tpu.memory_space<hbm>> -> memref<512xf32, #tpu.memory_space<hbm>>
    %dma_wait3A_411 = tpu.memref_slice %arg24[%mul3A_2] : memref<16384xf32, #tpu.memory_space<hbm>> -> memref<512xf32, #tpu.memory_space<hbm>>
    tpu.wait_dma2 semaphore(%arg31 : memref<!tpu.dma_semaphore, #tpu.memory_space<semaphore_mem>>) src(%arg30 : memref<512xf32, #tpu.memory_space<vmem>>) dst(%dma_wait3A_411 : memref<512xf32, #tpu.memory_space<hbm>>)
    return
  }
}

#map = affine_map<(d0, d1) -> (0, 0)>
#map1 = affine_map<(d0, d1) -> (0)>
module attributes {stable_mosaic.version = 14 : i64} {
  func.func @_body(%arg0: i32, %arg1: i32, %arg2: memref<26x16384xi32, #tpu.memory_space<hbm>>, %arg3: memref<100000xf32, #tpu.memory_space<hbm>>, %arg4: memref<100000xf32, #tpu.memory_space<hbm>>, %arg5: memref<100000xf32, #tpu.memory_space<hbm>>, %arg6: memref<100000xf32, #tpu.memory_space<hbm>>, %arg7: memref<100000xf32, #tpu.memory_space<hbm>>, %arg8: memref<100000xf32, #tpu.memory_space<hbm>>, %arg9: memref<100000xf32, #tpu.memory_space<hbm>>, %arg10: memref<16384xf32, #tpu.memory_space<hbm>>, %arg11: memref<16384xf32, #tpu.memory_space<hbm>>, %arg12: memref<26x512xi32, #tpu.memory_space<vmem>>, %arg13: memref<3584xi32, #tpu.memory_space<vmem>>, %arg14: memref<3584xf32, #tpu.memory_space<vmem>>, %arg15: memref<512xf32, #tpu.memory_space<vmem>>, %arg16: memref<512xf32, #tpu.memory_space<vmem>>, %arg17: memref<!tpu.dma_semaphore, #tpu.memory_space<semaphore_mem>>, %arg18: memref<!tpu.dma_semaphore, #tpu.memory_space<semaphore_mem>>, %arg19: memref<!tpu.dma_semaphore, #tpu.memory_space<semaphore_mem>>) attributes {dimension_semantics = [#tpu.dimension_semantics<core_parallel>, #tpu.dimension_semantics<subcore_parallel>], iteration_bounds = array<i64: 2, 16>, scalar_prefetch = 0 : i64, scratch_operands = 8 : i64, tpu.core_type = #tpu.core_type<sc_vector_subcore>, window_params = [{transform_indices = #map}, {transform_indices = #map1}, {transform_indices = #map1}, {transform_indices = #map1}, {transform_indices = #map1}, {transform_indices = #map1}, {transform_indices = #map1}, {transform_indices = #map1}, {transform_indices = #map1}, {transform_indices = #map1}]} {
    %mul3A = arith.constant 2 : i32
    %mul3A_0 = arith.muli %arg1, %mul3A : i32
    %add3A = arith.addi %mul3A_0, %arg0 : i32
    %mul3A_1 = arith.constant 512 : i32
    %mul3A_2 = arith.muli %add3A, %mul3A_1 : i32
    %dma_start3A = arith.constant 0 : i32
    %dma_start3A_3 = tpu.memref_slice %arg2[%dma_start3A, %mul3A_2] : memref<26x16384xi32, #tpu.memory_space<hbm>> -> memref<26x512xi32, #tpu.memory_space<hbm>>
    %dma_start3A_4 = arith.constant 0 : i32
    %dma_start3A_5 = tpu.memref_slice %arg2[%dma_start3A_4, %mul3A_2] : memref<26x16384xi32, #tpu.memory_space<hbm>> -> memref<26x512xi32, #tpu.memory_space<hbm>>
    tpu.enqueue_dma source(%dma_start3A_5 : memref<26x512xi32, #tpu.memory_space<hbm>>) target(%arg12 : memref<26x512xi32, #tpu.memory_space<vmem>>) target_semaphore(%arg18 : memref<!tpu.dma_semaphore, #tpu.memory_space<semaphore_mem>>)
    %dma_start3A_6 = tpu.memref_slice %arg10[%mul3A_2] : memref<16384xf32, #tpu.memory_space<hbm>> -> memref<512xf32, #tpu.memory_space<hbm>>
    %dma_start3A_7 = tpu.memref_slice %arg10[%mul3A_2] : memref<16384xf32, #tpu.memory_space<hbm>> -> memref<512xf32, #tpu.memory_space<hbm>>
    tpu.enqueue_dma source(%dma_start3A_7 : memref<512xf32, #tpu.memory_space<hbm>>) target(%arg15 : memref<512xf32, #tpu.memory_space<vmem>>) target_semaphore(%arg19 : memref<!tpu.dma_semaphore, #tpu.memory_space<semaphore_mem>>)
    %dma_wait3A = arith.constant 0 : i32
    %dma_wait3A_8 = tpu.memref_slice %arg2[%dma_wait3A, %mul3A_2] : memref<26x16384xi32, #tpu.memory_space<hbm>> -> memref<26x512xi32, #tpu.memory_space<hbm>>
    %dma_wait3A_9 = arith.constant 0 : i32
    %dma_wait3A_10 = tpu.memref_slice %arg2[%dma_wait3A_9, %mul3A_2] : memref<26x16384xi32, #tpu.memory_space<hbm>> -> memref<26x512xi32, #tpu.memory_space<hbm>>
    tpu.wait_dma2 semaphore(%arg18 : memref<!tpu.dma_semaphore, #tpu.memory_space<semaphore_mem>>) src(%dma_wait3A_10 : memref<26x512xi32, #tpu.memory_space<hbm>>) dst(%arg12 : memref<26x512xi32, #tpu.memory_space<vmem>>)
    %iota3A = tpu.iota {dimensions = array<i32: 0>} : vector<16xi32>
    %broadcast_in_dim3A = arith.constant 13 : i32
    %broadcast_in_dim3A_11 = vector.broadcast %broadcast_in_dim3A : i32 to vector<16xi32>
    %scan3A = arith.constant 0 : i32
    %scan3A_12 = arith.constant 0 : i32
    %scan3A_13 = arith.constant 32 : i32
    %scan3A_14 = arith.addi %scan3A_12, %scan3A_13 : i32
    %scan3A_15 = arith.constant 1 : i32
    scf.for %scan3A_167 = %scan3A_12 to %scan3A_14 step %scan3A_15  : i32 {
      %mul3A_168 = arith.constant 16 : i32
      %mul3A_169 = arith.muli %scan3A_167, %mul3A_168 : i32
      %add3A_170 = vector.broadcast %mul3A_169 : i32 to vector<16xi32>
      %add3A_171 = arith.addi %add3A_170, %iota3A : vector<16xi32>
      %gather3A = tpu.vector_load_idx %arg12[%broadcast_in_dim3A_11, %add3A_171] : memref<26x512xi32, #tpu.memory_space<vmem>>[vector<16xi32>, vector<16xi32>], vector<16xi32>,
      %mul3A_172 = arith.constant 16 : i32
      %mul3A_173 = arith.muli %scan3A_167, %mul3A_172 : i32
      %add3A_174 = arith.constant 0 : i32
      %add3A_175 = arith.addi %add3A_174, %mul3A_173 : i32
      %swap3A = arith.index_cast %add3A_175 : i32 to index
      %swap3A_176 = tpu.vector_load %arg13[%swap3A] {strides = array<i32>} : memref<3584xi32, #tpu.memory_space<vmem>>, vector<16xi32>,
      tpu.vector_store %arg13[%swap3A], %gather3A {strides = array<i32>} : memref<3584xi32, #tpu.memory_space<vmem>>, vector<16xi32>,
    }
    %scan3A_16 = arith.constant 32 : i32
    %dma_start3A_17 = arith.constant 0 : i32
    %dma_start3A_18 = tpu.memref_slice %arg14[%dma_start3A_17] : memref<3584xf32, #tpu.memory_space<vmem>> -> memref<512xf32, #tpu.memory_space<vmem>>
    %dma_start3A_19 = arith.constant 0 : i32
    %dma_start3A_20 = tpu.memref_slice %arg13[%dma_start3A_19] : memref<3584xi32, #tpu.memory_space<vmem>> -> memref<512xi32, #tpu.memory_space<vmem>>
    %dma_start3A_21 = arith.constant 0 : i32
    %dma_start3A_22 = tpu.memref_slice %arg3[%dma_start3A_21] : memref<100000xf32, #tpu.memory_space<hbm>> -> memref<100000xf32, #tpu.memory_space<hbm>>
    tpu.enqueue_indirect_dma source(%dma_start3A_22 : memref<100000xf32, #tpu.memory_space<hbm>>) target(%dma_start3A_18 : memref<512xf32, #tpu.memory_space<vmem>>) offsets(%dma_start3A_20 : memref<512xi32, #tpu.memory_space<vmem>>) semaphore(%arg17 : memref<!tpu.dma_semaphore, #tpu.memory_space<semaphore_mem>>)
    %broadcast_in_dim3A_23 = arith.constant 14 : i32
    %broadcast_in_dim3A_24 = vector.broadcast %broadcast_in_dim3A_23 : i32 to vector<16xi32>
    %scan3A_25 = arith.constant 0 : i32
    %scan3A_26 = arith.constant 0 : i32
    %scan3A_27 = arith.constant 32 : i32
    %scan3A_28 = arith.addi %scan3A_26, %scan3A_27 : i32
    %scan3A_29 = arith.constant 1 : i32
    scf.for %scan3A_167 = %scan3A_26 to %scan3A_28 step %scan3A_29  : i32 {
      %mul3A_168 = arith.constant 16 : i32
      %mul3A_169 = arith.muli %scan3A_167, %mul3A_168 : i32
      %add3A_170 = vector.broadcast %mul3A_169 : i32 to vector<16xi32>
      %add3A_171 = arith.addi %add3A_170, %iota3A : vector<16xi32>
      %gather3A = tpu.vector_load_idx %arg12[%broadcast_in_dim3A_24, %add3A_171] : memref<26x512xi32, #tpu.memory_space<vmem>>[vector<16xi32>, vector<16xi32>], vector<16xi32>,
      %mul3A_172 = arith.constant 16 : i32
      %mul3A_173 = arith.muli %scan3A_167, %mul3A_172 : i32
      %add3A_174 = arith.constant 512 : i32
      %add3A_175 = arith.addi %add3A_174, %mul3A_173 : i32
      %swap3A = arith.index_cast %add3A_175 : i32 to index
      %swap3A_176 = tpu.vector_load %arg13[%swap3A] {strides = array<i32>} : memref<3584xi32, #tpu.memory_space<vmem>>, vector<16xi32>,
      tpu.vector_store %arg13[%swap3A], %gather3A {strides = array<i32>} : memref<3584xi32, #tpu.memory_space<vmem>>, vector<16xi32>,
    }
    %scan3A_30 = arith.constant 32 : i32
    %dma_start3A_31 = arith.constant 512 : i32
    %dma_start3A_32 = tpu.memref_slice %arg14[%dma_start3A_31] : memref<3584xf32, #tpu.memory_space<vmem>> -> memref<512xf32, #tpu.memory_space<vmem>>
    %dma_start3A_33 = arith.constant 512 : i32
    %dma_start3A_34 = tpu.memref_slice %arg13[%dma_start3A_33] : memref<3584xi32, #tpu.memory_space<vmem>> -> memref<512xi32, #tpu.memory_space<vmem>>
    %dma_start3A_35 = arith.constant 0 : i32
    %dma_start3A_36 = tpu.memref_slice %arg4[%dma_start3A_35] : memref<100000xf32, #tpu.memory_space<hbm>> -> memref<100000xf32, #tpu.memory_space<hbm>>
    tpu.enqueue_indirect_dma source(%dma_start3A_36 : memref<100000xf32, #tpu.memory_space<hbm>>) target(%dma_start3A_32 : memref<512xf32, #tpu.memory_space<vmem>>) offsets(%dma_start3A_34 : memref<512xi32, #tpu.memory_space<vmem>>) semaphore(%arg17 : memref<!tpu.dma_semaphore, #tpu.memory_space<semaphore_mem>>)
    %broadcast_in_dim3A_37 = arith.constant 15 : i32
    %broadcast_in_dim3A_38 = vector.broadcast %broadcast_in_dim3A_37 : i32 to vector<16xi32>
    %scan3A_39 = arith.constant 0 : i32
    %scan3A_40 = arith.constant 0 : i32
    %scan3A_41 = arith.constant 32 : i32
    %scan3A_42 = arith.addi %scan3A_40, %scan3A_41 : i32
    %scan3A_43 = arith.constant 1 : i32
    scf.for %scan3A_167 = %scan3A_40 to %scan3A_42 step %scan3A_43  : i32 {
      %mul3A_168 = arith.constant 16 : i32
      %mul3A_169 = arith.muli %scan3A_167, %mul3A_168 : i32
      %add3A_170 = vector.broadcast %mul3A_169 : i32 to vector<16xi32>
      %add3A_171 = arith.addi %add3A_170, %iota3A : vector<16xi32>
      %gather3A = tpu.vector_load_idx %arg12[%broadcast_in_dim3A_38, %add3A_171] : memref<26x512xi32, #tpu.memory_space<vmem>>[vector<16xi32>, vector<16xi32>], vector<16xi32>,
      %mul3A_172 = arith.constant 16 : i32
      %mul3A_173 = arith.muli %scan3A_167, %mul3A_172 : i32
      %add3A_174 = arith.constant 1024 : i32
      %add3A_175 = arith.addi %add3A_174, %mul3A_173 : i32
      %swap3A = arith.index_cast %add3A_175 : i32 to index
      %swap3A_176 = tpu.vector_load %arg13[%swap3A] {strides = array<i32>} : memref<3584xi32, #tpu.memory_space<vmem>>, vector<16xi32>,
      tpu.vector_store %arg13[%swap3A], %gather3A {strides = array<i32>} : memref<3584xi32, #tpu.memory_space<vmem>>, vector<16xi32>,
    }
    %scan3A_44 = arith.constant 32 : i32
    %dma_start3A_45 = arith.constant 1024 : i32
    %dma_start3A_46 = tpu.memref_slice %arg14[%dma_start3A_45] : memref<3584xf32, #tpu.memory_space<vmem>> -> memref<512xf32, #tpu.memory_space<vmem>>
    %dma_start3A_47 = arith.constant 1024 : i32
    %dma_start3A_48 = tpu.memref_slice %arg13[%dma_start3A_47] : memref<3584xi32, #tpu.memory_space<vmem>> -> memref<512xi32, #tpu.memory_space<vmem>>
    %dma_start3A_49 = arith.constant 0 : i32
    %dma_start3A_50 = tpu.memref_slice %arg5[%dma_start3A_49] : memref<100000xf32, #tpu.memory_space<hbm>> -> memref<100000xf32, #tpu.memory_space<hbm>>
    tpu.enqueue_indirect_dma source(%dma_start3A_50 : memref<100000xf32, #tpu.memory_space<hbm>>) target(%dma_start3A_46 : memref<512xf32, #tpu.memory_space<vmem>>) offsets(%dma_start3A_48 : memref<512xi32, #tpu.memory_space<vmem>>) semaphore(%arg17 : memref<!tpu.dma_semaphore, #tpu.memory_space<semaphore_mem>>)
    %broadcast_in_dim3A_51 = arith.constant 16 : i32
    %broadcast_in_dim3A_52 = vector.broadcast %broadcast_in_dim3A_51 : i32 to vector<16xi32>
    %scan3A_53 = arith.constant 0 : i32
    %scan3A_54 = arith.constant 0 : i32
    %scan3A_55 = arith.constant 32 : i32
    %scan3A_56 = arith.addi %scan3A_54, %scan3A_55 : i32
    %scan3A_57 = arith.constant 1 : i32
    scf.for %scan3A_167 = %scan3A_54 to %scan3A_56 step %scan3A_57  : i32 {
      %mul3A_168 = arith.constant 16 : i32
      %mul3A_169 = arith.muli %scan3A_167, %mul3A_168 : i32
      %add3A_170 = vector.broadcast %mul3A_169 : i32 to vector<16xi32>
      %add3A_171 = arith.addi %add3A_170, %iota3A : vector<16xi32>
      %gather3A = tpu.vector_load_idx %arg12[%broadcast_in_dim3A_52, %add3A_171] : memref<26x512xi32, #tpu.memory_space<vmem>>[vector<16xi32>, vector<16xi32>], vector<16xi32>,
      %mul3A_172 = arith.constant 16 : i32
      %mul3A_173 = arith.muli %scan3A_167, %mul3A_172 : i32
      %add3A_174 = arith.constant 1536 : i32
      %add3A_175 = arith.addi %add3A_174, %mul3A_173 : i32
      %swap3A = arith.index_cast %add3A_175 : i32 to index
      %swap3A_176 = tpu.vector_load %arg13[%swap3A] {strides = array<i32>} : memref<3584xi32, #tpu.memory_space<vmem>>, vector<16xi32>,
      tpu.vector_store %arg13[%swap3A], %gather3A {strides = array<i32>} : memref<3584xi32, #tpu.memory_space<vmem>>, vector<16xi32>,
    }
    %scan3A_58 = arith.constant 32 : i32
    %dma_start3A_59 = arith.constant 1536 : i32
    %dma_start3A_60 = tpu.memref_slice %arg14[%dma_start3A_59] : memref<3584xf32, #tpu.memory_space<vmem>> -> memref<512xf32, #tpu.memory_space<vmem>>
    %dma_start3A_61 = arith.constant 1536 : i32
    %dma_start3A_62 = tpu.memref_slice %arg13[%dma_start3A_61] : memref<3584xi32, #tpu.memory_space<vmem>> -> memref<512xi32, #tpu.memory_space<vmem>>
    %dma_start3A_63 = arith.constant 0 : i32
    %dma_start3A_64 = tpu.memref_slice %arg6[%dma_start3A_63] : memref<100000xf32, #tpu.memory_space<hbm>> -> memref<100000xf32, #tpu.memory_space<hbm>>
    tpu.enqueue_indirect_dma source(%dma_start3A_64 : memref<100000xf32, #tpu.memory_space<hbm>>) target(%dma_start3A_60 : memref<512xf32, #tpu.memory_space<vmem>>) offsets(%dma_start3A_62 : memref<512xi32, #tpu.memory_space<vmem>>) semaphore(%arg17 : memref<!tpu.dma_semaphore, #tpu.memory_space<semaphore_mem>>)
    %broadcast_in_dim3A_65 = arith.constant 17 : i32
    %broadcast_in_dim3A_66 = vector.broadcast %broadcast_in_dim3A_65 : i32 to vector<16xi32>
    %scan3A_67 = arith.constant 0 : i32
    %scan3A_68 = arith.constant 0 : i32
    %scan3A_69 = arith.constant 32 : i32
    %scan3A_70 = arith.addi %scan3A_68, %scan3A_69 : i32
    %scan3A_71 = arith.constant 1 : i32
    scf.for %scan3A_167 = %scan3A_68 to %scan3A_70 step %scan3A_71  : i32 {
      %mul3A_168 = arith.constant 16 : i32
      %mul3A_169 = arith.muli %scan3A_167, %mul3A_168 : i32
      %add3A_170 = vector.broadcast %mul3A_169 : i32 to vector<16xi32>
      %add3A_171 = arith.addi %add3A_170, %iota3A : vector<16xi32>
      %gather3A = tpu.vector_load_idx %arg12[%broadcast_in_dim3A_66, %add3A_171] : memref<26x512xi32, #tpu.memory_space<vmem>>[vector<16xi32>, vector<16xi32>], vector<16xi32>,
      %mul3A_172 = arith.constant 16 : i32
      %mul3A_173 = arith.muli %scan3A_167, %mul3A_172 : i32
      %add3A_174 = arith.constant 2048 : i32
      %add3A_175 = arith.addi %add3A_174, %mul3A_173 : i32
      %swap3A = arith.index_cast %add3A_175 : i32 to index
      %swap3A_176 = tpu.vector_load %arg13[%swap3A] {strides = array<i32>} : memref<3584xi32, #tpu.memory_space<vmem>>, vector<16xi32>,
      tpu.vector_store %arg13[%swap3A], %gather3A {strides = array<i32>} : memref<3584xi32, #tpu.memory_space<vmem>>, vector<16xi32>,
    }
    %scan3A_72 = arith.constant 32 : i32
    %dma_start3A_73 = arith.constant 2048 : i32
    %dma_start3A_74 = tpu.memref_slice %arg14[%dma_start3A_73] : memref<3584xf32, #tpu.memory_space<vmem>> -> memref<512xf32, #tpu.memory_space<vmem>>
    %dma_start3A_75 = arith.constant 2048 : i32
    %dma_start3A_76 = tpu.memref_slice %arg13[%dma_start3A_75] : memref<3584xi32, #tpu.memory_space<vmem>> -> memref<512xi32, #tpu.memory_space<vmem>>
    %dma_start3A_77 = arith.constant 0 : i32
    %dma_start3A_78 = tpu.memref_slice %arg7[%dma_start3A_77] : memref<100000xf32, #tpu.memory_space<hbm>> -> memref<100000xf32, #tpu.memory_space<hbm>>
    tpu.enqueue_indirect_dma source(%dma_start3A_78 : memref<100000xf32, #tpu.memory_space<hbm>>) target(%dma_start3A_74 : memref<512xf32, #tpu.memory_space<vmem>>) offsets(%dma_start3A_76 : memref<512xi32, #tpu.memory_space<vmem>>) semaphore(%arg17 : memref<!tpu.dma_semaphore, #tpu.memory_space<semaphore_mem>>)
    %broadcast_in_dim3A_79 = arith.constant 18 : i32
    %broadcast_in_dim3A_80 = vector.broadcast %broadcast_in_dim3A_79 : i32 to vector<16xi32>
    %scan3A_81 = arith.constant 0 : i32
    %scan3A_82 = arith.constant 0 : i32
    %scan3A_83 = arith.constant 32 : i32
    %scan3A_84 = arith.addi %scan3A_82, %scan3A_83 : i32
    %scan3A_85 = arith.constant 1 : i32
    scf.for %scan3A_167 = %scan3A_82 to %scan3A_84 step %scan3A_85  : i32 {
      %mul3A_168 = arith.constant 16 : i32
      %mul3A_169 = arith.muli %scan3A_167, %mul3A_168 : i32
      %add3A_170 = vector.broadcast %mul3A_169 : i32 to vector<16xi32>
      %add3A_171 = arith.addi %add3A_170, %iota3A : vector<16xi32>
      %gather3A = tpu.vector_load_idx %arg12[%broadcast_in_dim3A_80, %add3A_171] : memref<26x512xi32, #tpu.memory_space<vmem>>[vector<16xi32>, vector<16xi32>], vector<16xi32>,
      %mul3A_172 = arith.constant 16 : i32
      %mul3A_173 = arith.muli %scan3A_167, %mul3A_172 : i32
      %add3A_174 = arith.constant 2560 : i32
      %add3A_175 = arith.addi %add3A_174, %mul3A_173 : i32
      %swap3A = arith.index_cast %add3A_175 : i32 to index
      %swap3A_176 = tpu.vector_load %arg13[%swap3A] {strides = array<i32>} : memref<3584xi32, #tpu.memory_space<vmem>>, vector<16xi32>,
      tpu.vector_store %arg13[%swap3A], %gather3A {strides = array<i32>} : memref<3584xi32, #tpu.memory_space<vmem>>, vector<16xi32>,
    }
    %scan3A_86 = arith.constant 32 : i32
    %dma_start3A_87 = arith.constant 2560 : i32
    %dma_start3A_88 = tpu.memref_slice %arg14[%dma_start3A_87] : memref<3584xf32, #tpu.memory_space<vmem>> -> memref<512xf32, #tpu.memory_space<vmem>>
    %dma_start3A_89 = arith.constant 2560 : i32
    %dma_start3A_90 = tpu.memref_slice %arg13[%dma_start3A_89] : memref<3584xi32, #tpu.memory_space<vmem>> -> memref<512xi32, #tpu.memory_space<vmem>>
    %dma_start3A_91 = arith.constant 0 : i32
    %dma_start3A_92 = tpu.memref_slice %arg8[%dma_start3A_91] : memref<100000xf32, #tpu.memory_space<hbm>> -> memref<100000xf32, #tpu.memory_space<hbm>>
    tpu.enqueue_indirect_dma source(%dma_start3A_92 : memref<100000xf32, #tpu.memory_space<hbm>>) target(%dma_start3A_88 : memref<512xf32, #tpu.memory_space<vmem>>) offsets(%dma_start3A_90 : memref<512xi32, #tpu.memory_space<vmem>>) semaphore(%arg17 : memref<!tpu.dma_semaphore, #tpu.memory_space<semaphore_mem>>)
    %broadcast_in_dim3A_93 = arith.constant 19 : i32
    %broadcast_in_dim3A_94 = vector.broadcast %broadcast_in_dim3A_93 : i32 to vector<16xi32>
    %scan3A_95 = arith.constant 0 : i32
    %scan3A_96 = arith.constant 0 : i32
    %scan3A_97 = arith.constant 32 : i32
    %scan3A_98 = arith.addi %scan3A_96, %scan3A_97 : i32
    %scan3A_99 = arith.constant 1 : i32
    scf.for %scan3A_167 = %scan3A_96 to %scan3A_98 step %scan3A_99  : i32 {
      %mul3A_168 = arith.constant 16 : i32
      %mul3A_169 = arith.muli %scan3A_167, %mul3A_168 : i32
      %add3A_170 = vector.broadcast %mul3A_169 : i32 to vector<16xi32>
      %add3A_171 = arith.addi %add3A_170, %iota3A : vector<16xi32>
      %gather3A = tpu.vector_load_idx %arg12[%broadcast_in_dim3A_94, %add3A_171] : memref<26x512xi32, #tpu.memory_space<vmem>>[vector<16xi32>, vector<16xi32>], vector<16xi32>,
      %mul3A_172 = arith.constant 16 : i32
      %mul3A_173 = arith.muli %scan3A_167, %mul3A_172 : i32
      %add3A_174 = arith.constant 3072 : i32
      %add3A_175 = arith.addi %add3A_174, %mul3A_173 : i32
      %swap3A = arith.index_cast %add3A_175 : i32 to index
      %swap3A_176 = tpu.vector_load %arg13[%swap3A] {strides = array<i32>} : memref<3584xi32, #tpu.memory_space<vmem>>, vector<16xi32>,
      tpu.vector_store %arg13[%swap3A], %gather3A {strides = array<i32>} : memref<3584xi32, #tpu.memory_space<vmem>>, vector<16xi32>,
    }
    %scan3A_100 = arith.constant 32 : i32
    %dma_start3A_101 = arith.constant 3072 : i32
    %dma_start3A_102 = tpu.memref_slice %arg14[%dma_start3A_101] : memref<3584xf32, #tpu.memory_space<vmem>> -> memref<512xf32, #tpu.memory_space<vmem>>
    %dma_start3A_103 = arith.constant 3072 : i32
    %dma_start3A_104 = tpu.memref_slice %arg13[%dma_start3A_103] : memref<3584xi32, #tpu.memory_space<vmem>> -> memref<512xi32, #tpu.memory_space<vmem>>
    %dma_start3A_105 = arith.constant 0 : i32
    %dma_start3A_106 = tpu.memref_slice %arg9[%dma_start3A_105] : memref<100000xf32, #tpu.memory_space<hbm>> -> memref<100000xf32, #tpu.memory_space<hbm>>
    tpu.enqueue_indirect_dma source(%dma_start3A_106 : memref<100000xf32, #tpu.memory_space<hbm>>) target(%dma_start3A_102 : memref<512xf32, #tpu.memory_space<vmem>>) offsets(%dma_start3A_104 : memref<512xi32, #tpu.memory_space<vmem>>) semaphore(%arg17 : memref<!tpu.dma_semaphore, #tpu.memory_space<semaphore_mem>>)
    %dma_wait3A_107 = tpu.memref_slice %arg10[%mul3A_2] : memref<16384xf32, #tpu.memory_space<hbm>> -> memref<512xf32, #tpu.memory_space<hbm>>
    %dma_wait3A_108 = tpu.memref_slice %arg10[%mul3A_2] : memref<16384xf32, #tpu.memory_space<hbm>> -> memref<512xf32, #tpu.memory_space<hbm>>
    tpu.wait_dma2 semaphore(%arg19 : memref<!tpu.dma_semaphore, #tpu.memory_space<semaphore_mem>>) src(%dma_wait3A_108 : memref<512xf32, #tpu.memory_space<hbm>>) dst(%arg15 : memref<512xf32, #tpu.memory_space<vmem>>)
    %scan3A_109 = arith.constant 0 : i32
    %scan3A_110 = arith.constant 0 : i32
    %scan3A_111 = arith.constant 32 : i32
    %scan3A_112 = arith.addi %scan3A_110, %scan3A_111 : i32
    %scan3A_113 = arith.constant 1 : i32
    scf.for %scan3A_167 = %scan3A_110 to %scan3A_112 step %scan3A_113  : i32 {
      %mul3A_168 = arith.constant 16 : i32
      %mul3A_169 = arith.muli %scan3A_167, %mul3A_168 : i32
      %get3A = arith.index_cast %mul3A_169 : i32 to index
      %get3A_170 = tpu.vector_load %arg15[%get3A] {strides = array<i32>} : memref<512xf32, #tpu.memory_space<vmem>>, vector<16xf32>,
      %swap3A = arith.index_cast %mul3A_169 : i32 to index
      %swap3A_171 = tpu.vector_load %arg16[%swap3A] {strides = array<i32>} : memref<512xf32, #tpu.memory_space<vmem>>, vector<16xf32>,
      tpu.vector_store %arg16[%swap3A], %get3A_170 {strides = array<i32>} : memref<512xf32, #tpu.memory_space<vmem>>, vector<16xf32>,
    }
    %scan3A_114 = arith.constant 32 : i32
    %dma_wait3A_115 = arith.constant 0 : i32
    %dma_wait3A_116 = tpu.memref_slice %arg14[%dma_wait3A_115] : memref<3584xf32, #tpu.memory_space<vmem>> -> memref<512xf32, #tpu.memory_space<vmem>>
    %dma_wait3A_117 = arith.constant 0 : i32
    %dma_wait3A_118 = tpu.memref_slice %arg13[%dma_wait3A_117] : memref<3584xi32, #tpu.memory_space<vmem>> -> memref<512xi32, #tpu.memory_space<vmem>>
    %dma_wait3A_119 = arith.constant 0 : i32
    %dma_wait3A_120 = tpu.memref_slice %arg3[%dma_wait3A_119] : memref<100000xf32, #tpu.memory_space<hbm>> -> memref<100000xf32, #tpu.memory_space<hbm>>
    tpu.wait_indirect_dma semaphore(%arg17 : memref<!tpu.dma_semaphore, #tpu.memory_space<semaphore_mem>>) src(%dma_wait3A_120 : memref<100000xf32, #tpu.memory_space<hbm>>) dst(%dma_wait3A_116 : memref<512xf32, #tpu.memory_space<vmem>>)
    %dma_wait3A_121 = arith.constant 512 : i32
    %dma_wait3A_122 = tpu.memref_slice %arg14[%dma_wait3A_121] : memref<3584xf32, #tpu.memory_space<vmem>> -> memref<512xf32, #tpu.memory_space<vmem>>
    %dma_wait3A_123 = arith.constant 512 : i32
    %dma_wait3A_124 = tpu.memref_slice %arg13[%dma_wait3A_123] : memref<3584xi32, #tpu.memory_space<vmem>> -> memref<512xi32, #tpu.memory_space<vmem>>
    %dma_wait3A_125 = arith.constant 0 : i32
    %dma_wait3A_126 = tpu.memref_slice %arg4[%dma_wait3A_125] : memref<100000xf32, #tpu.memory_space<hbm>> -> memref<100000xf32, #tpu.memory_space<hbm>>
    tpu.wait_indirect_dma semaphore(%arg17 : memref<!tpu.dma_semaphore, #tpu.memory_space<semaphore_mem>>) src(%dma_wait3A_126 : memref<100000xf32, #tpu.memory_space<hbm>>) dst(%dma_wait3A_122 : memref<512xf32, #tpu.memory_space<vmem>>)
    %dma_wait3A_127 = arith.constant 1024 : i32
    %dma_wait3A_128 = tpu.memref_slice %arg14[%dma_wait3A_127] : memref<3584xf32, #tpu.memory_space<vmem>> -> memref<512xf32, #tpu.memory_space<vmem>>
    %dma_wait3A_129 = arith.constant 1024 : i32
    %dma_wait3A_130 = tpu.memref_slice %arg13[%dma_wait3A_129] : memref<3584xi32, #tpu.memory_space<vmem>> -> memref<512xi32, #tpu.memory_space<vmem>>
    %dma_wait3A_131 = arith.constant 0 : i32
    %dma_wait3A_132 = tpu.memref_slice %arg5[%dma_wait3A_131] : memref<100000xf32, #tpu.memory_space<hbm>> -> memref<100000xf32, #tpu.memory_space<hbm>>
    tpu.wait_indirect_dma semaphore(%arg17 : memref<!tpu.dma_semaphore, #tpu.memory_space<semaphore_mem>>) src(%dma_wait3A_132 : memref<100000xf32, #tpu.memory_space<hbm>>) dst(%dma_wait3A_128 : memref<512xf32, #tpu.memory_space<vmem>>)
    %dma_wait3A_133 = arith.constant 1536 : i32
    %dma_wait3A_134 = tpu.memref_slice %arg14[%dma_wait3A_133] : memref<3584xf32, #tpu.memory_space<vmem>> -> memref<512xf32, #tpu.memory_space<vmem>>
    %dma_wait3A_135 = arith.constant 1536 : i32
    %dma_wait3A_136 = tpu.memref_slice %arg13[%dma_wait3A_135] : memref<3584xi32, #tpu.memory_space<vmem>> -> memref<512xi32, #tpu.memory_space<vmem>>
    %dma_wait3A_137 = arith.constant 0 : i32
    %dma_wait3A_138 = tpu.memref_slice %arg6[%dma_wait3A_137] : memref<100000xf32, #tpu.memory_space<hbm>> -> memref<100000xf32, #tpu.memory_space<hbm>>
    tpu.wait_indirect_dma semaphore(%arg17 : memref<!tpu.dma_semaphore, #tpu.memory_space<semaphore_mem>>) src(%dma_wait3A_138 : memref<100000xf32, #tpu.memory_space<hbm>>) dst(%dma_wait3A_134 : memref<512xf32, #tpu.memory_space<vmem>>)
    %dma_wait3A_139 = arith.constant 2048 : i32
    %dma_wait3A_140 = tpu.memref_slice %arg14[%dma_wait3A_139] : memref<3584xf32, #tpu.memory_space<vmem>> -> memref<512xf32, #tpu.memory_space<vmem>>
    %dma_wait3A_141 = arith.constant 2048 : i32
    %dma_wait3A_142 = tpu.memref_slice %arg13[%dma_wait3A_141] : memref<3584xi32, #tpu.memory_space<vmem>> -> memref<512xi32, #tpu.memory_space<vmem>>
    %dma_wait3A_143 = arith.constant 0 : i32
    %dma_wait3A_144 = tpu.memref_slice %arg7[%dma_wait3A_143] : memref<100000xf32, #tpu.memory_space<hbm>> -> memref<100000xf32, #tpu.memory_space<hbm>>
    tpu.wait_indirect_dma semaphore(%arg17 : memref<!tpu.dma_semaphore, #tpu.memory_space<semaphore_mem>>) src(%dma_wait3A_144 : memref<100000xf32, #tpu.memory_space<hbm>>) dst(%dma_wait3A_140 : memref<512xf32, #tpu.memory_space<vmem>>)
    %dma_wait3A_145 = arith.constant 2560 : i32
    %dma_wait3A_146 = tpu.memref_slice %arg14[%dma_wait3A_145] : memref<3584xf32, #tpu.memory_space<vmem>> -> memref<512xf32, #tpu.memory_space<vmem>>
    %dma_wait3A_147 = arith.constant 2560 : i32
    %dma_wait3A_148 = tpu.memref_slice %arg13[%dma_wait3A_147] : memref<3584xi32, #tpu.memory_space<vmem>> -> memref<512xi32, #tpu.memory_space<vmem>>
    %dma_wait3A_149 = arith.constant 0 : i32
    %dma_wait3A_150 = tpu.memref_slice %arg8[%dma_wait3A_149] : memref<100000xf32, #tpu.memory_space<hbm>> -> memref<100000xf32, #tpu.memory_space<hbm>>
    tpu.wait_indirect_dma semaphore(%arg17 : memref<!tpu.dma_semaphore, #tpu.memory_space<semaphore_mem>>) src(%dma_wait3A_150 : memref<100000xf32, #tpu.memory_space<hbm>>) dst(%dma_wait3A_146 : memref<512xf32, #tpu.memory_space<vmem>>)
    %dma_wait3A_151 = arith.constant 3072 : i32
    %dma_wait3A_152 = tpu.memref_slice %arg14[%dma_wait3A_151] : memref<3584xf32, #tpu.memory_space<vmem>> -> memref<512xf32, #tpu.memory_space<vmem>>
    %dma_wait3A_153 = arith.constant 3072 : i32
    %dma_wait3A_154 = tpu.memref_slice %arg13[%dma_wait3A_153] : memref<3584xi32, #tpu.memory_space<vmem>> -> memref<512xi32, #tpu.memory_space<vmem>>
    %dma_wait3A_155 = arith.constant 0 : i32
    %dma_wait3A_156 = tpu.memref_slice %arg9[%dma_wait3A_155] : memref<100000xf32, #tpu.memory_space<hbm>> -> memref<100000xf32, #tpu.memory_space<hbm>>
    tpu.wait_indirect_dma semaphore(%arg17 : memref<!tpu.dma_semaphore, #tpu.memory_space<semaphore_mem>>) src(%dma_wait3A_156 : memref<100000xf32, #tpu.memory_space<hbm>>) dst(%dma_wait3A_152 : memref<512xf32, #tpu.memory_space<vmem>>)
    %scan3A_157 = arith.constant 0 : i32
    %scan3A_158 = arith.constant 0 : i32
    %scan3A_159 = arith.constant 32 : i32
    %scan3A_160 = arith.addi %scan3A_158, %scan3A_159 : i32
    %scan3A_161 = arith.constant 1 : i32
    scf.for %scan3A_167 = %scan3A_158 to %scan3A_160 step %scan3A_161  : i32 {
      %mul3A_168 = arith.constant 16 : i32
      %mul3A_169 = arith.muli %scan3A_167, %mul3A_168 : i32
      %get3A = arith.index_cast %mul3A_169 : i32 to index
      %get3A_170 = tpu.vector_load %arg16[%get3A] {strides = array<i32>} : memref<512xf32, #tpu.memory_space<vmem>>, vector<16xf32>,
      %add3A_171 = arith.constant 0 : i32
      %add3A_172 = arith.addi %add3A_171, %mul3A_169 : i32
      %get3A_173 = arith.index_cast %add3A_172 : i32 to index
      %get3A_174 = tpu.vector_load %arg14[%get3A_173] {strides = array<i32>} : memref<3584xf32, #tpu.memory_space<vmem>>, vector<16xf32>,
      %add3A_175 = arith.addf %get3A_170, %get3A_174 : vector<16xf32>
      %add3A_176 = arith.constant 512 : i32
      %add3A_177 = arith.addi %add3A_176, %mul3A_169 : i32
      %get3A_178 = arith.index_cast %add3A_177 : i32 to index
      %get3A_179 = tpu.vector_load %arg14[%get3A_178] {strides = array<i32>} : memref<3584xf32, #tpu.memory_space<vmem>>, vector<16xf32>,
      %add3A_180 = arith.addf %add3A_175, %get3A_179 : vector<16xf32>
      %add3A_181 = arith.constant 1024 : i32
      %add3A_182 = arith.addi %add3A_181, %mul3A_169 : i32
      %get3A_183 = arith.index_cast %add3A_182 : i32 to index
      %get3A_184 = tpu.vector_load %arg14[%get3A_183] {strides = array<i32>} : memref<3584xf32, #tpu.memory_space<vmem>>, vector<16xf32>,
      %add3A_185 = arith.addf %add3A_180, %get3A_184 : vector<16xf32>
      %add3A_186 = arith.constant 1536 : i32
      %add3A_187 = arith.addi %add3A_186, %mul3A_169 : i32
      %get3A_188 = arith.index_cast %add3A_187 : i32 to index
      %get3A_189 = tpu.vector_load %arg14[%get3A_188] {strides = array<i32>} : memref<3584xf32, #tpu.memory_space<vmem>>, vector<16xf32>,
      %add3A_190 = arith.addf %add3A_185, %get3A_189 : vector<16xf32>
      %add3A_191 = arith.constant 2048 : i32
      %add3A_192 = arith.addi %add3A_191, %mul3A_169 : i32
      %get3A_193 = arith.index_cast %add3A_192 : i32 to index
      %get3A_194 = tpu.vector_load %arg14[%get3A_193] {strides = array<i32>} : memref<3584xf32, #tpu.memory_space<vmem>>, vector<16xf32>,
      %add3A_195 = arith.addf %add3A_190, %get3A_194 : vector<16xf32>
      %add3A_196 = arith.constant 2560 : i32
      %add3A_197 = arith.addi %add3A_196, %mul3A_169 : i32
      %get3A_198 = arith.index_cast %add3A_197 : i32 to index
      %get3A_199 = tpu.vector_load %arg14[%get3A_198] {strides = array<i32>} : memref<3584xf32, #tpu.memory_space<vmem>>, vector<16xf32>,
      %add3A_200 = arith.addf %add3A_195, %get3A_199 : vector<16xf32>
      %add3A_201 = arith.constant 3072 : i32
      %add3A_202 = arith.addi %add3A_201, %mul3A_169 : i32
      %get3A_203 = arith.index_cast %add3A_202 : i32 to index
      %get3A_204 = tpu.vector_load %arg14[%get3A_203] {strides = array<i32>} : memref<3584xf32, #tpu.memory_space<vmem>>, vector<16xf32>,
      %add3A_205 = arith.addf %add3A_200, %get3A_204 : vector<16xf32>
      %swap3A = arith.index_cast %mul3A_169 : i32 to index
      %swap3A_206 = tpu.vector_load %arg16[%swap3A] {strides = array<i32>} : memref<512xf32, #tpu.memory_space<vmem>>, vector<16xf32>,
      tpu.vector_store %arg16[%swap3A], %add3A_205 {strides = array<i32>} : memref<512xf32, #tpu.memory_space<vmem>>, vector<16xf32>,
    }
    %scan3A_162 = arith.constant 32 : i32
    %dma_start3A_163 = tpu.memref_slice %arg11[%mul3A_2] : memref<16384xf32, #tpu.memory_space<hbm>> -> memref<512xf32, #tpu.memory_space<hbm>>
    %dma_start3A_164 = tpu.memref_slice %arg11[%mul3A_2] : memref<16384xf32, #tpu.memory_space<hbm>> -> memref<512xf32, #tpu.memory_space<hbm>>
    tpu.enqueue_dma source(%arg16 : memref<512xf32, #tpu.memory_space<vmem>>) target(%dma_start3A_164 : memref<512xf32, #tpu.memory_space<hbm>>) target_semaphore(%arg17 : memref<!tpu.dma_semaphore, #tpu.memory_space<semaphore_mem>>)
    %dma_wait3A_165 = tpu.memref_slice %arg11[%mul3A_2] : memref<16384xf32, #tpu.memory_space<hbm>> -> memref<512xf32, #tpu.memory_space<hbm>>
    %dma_wait3A_166 = tpu.memref_slice %arg11[%mul3A_2] : memref<16384xf32, #tpu.memory_space<hbm>> -> memref<512xf32, #tpu.memory_space<hbm>>
    tpu.wait_dma2 semaphore(%arg17 : memref<!tpu.dma_semaphore, #tpu.memory_space<semaphore_mem>>) src(%arg16 : memref<512xf32, #tpu.memory_space<vmem>>) dst(%dma_wait3A_166 : memref<512xf32, #tpu.memory_space<hbm>>)
    return
  }
}

</mosaic_0001>

<sc_bundles>
// kernel: kernel.4.cloned.1.call-start
scs
__scs_entry_jumppad:
0x0: {  	(pc) =	sbr.rel $0x88, $3  }
0x1: {  	(tag) =	ssettag $0x0;
	lr =	simm.s32 $0x1  }
0x2: {  	[smem:$0x3F9D] =	sst lr;
	_ =	strace $0xD0000000  }
0x3: {  	_ = 	snop  }
0x4: {  	_ = 	snop  }
0x5: {  	_ = 	snop  }
0x6: {  	_ = 	snop  }
0x7: {  	_ = 	snop  }
__scs_overlays_trampoline_lowered:
0x8: {  	[smem:$0x3FAC] =	sst s0  }
0x9: {  	[smem:$0x3FAD] =	sst s1  }
0xa: {  	[smem:$0x3FAE] =	sst s2  }
0xb: {  	[smem:$0x3FAF] =	sst s3  }
0xc: {  	[smem:$0x3FB0] =	sst s4  }
0xd: {  	[smem:$0x3FB1] =	sst s5  }
0xe: {  	[smem:$0x3FB2] =	sst s6  }
0xf: {  	[smem:$0x3FB3] =	sst s7  }
0x10: {  	[smem:$0x3FB4] =	sst s8  }
0x11: {  	[smem:$0x3FB5] =	sst s9;
	s0 =	simm.s32 @!p0 $0x0  }
0x12: {  	s1 =	sld [smem:$0x3F9B];
	s0 =	simm.s32 @p0 $0x1  }
0x13: {  	[smem:$0x3FB6] =	sst s0;
	s0 =	simm.s32 @!p1 $0x0  }
0x14: {  	s2 =	sld [smem:$0x3F9A];
	s0 =	simm.s32 @p1 $0x1  }
0x15: {  	[smem:$0x3FB7] =	sst s0;
	s0 =	simm.s32 @!p2 $0x0  }
0x16: {  	s3 =	sld [smem:$0x3FDB];
	s0 =	simm.s32 @p2 $0x1  }
0x17: {  	s4 =	simm.s32 $0x1BF5;
	[smem:$0x3FB9] =	sst s0  }
0x18: {  	s0 =	sld [smem:$0x3F9C];
	_ =	swait.ge [sflag:s4], $0x0  }
0x19: {  	s7 =	sld [smem:$0x3F9D]  }
0x1a: {  	s8 =	sadd.s32 $0xFFFFE003, lr  }
0x1b: {  	s9 =	sadd.s32 $0xFFFFFEF7, lr;
	s5 =	simm.s32 $0xFFFFFFFF;
	p2 =	slt.u32 s8, $0xFFFFF086  }
0x1c: {  	p1 =	slt.u32 s9, $0xF7A;
	s5 =	simm.s32 @!p2 $0x0  }
0x1d: {  	s5 =	simm.s32 @p1 $0x1;
	p0 =	seq.s32 s7, s2  }
0x1e: {  	s7 =	smul.u32 @!p0 $0xF7A, s2;
	p2 =	seq.s32 @!p0 s5, $0x0  }
0x1f: {  	s9 =	smul.u32 $0xF7A, s1;
	s8 =	simm.s32 @!p0 $0x1BF5;
	p2 =	por !p2, p0  }
0x20: {  	[sflag:s8] =	ssyncset.s32 @!p0 $0xFFFFF086;
	s6 =	sadd.s32 @!p0 s3, s7;
	s7 =	simm.s32 @!p0 $0x108  }
0x21: {  	s3 =	sadd.s32 s3, s9;
	s6 =	sadd.s32 @!p0 $0x88, s6;
	s7 =	simm.s32 @p2 $0x1082  }
0x22: {  	[simem:s7], [sflag:s8] =	dma.local @!p0 [hbm:s6], $0xF7A  }
0x23: {  	s9 =	sor.u32 $0xD0000000, s2;
	s6 =	simm.s32 $0x108;
	_ =	swait.ge @!p0 [sflag:s8], $0x0  }
0x24: {  	s3 =	sadd.s32 $0x88, s3;
	s6 =	simm.s32 @!p1 $0x1082;
	[sflag:s4] =	ssyncset.s32 $0xFFFFF086  }
0x25: {  	[simem:s6], [sflag:s4] =	dma.local [hbm:s3], $0xF7A  }
0x26: {  	[smem:$0x3F9D] =	sst s1;
	(tag) =	ssettag s2;
	_ =	strace s9  }
0x27: {  	s1 =	sld [smem:$0x3FAD]  }
0x28: {  	s2 =	sld [smem:$0x3FAE]  }
0x29: {  	s4 =	sld [smem:$0x3FB0]  }
0x2a: {  	p0 =	seq.s32 s5, $0x0;
	s5 =	sld [smem:$0x3FB1]  }
0x2b: {  	s6 =	sld [smem:$0x3FB2]  }
0x2c: {  	s7 =	sld [smem:$0x3FB3]  }
0x2d: {  	s3 =	simm.s32 $0x108;
	s8 =	sld [smem:$0x3FB4]  }
0x2e: {  	s3 =	simm.s32 @!p0 $0x1082;
	s9 =	sld [smem:$0x3FB5]  }
0x2f: {  	lr =	sadd.s32 s0, s3;
	s0 =	sld [smem:$0x3FAC]  }
0x30: {  	s3 =	sld [smem:$0x3FAF]  }
0x31: {  	[smem:$0x3FB8] =	sst s10  }
0x32: {  	s10 =	sld [smem:$0x3FB6];
	_ =	sdelay $0x3  }
0x33: {  	p0 =	seq.s32 s10, $0x1;
	s10 =	sld [smem:$0x3FB8];
	_ =	sdelay $0x3  }
0x34: {  	[smem:$0x3FB8] =	sst s10  }
0x35: {  	s10 =	sld [smem:$0x3FB7];
	_ =	sdelay $0x3  }
0x36: {  	p1 =	seq.s32 s10, $0x1;
	s10 =	sld [smem:$0x3FB8];
	_ =	sdelay $0x3  }
0x37: {  	[smem:$0x3FB8] =	sst s10  }
0x38: {  	s10 =	sld [smem:$0x3FB9]  }
0x39: {  	_ = 	snop;
	(pc) =	sbr.ind lr, $3  }
0x3a: {  	_ = 	snop  }
0x3b: {  	_ = 	snop  }
0x3c: {  	p2 =	seq.s32 s10, $0x1;
	s10 =	sld [smem:$0x3FB8]  }
0x3d: {  	_ =	shalt  }
0x3e: {  	_ =	shalt  }
0x3f: {  	_ =	shalt  }
0x40: {  	_ =	shalt  }
0x41: {  	_ =	shalt  }
0x42: {  	_ =	shalt  }
0x43: {  	_ =	shalt  }
0x44: {  	_ =	shalt  }
0x45: {  	_ =	shalt  }
0x46: {  	_ =	shalt  }
0x47: {  	_ =	shalt  }
0x48: {  	_ =	shalt  }
0x49: {  	_ =	shalt  }
0x4a: {  	_ =	shalt  }
0x4b: {  	_ =	shalt  }
0x4c: {  	_ =	shalt  }
0x4d: {  	_ =	shalt  }
0x4e: {  	_ =	shalt  }
0x4f: {  	_ =	shalt  }
0x50: {  	_ =	shalt  }
0x51: {  	_ =	shalt  }
0x52: {  	_ =	shalt  }
0x53: {  	_ =	shalt  }
0x54: {  	_ =	shalt  }
0x55: {  	_ =	shalt  }
0x56: {  	_ =	shalt  }
0x57: {  	_ =	shalt  }
0x58: {  	_ =	shalt  }
0x59: {  	_ =	shalt  }
0x5a: {  	_ =	shalt  }
0x5b: {  	_ =	shalt  }
0x5c: {  	_ =	shalt  }
0x5d: {  	_ =	shalt  }
0x5e: {  	_ =	shalt  }
0x5f: {  	_ =	shalt  }
0x60: {  	_ =	shalt  }
0x61: {  	_ =	shalt  }
0x62: {  	_ =	shalt  }
0x63: {  	_ =	shalt  }
0x64: {  	_ =	shalt  }
0x65: {  	_ =	shalt  }
0x66: {  	_ =	shalt  }
0x67: {  	_ =	shalt  }
0x68: {  	_ =	shalt  }
0x69: {  	_ =	shalt  }
0x6a: {  	_ =	shalt  }
0x6b: {  	_ =	shalt  }
0x6c: {  	_ =	shalt  }
0x6d: {  	_ =	shalt  }
0x6e: {  	_ =	shalt  }
0x6f: {  	_ =	shalt  }
0x70: {  	_ =	shalt  }
0x71: {  	_ =	shalt  }
0x72: {  	_ =	shalt  }
0x73: {  	_ =	shalt  }
0x74: {  	_ =	shalt  }
0x75: {  	_ =	shalt  }
0x76: {  	_ =	shalt  }
0x77: {  	_ =	shalt  }
0x78: {  	_ =	shalt  }
0x79: {  	_ =	shalt  }
0x7a: {  	_ =	shalt  }
0x7b: {  	_ =	shalt  }
0x7c: {  	_ =	shalt  }
0x7d: {  	_ =	shalt  }
0x7e: {  	_ =	shalt  }
0x7f: {  	_ =	shalt  }
0x80: {  	_ =	shalt  }
0x81: {  	_ =	shalt  }
0x82: {  	_ =	shalt  }
0x83: {  	_ =	shalt  }
0x84: {  	_ =	shalt  }
0x85: {  	_ =	shalt  }
0x86: {  	_ =	shalt  }
0x87: {  	_ =	shalt  }
.Lfunc_end0:
.L_simem_size_0:
called_computation_lowered:
.L_overlay_start_0:
0x88: {  	s2 =	sld [smem:$0x3FD9]  }
0x89: {  	s3 =	sld [smem:$0x3FFE];
	_ =	sdelay $0x1  }
0x8a: {  	s1 =	srdreg.scid  }
0x8b: {  	s0 =	sand.u32 $0x1, s1  }
0x8c: {  	s17 =	sshll.u32 s0, $0xA;
	s2 =	sadd.s32 s3, s2  }
0x8d: {  	s2 =	sadd.s32 s2, s17  }
0x8e: {  	[smem:$0x3FC4] =	sst s2  }
0x8f: {  	_ = 	snop  }
0x90: {  	s2 =	sld [smem:$0x3FC9]  }
0x91: {  	s18 =	sld [smem:$0x3FC8]  }
0x92: {  	s4 =	sld [smem:$0x3FD0];
	(tm) =	ssettm $0x1  }
0x93: {  	s5 =	sld [smem:$0x3FFB];
	_ =	sdelay $0x3  }
0x94: {  	_ =	strace s5  }
0x95: {  	s5 =	sld [smem:$0x3FFC];
	_ =	sdelay $0x3  }
0x96: {  	_ =	strace s5  }
0x97: {  	s5 =	sld [smem:$0x3FFD];
	_ =	sdelay $0x3  }
0x98: {  	_ =	strace s5  }
0x99: {  	_ =	strace $0x8FFFFFFF  }
0x9a: {  	s19 =	sld [smem:$0x3FDB];
	_ =	sdelay $0x1  }
0x9b: {  	s6 =	simm.s32 $_scs_section_size  }
0x9c: {  	s7 =	simm.s32 $_size__tile_overlayer_lowered;
	s8 =	simm.s32 $_tile_overlayer_lowered  }
0x9d: {  	s22 =	simm.s32 $0x1BFF;
	s21 =	sshll.u32 s8, $0x1;
	s5 =	sadd.s32 s6, s19  }
0x9e: {  	s9 =	simm.s32 $0x0;
	s20 =	sshll.u32 s7, $0x1;
	s7 =	sadd.s32 s21, s5  }
0x9f: {  	[timem:s9], [sflag:s22] =	dma.local [hbm:s7], s20  }
0xa0: {  	_ =	swait.ge [sflag:s22], s20  }
0xa1: {  	s6 =	ssub.s32 $0x0, s20;
	[sflag:s22] =	ssyncset.done $0x0  }
0xa2: {  	[sflag:s22] =	ssyncadd.s32 s6;
	_ =	sdelay $0x1  }
0xa3: {  	s23 =	simm.s32 $0x1B8B  }
0xa4: {  	_ =	swait.ge [sflag:s23], $0x1  }
0xa5: {  	[sflag:s23] =	ssyncset.done $0x0  }
0xa6: {  	s25 =	simm.s32 $0x1B8E;
	s24 =	sld [smem:$0x3FFE];
	[sflag:s23] =	ssyncadd.s32 $0xFFFFFFFF  }
0xa7: {  	s26 =	simm.s32 $execute0_lowered;
	[smem:$0x3FD2] =	sst s25  }
0xa8: {  	s7 =	sshll.u32 s26, $0x1;
	_ =	strace $0x80000046;
	[dreg:$0x1] =	wrdreg $0xFFFFFFFF  }
0xa9: {  	s28 =	simm.s32 $_size_execute0_lowered;
	s5 =	sadd.s32 s5, s7;
	[dreg:$0x0] =	wrdreg $0x0  }
0xaa: {  	s7 =	sshll.u32 s28, $0x1;
	[dreg:$0x2] =	wrdreg s5  }
0xab: {  	[dreg:$0x3] =	wrdreg s7  }
0xac: {  	[dreg:$0x4] =	wrdreg $0xC0  }
0xad: {  	_ =	task [dreg:s9], $0x5FFFF  }
0xae: {  	[dreg:$0x1] =	wrdreg $0xFFFFFFFF  }
0xaf: {  	[dreg:$0x0] =	wrdreg $0x60  }
0xb0: {  	[dreg:$0x2] =	wrdreg s2  }
0xb1: {  	[dreg:$0x3] =	wrdreg s18  }
0xb2: {  	[dreg:$0x4] =	wrdreg s24  }
0xb3: {  	[dreg:$0x5] =	wrdreg s4  }
0xb4: {  	[dreg:$0x6] =	wrdreg $0x9  }
0xb5: {  	_ =	task.clear_ibuf [dreg:s9], $0x7FFFF;
	_ =	strace $0x90000046  }
0xb6: {  	s29 =	simm.s32 $0x9;
	_ =	strace $0x80000048  }
0xb7: {  	_ =	swait.ge [sflag:s29], $0x1  }
0xb8: {  	[sflag:s29] =	ssyncadd.s32 $0xFFFFFFFF  }
0xb9: {  	_ =	strace $0x90000048  }
0xba: {  	_ =	sfence  }
0xbb: {  	s30 =	sld [smem:$0x0];
	_ =	sdelay $0x2  }
0xbc: {  	s31 =	sshll.u32 s1, $0xD;
	s1 =	sshrl.u32 s1, $0x2  }
0xbd: {  	s3 =	sand.u32 $0x4000, s31;
	s1 =	sadd.s32 s1, s30  }
0xbe: {  	s0 =	sor.u32 s3, s0;
	s1 =	sshll.u32 s1, $0x11  }
0xbf: {  	s0 =	sor.u32 s1, s0  }
0xc0: {  	s0 =	sadd.s32 $0x8F2B, s0  }
0xc1: {  	[sflag:s0] =	ssyncadd.remote.s32 $0x1  }
0xc2: {  	_ =	sfence.sel $0xFFFF  }
0xc3: {  	[dreg:$0x0] =	wrdreg $0xFFFFFFFF;
	(pc) =	sbr.abs _section_cstart, $3  }
0xc4: {  	[dreg:$0x1] =	wrdreg $0xFFFFFFFF  }
0xc5: {  	_ =	task.clear_ibuf [dreg:s9], $0x2FFFF;
	_ =	strace $0x9FFFFFFF  }
0xc6: {  	(tm) =	ssettm $0x7FFFFFFF  }
0xc7: {  	_ =	shalt  }
tec
execute0_lowered:
.L_overlay_start_1:
0x0: {  	(tag) =	ssettag $0x1  }
0x1: {  	s0 =	rddreg [dreg:$0x0]  }
0x2: {  	s1 =	rddreg [dreg:$0x1]  }
0x3: {  	s6 =	rddreg [dreg:$0x2]  }
0x4: {  	s3 =	simm.s32 $0x0;
	s23 =	srdreg.scid;
	s4 =	stileid.u32  }
0x5: {  	s28 =	simm.s32 $0x1000;
	s29 =	simm.s32 $0x20000;
	s30 =	simm.s32 $0x8C00  }
0x6: {  	s16 =	simm.s32 $0x200;
	s31 =	simm.s32 $0x3;
	[smem:$0x7FF] =	sst s3  }
0x7: {  	s2 =	sadd.s32 $0x38400, s6;
	s18 =	sadd.s32 $0x35200, s6;
	s19 =	sadd.s32 $0x32000, s6  }
0x8: {  	s20 =	sadd.s32 $0x2EE00, s6;
	_ =	strace $0x80000047;
	[dreg:$0x5] =	wrdreg s2  }
0x9: {  	s21 =	sadd.s32 $0x2BC00, s6;
	s22 =	sadd.s32 $0x28A00, s6;
	[dreg:$0x6] =	wrdreg s18  }
0xa: {  	s10 =	sadd.s32 $0x25800, s6;
	s11 =	sadd.s32 $0x22600, s6;
	[dreg:$0x7] =	wrdreg s19  }
0xb: {  	s12 =	sadd.s32 $0x1F400, s6;
	s13 =	sadd.s32 $0x1C200, s6;
	[dreg:$0x8] =	wrdreg s20  }
0xc: {  	s14 =	sadd.s32 $0x19000, s6;
	s15 =	sadd.s32 $0x15E00, s6;
	[dreg:$0x9] =	wrdreg s21  }
0xd: {  	s17 =	sadd.s32 $0x12C00, s6;
	s4 =	sshll.u32 s4, $0xA;
	[dreg:$0xa] =	wrdreg s22  }
0xe: {  	s18 =	sadd.s32 $0xFA00, s6;
	s19 =	sadd.s32 $0xC800, s6;
	s2 =	sand.u32 $0x1, s23  }
0xf: {  	s20 =	sadd.s32 $0x9600, s6;
	s5 =	sshll.u32 s2, $0x9;
	s2 =	ssub.s32 $0x2, s2  }
0x10: {  	s23 =	sadd.s32 $0x6400, s6;
	s4 =	sor.u32 s5, s4;
	s24 =	sshrl.u32 s2, $0x1  }
0x11: {  	s2 =	ssub.s32 s2, s24;
	s25 =	sshrl.u32 s4, $0x3;
	s21 =	sadd.s32 s0, s4  }
0x12: {  	s22 =	sadd.s32 s1, s4;
	s0 =	simm.s32 $0x2;
	s1 =	simm.s32 $0x1  }
0x13: {  	s4 =	simm.s32 $0x0;
	s26 =	sadd.s32 s25, s6;
	s25 =	smax.u32 s2, $0x1  }
0x14: {  	v0 =	vlaneseq.u32;
	s2 =	simm.s32 $0x4000;
	s24 =	sadd.s32 $0x3B600, s26;
	s26 =	sadd.s32 $0x3200, s6  }
.LBB2_1:
0x15: {  	[tilespmem:s3], [sflag:$0x2] =	stream.strided.gather [hbm4b:s21+s28], $0x4000, s29, s28, $0x38;
	v1 =	vmov s3;
	[tilespmem:$0xAE80] =	vst v63  }
0x16: {  	v2 =	vor.u32 s3, v0;
	v1 =	vshll.u32 v1, $0x3  }
0x17: {  	v2 =	vand.u32 $0x7F, v2;
	[tilespmem:s30], [sflag:$0x3] =	stream.strided.gather [hbm4b:s22+s28], $0x2000, s29, s28, $0x38;
	v1 =	vand.u32 $0xC00, v1;
	[tilespmem:$0xAE80] =	vst v63  }
0x18: {  	s5 =	rddreg [dreg:$0x3];
	s6 =	simm.s32 $0xAC00;
	v1 =	vor.u32 v2, v1  }
0x19: {  	[tilespmem:s6], [sflag:$0x3] =	stream.linear.gather [hbm4b:s5+s3], $0x80, $0x38;
	[tilespmem:$0xAE80] =	vst v63  }
0x1a: {  	_ =	swait.ge [sflag:s0], $0x4000  }
0x1b: {  	[sflag:s0] =	ssyncset.done $0x0  }
0x1c: {  	s9 =	simm.s32 $0x10;
	[sflag:s0] =	ssyncadd.s32 $0xFFFFC000  }
0x1d: {  	v3 =	vld.idx.msk [tilespmem:v1+s3+$0x0], $0xffff;
	v1 =	vmov s9  }
0x1e: {  	v2 =	vor.u32 s9, v0;
	v1 =	vshll.u32 v1, $0x3  }
0x1f: {  	v2 =	vand.u32 $0x7F, v2;
	v1 =	vand.u32 $0xC00, v1  }
0x20: {  	v1 =	vor.u32 v2, v1;
	_ =	sdelay $0x2  }
0x21: {  	s6 =	simm.s32 $0x20  }
0x22: {  	s7 =	simm.s32 $0x30;
	s5 =	simm.s32 $0x4000;
	v2 =	vmov s6;
	[tilespmem:s2+$0x0] =	vst v3  }
.LBB2_2:
0x23: {  	p0 =	sne.s32 s7, $0x1F0;
	v3 =	vor.u32 s6, v0;
	v2 =	vshll.u32 v2, $0x3;
	v4 =	vld.idx.msk [tilespmem:v1+s3+$0x0], $0xffff;
	s6 =	smov.u32 s7  }
0x24: {  	v1 =	vand.u32 $0x7F, v3;
	v2 =	vand.u32 $0xC00, v2  }
.Ltmp0:
0x25: {  	v1 =	vor.u32 v1, v2;
	(pc) =	sbr.rel @p0 .LBB2_2-.Ltmp0, $3  }
0x26: {  	_ =	sdelay $0x1  }
0x27: {  	s5 =	sadd.s32 $0x10, s5  }
0x28: {  	s7 =	sadd.s32 $0x10, s7;
	v2 =	vmov s6;
	[tilespmem:s5+$0x0] =	vst v4  }
0x29: {  	_ =	sdelay $0x3  }
0x2a: {  	v3 =	vor.u32 s6, v0;
	v2 =	vshll.u32 v2, $0x3;
	v1 =	vld.idx.msk [tilespmem:v1+s3+$0x0], $0xffff  }
0x2b: {  	v3 =	vand.u32 $0x7F, v3;
	v2 =	vand.u32 $0xC00, v2  }
0x2c: {  	v2 =	vor.u32 v3, v2;
	_ =	sdelay $0x1  }
0x2d: {  	s5 =	sadd.s32 $0x10, s5;
	s8 =	simm.s32 $0x0  }
0x2e: {  	[tilespmem:s5+$0x0] =	vst v1;
	v1 =	vmov s8  }
0x2f: {  	v3 =	vor.u32 s8, v0;
	v1 =	vshll.u32 v1, $0x3  }
0x30: {  	v3 =	vand.u32 $0x7F, v3;
	v2 =	vld.idx.msk [tilespmem:v2+s3+$0x0], $0xffff;
	v1 =	vand.u32 $0xC00, v1  }
0x31: {  	v1 =	vor.u32 v3, v1  }
0x32: {  	v1 =	vor.u32 $0x80, v1  }
0x33: {  	s6 =	simm.s32 $0x10  }
0x34: {  	s5 =	sadd.s32 $0x10, s5;
	v3 =	vmov s6  }
0x35: {  	s9 =	rddreg [dreg:$0x5];
	s7 =	simm.s32 $0x6600;
	v3 =	vshll.u32 v3, $0x3;
	[tilespmem:s5+$0x0] =	vst v2;
	v2 =	vor.u32 s6, v0  }
0x36: {  	v3 =	vand.u32 $0xC00, v3;
	[tilespmem:s7], [sflag:$0x1] =	stream.indirect.gather [hbm4b:s9+s16], $0x1, s2, s16, $0xb8;
	v2 =	vand.u32 $0x7F, v2;
	[tilespmem:$0xAE80] =	vst v63  }
0x37: {  	v3 =	vor.u32 v2, v3;
	v2 =	vld.idx.msk [tilespmem:v1+s3+$0x0], $0xffff  }
0x38: {  	v1 =	vor.u32 $0x80, v3;
	_ =	sdelay $0x1  }
0x39: {  	s5 =	simm.s32 $0x20  }
0x3a: {  	s8 =	sand.u32 $0x1F0, s8;
	s7 =	simm.s32 $0x30;
	v3 =	vmov s5  }
.LBB2_4:
0x3b: {  	p0 =	sne.s32 s7, $0x1F0;
	v4 =	vor.u32 s5, v0;
	v3 =	vshll.u32 v3, $0x3;
	[tilespmem:s8+$0x4200] =	vst v2;
	s9 =	smov.u32 s5;
	s5 =	smov.u32 s7  }
0x3c: {  	v4 =	vand.u32 $0x7F, v4;
	v3 =	vand.u32 $0xC00, v3;
	v2 =	vld.idx.msk [tilespmem:v1+s3+$0x0], $0xffff  }
.Ltmp1:
0x3d: {  	v1 =	vor.u32 v4, v3;
	(pc) =	sbr.rel @p0 .LBB2_4-.Ltmp1, $2  }
0x3e: {  	v1 =	vor.u32 $0x80, v1;
	_ =	sdelay $0x2  }
0x3f: {  	s7 =	sadd.s32 $0x10, s7;
	s8 =	sand.u32 $0x1F0, s6;
	s6 =	smov.u32 s9;
	v3 =	vmov s5  }
0x40: {  	_ =	sdelay $0x2  }
0x41: {  	v4 =	vor.u32 s5, v0;
	v3 =	vshll.u32 v3, $0x3;
	[tilespmem:s8+$0x4200] =	vst v2  }
0x42: {  	v2 =	vand.u32 $0x7F, v4;
	v3 =	vand.u32 $0xC00, v3;
	v1 =	vld.idx.msk [tilespmem:v1+s3+$0x0], $0xffff  }
0x43: {  	v2 =	vor.u32 v2, v3  }
0x44: {  	v2 =	vor.u32 $0x80, v2;
	_ =	sdelay $0x1  }
0x45: {  	s6 =	sand.u32 $0x1F0, s6;
	s8 =	simm.s32 $0x0  }
0x46: {  	[tilespmem:s6+$0x4200] =	vst v1;
	v1 =	vmov s8  }
0x47: {  	v3 =	vor.u32 s8, v0;
	v1 =	vshll.u32 v1, $0x3  }
0x48: {  	v3 =	vand.u32 $0x7F, v3;
	v2 =	vld.idx.msk [tilespmem:v2+s3+$0x0], $0xffff;
	v1 =	vand.u32 $0xC00, v1  }
0x49: {  	v1 =	vor.u32 v3, v1  }
0x4a: {  	v1 =	vor.u32 $0x100, v1  }
0x4b: {  	s6 =	simm.s32 $0x10  }
0x4c: {  	s9 =	sand.u32 $0x1F0, s5;
	v3 =	vmov s6  }
0x4d: {  	s5 =	rddreg [dreg:$0x6];
	s7 =	simm.s32 $0x4200;
	v3 =	vshll.u32 v3, $0x3;
	[tilespmem:s9+$0x4200] =	vst v2;
	v2 =	vor.u32 s6, v0;
	s9 =	simm.s32 $0x6800  }
0x4e: {  	v3 =	vand.u32 $0xC00, v3;
	[tilespmem:s9], [sflag:$0x1] =	stream.indirect.gather [hbm4b:s5+s16], $0x1, s7, s16, $0xb8;
	v2 =	vand.u32 $0x7F, v2;
	[tilespmem:$0xAE80] =	vst v63  }
0x4f: {  	v3 =	vor.u32 v2, v3;
	v2 =	vld.idx.msk [tilespmem:v1+s3+$0x0], $0xffff  }
0x50: {  	v1 =	vor.u32 $0x100, v3;
	_ =	sdelay $0x1  }
0x51: {  	s5 =	simm.s32 $0x20  }
0x52: {  	s8 =	sand.u32 $0x1F0, s8;
	s7 =	simm.s32 $0x30;
	v3 =	vmov s5  }
.LBB2_6:
0x53: {  	p0 =	sne.s32 s7, $0x1F0;
	v4 =	vor.u32 s5, v0;
	v3 =	vshll.u32 v3, $0x3;
	[tilespmem:s8+$0x4400] =	vst v2;
	s9 =	smov.u32 s5;
	s5 =	smov.u32 s7  }
0x54: {  	v4 =	vand.u32 $0x7F, v4;
	v3 =	vand.u32 $0xC00, v3;
	v2 =	vld.idx.msk [tilespmem:v1+s3+$0x0], $0xffff  }
.Ltmp2:
0x55: {  	v1 =	vor.u32 v4, v3;
	(pc) =	sbr.rel @p0 .LBB2_6-.Ltmp2, $2  }
0x56: {  	v1 =	vor.u32 $0x100, v1;
	_ =	sdelay $0x2  }
0x57: {  	s7 =	sadd.s32 $0x10, s7;
	s8 =	sand.u32 $0x1F0, s6;
	s6 =	smov.u32 s9;
	v3 =	vmov s5  }
0x58: {  	_ =	sdelay $0x2  }
0x59: {  	v4 =	vor.u32 s5, v0;
	v3 =	vshll.u32 v3, $0x3;
	[tilespmem:s8+$0x4400] =	vst v2  }
0x5a: {  	v2 =	vand.u32 $0x7F, v4;
	v3 =	vand.u32 $0xC00, v3;
	v1 =	vld.idx.msk [tilespmem:v1+s3+$0x0], $0xffff  }
0x5b: {  	v2 =	vor.u32 v2, v3  }
0x5c: {  	v2 =	vor.u32 $0x100, v2;
	_ =	sdelay $0x1  }
0x5d: {  	s6 =	sand.u32 $0x1F0, s6;
	s8 =	simm.s32 $0x0  }
0x5e: {  	[tilespmem:s6+$0x4400] =	vst v1;
	v1 =	vmov s8  }
0x5f: {  	v3 =	vor.u32 s8, v0;
	v1 =	vshll.u32 v1, $0x3  }
0x60: {  	v3 =	vand.u32 $0x7F, v3;
	v2 =	vld.idx.msk [tilespmem:v2+s3+$0x0], $0xffff;
	v1 =	vand.u32 $0xC00, v1  }
0x61: {  	v1 =	vor.u32 v3, v1  }
0x62: {  	v1 =	vor.u32 $0x180, v1  }
0x63: {  	s6 =	simm.s32 $0x10  }
0x64: {  	s9 =	sand.u32 $0x1F0, s5;
	v3 =	vmov s6  }
0x65: {  	s5 =	rddreg [dreg:$0x7];
	s7 =	simm.s32 $0x4400;
	v3 =	vshll.u32 v3, $0x3;
	[tilespmem:s9+$0x4400] =	vst v2;
	v2 =	vor.u32 s6, v0;
	s9 =	simm.s32 $0x6A00  }
0x66: {  	v3 =	vand.u32 $0xC00, v3;
	[tilespmem:s9], [sflag:$0x1] =	stream.indirect.gather [hbm4b:s5+s16], $0x1, s7, s16, $0xb8;
	v2 =	vand.u32 $0x7F, v2;
	[tilespmem:$0xAE80] =	vst v63  }
0x67: {  	v3 =	vor.u32 v2, v3;
	v2 =	vld.idx.msk [tilespmem:v1+s3+$0x0], $0xffff  }
0x68: {  	v1 =	vor.u32 $0x180, v3;
	_ =	sdelay $0x1  }
0x69: {  	s5 =	simm.s32 $0x20  }
0x6a: {  	s8 =	sand.u32 $0x1F0, s8;
	s7 =	simm.s32 $0x30;
	v3 =	vmov s5  }
.LBB2_8:
0x6b: {  	p0 =	sne.s32 s7, $0x1F0;
	v4 =	vor.u32 s5, v0;
	v3 =	vshll.u32 v3, $0x3;
	[tilespmem:s8+$0x4600] =	vst v2;
	s9 =	smov.u32 s5;
	s5 =	smov.u32 s7  }
0x6c: {  	v4 =	vand.u32 $0x7F, v4;
	v3 =	vand.u32 $0xC00, v3;
	v2 =	vld.idx.msk [tilespmem:v1+s3+$0x0], $0xffff  }
.Ltmp3:
0x6d: {  	v1 =	vor.u32 v4, v3;
	(pc) =	sbr.rel @p0 .LBB2_8-.Ltmp3, $2  }
0x6e: {  	v1 =	vor.u32 $0x180, v1;
	_ =	sdelay $0x2  }
0x6f: {  	s7 =	sadd.s32 $0x10, s7;
	s8 =	sand.u32 $0x1F0, s6;
	s6 =	smov.u32 s9;
	v3 =	vmov s5  }
0x70: {  	_ =	sdelay $0x2  }
0x71: {  	v4 =	vor.u32 s5, v0;
	v3 =	vshll.u32 v3, $0x3;
	[tilespmem:s8+$0x4600] =	vst v2  }
0x72: {  	v2 =	vand.u32 $0x7F, v4;
	v3 =	vand.u32 $0xC00, v3;
	v1 =	vld.idx.msk [tilespmem:v1+s3+$0x0], $0xffff  }
0x73: {  	v2 =	vor.u32 v2, v3  }
0x74: {  	v2 =	vor.u32 $0x180, v2;
	_ =	sdelay $0x1  }
0x75: {  	s6 =	sand.u32 $0x1F0, s6;
	s8 =	simm.s32 $0x0  }
0x76: {  	[tilespmem:s6+$0x4600] =	vst v1;
	v1 =	vmov s8  }
0x77: {  	v3 =	vor.u32 s8, v0;
	v1 =	vshll.u32 v1, $0x3  }
0x78: {  	v3 =	vand.u32 $0x7F, v3;
	v2 =	vld.idx.msk [tilespmem:v2+s3+$0x0], $0xffff;
	v1 =	vand.u32 $0xC00, v1  }
0x79: {  	v1 =	vor.u32 v3, v1  }
0x7a: {  	v1 =	vor.u32 $0x200, v1  }
0x7b: {  	s6 =	simm.s32 $0x10  }
0x7c: {  	s9 =	sand.u32 $0x1F0, s5;
	v3 =	vmov s6  }
0x7d: {  	s5 =	rddreg [dreg:$0x8];
	s7 =	simm.s32 $0x4600;
	v3 =	vshll.u32 v3, $0x3;
	[tilespmem:s9+$0x4600] =	vst v2;
	v2 =	vor.u32 s6, v0;
	s9 =	simm.s32 $0x6C00  }
0x7e: {  	v3 =	vand.u32 $0xC00, v3;
	[tilespmem:s9], [sflag:$0x1] =	stream.indirect.gather [hbm4b:s5+s16], $0x1, s7, s16, $0xb8;
	v2 =	vand.u32 $0x7F, v2;
	[tilespmem:$0xAE80] =	vst v63  }
0x7f: {  	v3 =	vor.u32 v2, v3;
	v2 =	vld.idx.msk [tilespmem:v1+s3+$0x0], $0xffff  }
0x80: {  	v1 =	vor.u32 $0x200, v3;
	_ =	sdelay $0x1  }
0x81: {  	s5 =	simm.s32 $0x20  }
0x82: {  	s8 =	sand.u32 $0x1F0, s8;
	s7 =	simm.s32 $0x30;
	v3 =	vmov s5  }
.LBB2_10:
0x83: {  	p0 =	sne.s32 s7, $0x1F0;
	v4 =	vor.u32 s5, v0;
	v3 =	vshll.u32 v3, $0x3;
	[tilespmem:s8+$0x4800] =	vst v2;
	s9 =	smov.u32 s5;
	s5 =	smov.u32 s7  }
0x84: {  	v4 =	vand.u32 $0x7F, v4;
	v3 =	vand.u32 $0xC00, v3;
	v2 =	vld.idx.msk [tilespmem:v1+s3+$0x0], $0xffff  }
.Ltmp4:
0x85: {  	v1 =	vor.u32 v4, v3;
	(pc) =	sbr.rel @p0 .LBB2_10-.Ltmp4, $2  }
0x86: {  	v1 =	vor.u32 $0x200, v1;
	_ =	sdelay $0x2  }
0x87: {  	s7 =	sadd.s32 $0x10, s7;
	s8 =	sand.u32 $0x1F0, s6;
	s6 =	smov.u32 s9;
	v3 =	vmov s5  }
0x88: {  	_ =	sdelay $0x2  }
0x89: {  	v4 =	vor.u32 s5, v0;
	v3 =	vshll.u32 v3, $0x3;
	[tilespmem:s8+$0x4800] =	vst v2  }
0x8a: {  	v2 =	vand.u32 $0x7F, v4;
	v3 =	vand.u32 $0xC00, v3;
	v1 =	vld.idx.msk [tilespmem:v1+s3+$0x0], $0xffff  }
0x8b: {  	v2 =	vor.u32 v2, v3  }
0x8c: {  	v2 =	vor.u32 $0x200, v2;
	_ =	sdelay $0x1  }
0x8d: {  	s6 =	sand.u32 $0x1F0, s6;
	s8 =	simm.s32 $0x0  }
0x8e: {  	[tilespmem:s6+$0x4800] =	vst v1;
	v1 =	vmov s8  }
0x8f: {  	v3 =	vor.u32 s8, v0;
	v1 =	vshll.u32 v1, $0x3  }
0x90: {  	v3 =	vand.u32 $0x7F, v3;
	v2 =	vld.idx.msk [tilespmem:v2+s3+$0x0], $0xffff;
	v1 =	vand.u32 $0xC00, v1  }
0x91: {  	v1 =	vor.u32 v3, v1  }
0x92: {  	v1 =	vor.u32 $0x280, v1  }
0x93: {  	s6 =	simm.s32 $0x10  }
0x94: {  	s9 =	sand.u32 $0x1F0, s5;
	v3 =	vmov s6  }
0x95: {  	s5 =	rddreg [dreg:$0x9];
	s7 =	simm.s32 $0x4800;
	v3 =	vshll.u32 v3, $0x3;
	[tilespmem:s9+$0x4800] =	vst v2;
	v2 =	vor.u32 s6, v0;
	s9 =	simm.s32 $0x6E00  }
0x96: {  	v3 =	vand.u32 $0xC00, v3;
	[tilespmem:s9], [sflag:$0x1] =	stream.indirect.gather [hbm4b:s5+s16], $0x1, s7, s16, $0xb8;
	v2 =	vand.u32 $0x7F, v2;
	[tilespmem:$0xAE80] =	vst v63  }
0x97: {  	v3 =	vor.u32 v2, v3;
	v2 =	vld.idx.msk [tilespmem:v1+s3+$0x0], $0xffff  }
0x98: {  	v1 =	vor.u32 $0x280, v3;
	_ =	sdelay $0x1  }
0x99: {  	s5 =	simm.s32 $0x20  }
0x9a: {  	s8 =	sand.u32 $0x1F0, s8;
	s7 =	simm.s32 $0x30;
	v3 =	vmov s5  }
.LBB2_12:
0x9b: {  	p0 =	sne.s32 s7, $0x1F0;
	v4 =	vor.u32 s5, v0;
	v3 =	vshll.u32 v3, $0x3;
	[tilespmem:s8+$0x4A00] =	vst v2;
	s9 =	smov.u32 s5;
	s5 =	smov.u32 s7  }
0x9c: {  	v4 =	vand.u32 $0x7F, v4;
	v3 =	vand.u32 $0xC00, v3;
	v2 =	vld.idx.msk [tilespmem:v1+s3+$0x0], $0xffff  }
.Ltmp5:
0x9d: {  	v1 =	vor.u32 v4, v3;
	(pc) =	sbr.rel @p0 .LBB2_12-.Ltmp5, $2  }
0x9e: {  	v1 =	vor.u32 $0x280, v1;
	_ =	sdelay $0x2  }
0x9f: {  	s7 =	sadd.s32 $0x10, s7;
	s8 =	sand.u32 $0x1F0, s6;
	s6 =	smov.u32 s9;
	v3 =	vmov s5  }
0xa0: {  	_ =	sdelay $0x2  }
0xa1: {  	v4 =	vor.u32 s5, v0;
	v3 =	vshll.u32 v3, $0x3;
	[tilespmem:s8+$0x4A00] =	vst v2  }
0xa2: {  	v2 =	vand.u32 $0x7F, v4;
	v3 =	vand.u32 $0xC00, v3;
	v1 =	vld.idx.msk [tilespmem:v1+s3+$0x0], $0xffff  }
0xa3: {  	v2 =	vor.u32 v2, v3  }
0xa4: {  	v2 =	vor.u32 $0x280, v2;
	_ =	sdelay $0x1  }
0xa5: {  	s6 =	sand.u32 $0x1F0, s6;
	s8 =	simm.s32 $0x0  }
0xa6: {  	[tilespmem:s6+$0x4A00] =	vst v1;
	v1 =	vmov s8  }
0xa7: {  	v3 =	vor.u32 s8, v0;
	v1 =	vshll.u32 v1, $0x3  }
0xa8: {  	v3 =	vand.u32 $0x7F, v3;
	v2 =	vld.idx.msk [tilespmem:v2+s3+$0x0], $0xffff;
	v1 =	vand.u32 $0xC00, v1  }
0xa9: {  	v1 =	vor.u32 v3, v1  }
0xaa: {  	v1 =	vor.u32 $0x300, v1  }
0xab: {  	s6 =	simm.s32 $0x10  }
0xac: {  	s9 =	sand.u32 $0x1F0, s5;
	v3 =	vmov s6  }
0xad: {  	s5 =	rddreg [dreg:$0xa];
	s7 =	simm.s32 $0x4A00;
	v3 =	vshll.u32 v3, $0x3;
	[tilespmem:s9+$0x4A00] =	vst v2;
	v2 =	vor.u32 s6, v0;
	s9 =	simm.s32 $0x7000  }
0xae: {  	v3 =	vand.u32 $0xC00, v3;
	[tilespmem:s9], [sflag:$0x1] =	stream.indirect.gather [hbm4b:s5+s16], $0x1, s7, s16, $0xb8;
	v2 =	vand.u32 $0x7F, v2;
	[tilespmem:$0xAE80] =	vst v63  }
0xaf: {  	v3 =	vor.u32 v2, v3;
	v2 =	vld.idx.msk [tilespmem:v1+s3+$0x0], $0xffff  }
0xb0: {  	v1 =	vor.u32 $0x300, v3;
	_ =	sdelay $0x1  }
0xb1: {  	s5 =	simm.s32 $0x20  }
0xb2: {  	s8 =	sand.u32 $0x1F0, s8;
	s7 =	simm.s32 $0x30;
	v3 =	vmov s5  }
.LBB2_14:
0xb3: {  	p0 =	sne.s32 s7, $0x1F0;
	v4 =	vor.u32 s5, v0;
	v3 =	vshll.u32 v3, $0x3;
	[tilespmem:s8+$0x4C00] =	vst v2;
	s9 =	smov.u32 s5;
	s5 =	smov.u32 s7  }
0xb4: {  	v4 =	vand.u32 $0x7F, v4;
	v3 =	vand.u32 $0xC00, v3;
	v2 =	vld.idx.msk [tilespmem:v1+s3+$0x0], $0xffff  }
.Ltmp6:
0xb5: {  	v1 =	vor.u32 v4, v3;
	(pc) =	sbr.rel @p0 .LBB2_14-.Ltmp6, $2  }
0xb6: {  	v1 =	vor.u32 $0x300, v1;
	_ =	sdelay $0x2  }
0xb7: {  	s7 =	sadd.s32 $0x10, s7;
	s8 =	sand.u32 $0x1F0, s6;
	s6 =	smov.u32 s9;
	v3 =	vmov s5  }
0xb8: {  	_ =	sdelay $0x1  }
0xb9: {  	v4 =	vor.u32 s5, v0;
	v3 =	vshll.u32 v3, $0x3  }
0xba: {  	[tilespmem:s8+$0x4C00] =	vst v2;
	v2 =	vand.u32 $0x7F, v4;
	v3 =	vand.u32 $0xC00, v3  }
0xbb: {  	v1 =	vld.idx.msk [tilespmem:v1+s3+$0x0], $0xffff;
	v2 =	vor.u32 v2, v3  }
0xbc: {  	v2 =	vor.u32 $0x300, v2;
	_ =	sdelay $0x2  }
0xbd: {  	s6 =	sand.u32 $0x1F0, s6  }
0xbe: {  	[tilespmem:s6+$0x4C00] =	vst v1  }
0xbf: {  	v1 =	vld.idx.msk [tilespmem:v2+s3+$0x0], $0xffff;
	_ =	sdelay $0x3  }
0xc0: {  	s8 =	sand.u32 $0x1F0, s5;
	s6 =	simm.s32 $0x0  }
0xc1: {  	v2 =	vor.u32 s6, v0;
	[tilespmem:s8+$0x4C00] =	vst v1;
	v1 =	vmov s6  }
0xc2: {  	v2 =	vand.u32 $0x7F, v2;
	v1 =	vshll.u32 v1, $0x3  }
0xc3: {  	v1 =	vor.u32 v2, v1  }
0xc4: {  	v1 =	vor.u32 $0x380, v1;
	_ =	sdelay $0x1  }
0xc5: {  	s9 =	simm.s32 $0x4C00;
	s7 =	simm.s32 $0x7200;
	s5 =	simm.s32 $0x10  }
0xc6: {  	[tilespmem:s7], [sflag:$0x1] =	stream.indirect.gather [hbm4b:s10+s16], $0x1, s9, s16, $0xb8;
	[tilespmem:$0xAE80] =	vst v63  }
0xc7: {  	v3 =	vor.u32 s5, v0;
	s7 =	simm.s32 $0x20;
	v2 =	vmov s5  }
.LBB2_16:
0xc8: {  	p0 =	sne.s32 s7, $0x1F0;
	v3 =	vand.u32 $0x7F, v3;
	v2 =	vshll.u32 v2, $0x3;
	v4 =	vld.idx.msk [tilespmem:v1+s3+$0x0], $0xffff  }
0xc9: {  	v1 =	vor.u32 v3, v2  }
.Ltmp7:
0xca: {  	v1 =	vor.u32 $0x380, v1;
	(pc) =	sbr.rel @p0 .LBB2_16-.Ltmp7, $3  }
0xcb: {  	_ =	sdelay $0x1  }
0xcc: {  	s8 =	sand.u32 $0x1F0, s6;
	s6 =	smov.u32 s5;
	s5 =	smov.u32 s7  }
0xcd: {  	s7 =	sadd.s32 $0x10, s7;
	v2 =	vmov s5;
	v3 =	vor.u32 s5, v0;
	[tilespmem:s8+$0x4E00] =	vst v4  }
0xce: {  	_ =	sdelay $0x3  }
0xcf: {  	v3 =	vand.u32 $0x7F, v3;
	v2 =	vshll.u32 v2, $0x3;
	v1 =	vld.idx.msk [tilespmem:v1+s3+$0x0], $0xffff  }
0xd0: {  	v2 =	vor.u32 v3, v2  }
0xd1: {  	v2 =	vor.u32 $0x380, v2;
	_ =	sdelay $0x1  }
0xd2: {  	s6 =	sand.u32 $0x1F0, s6;
	s8 =	simm.s32 $0x0  }
0xd3: {  	[tilespmem:s6+$0x4E00] =	vst v1;
	v1 =	vmov s8  }
0xd4: {  	v3 =	vor.u32 s8, v0;
	v1 =	vshll.u32 v1, $0x3  }
0xd5: {  	v3 =	vand.u32 $0x7F, v3;
	v2 =	vld.idx.msk [tilespmem:v2+s3+$0x0], $0xffff;
	v1 =	vand.u32 $0xC00, v1  }
0xd6: {  	v1 =	vor.u32 v3, v1  }
0xd7: {  	v1 =	vor.u32 $0x1000, v1  }
0xd8: {  	s6 =	simm.s32 $0x10  }
0xd9: {  	s5 =	sand.u32 $0x1F0, s5;
	v3 =	vmov s6  }
0xda: {  	s9 =	simm.s32 $0x4E00;
	s7 =	simm.s32 $0x7400;
	v3 =	vshll.u32 v3, $0x3;
	[tilespmem:s5+$0x4E00] =	vst v2;
	v2 =	vor.u32 s6, v0  }
0xdb: {  	v3 =	vand.u32 $0xC00, v3;
	[tilespmem:s7], [sflag:$0x1] =	stream.indirect.gather [hbm4b:s11+s16], $0x1, s9, s16, $0xb8;
	v2 =	vand.u32 $0x7F, v2;
	[tilespmem:$0xAE80] =	vst v63  }
0xdc: {  	v3 =	vor.u32 v2, v3;
	v2 =	vld.idx.msk [tilespmem:v1+s3+$0x0], $0xffff  }
0xdd: {  	v1 =	vor.u32 $0x1000, v3;
	_ =	sdelay $0x1  }
0xde: {  	s5 =	simm.s32 $0x20  }
0xdf: {  	s8 =	sand.u32 $0x1F0, s8;
	s7 =	simm.s32 $0x30;
	v3 =	vmov s5  }
.LBB2_18:
0xe0: {  	p0 =	sne.s32 s7, $0x1F0;
	v4 =	vor.u32 s5, v0;
	v3 =	vshll.u32 v3, $0x3;
	[tilespmem:s8+$0x5000] =	vst v2;
	s9 =	smov.u32 s5;
	s5 =	smov.u32 s7  }
0xe1: {  	v4 =	vand.u32 $0x7F, v4;
	v3 =	vand.u32 $0xC00, v3;
	v2 =	vld.idx.msk [tilespmem:v1+s3+$0x0], $0xffff  }
.Ltmp8:
0xe2: {  	v1 =	vor.u32 v4, v3;
	(pc) =	sbr.rel @p0 .LBB2_18-.Ltmp8, $2  }
0xe3: {  	v1 =	vor.u32 $0x1000, v1;
	_ =	sdelay $0x2  }
0xe4: {  	s7 =	sadd.s32 $0x10, s7;
	s8 =	sand.u32 $0x1F0, s6;
	s6 =	smov.u32 s9;
	v3 =	vmov s5  }
0xe5: {  	_ =	sdelay $0x2  }
0xe6: {  	v4 =	vor.u32 s5, v0;
	v3 =	vshll.u32 v3, $0x3;
	[tilespmem:s8+$0x5000] =	vst v2  }
0xe7: {  	v2 =	vand.u32 $0x7F, v4;
	v3 =	vand.u32 $0xC00, v3;
	v1 =	vld.idx.msk [tilespmem:v1+s3+$0x0], $0xffff  }
0xe8: {  	v2 =	vor.u32 v2, v3  }
0xe9: {  	v2 =	vor.u32 $0x1000, v2;
	_ =	sdelay $0x1  }
0xea: {  	s6 =	sand.u32 $0x1F0, s6;
	s8 =	simm.s32 $0x0  }
0xeb: {  	[tilespmem:s6+$0x5000] =	vst v1;
	v1 =	vmov s8  }
0xec: {  	v3 =	vor.u32 s8, v0;
	v1 =	vshll.u32 v1, $0x3  }
0xed: {  	v3 =	vand.u32 $0x7F, v3;
	v2 =	vld.idx.msk [tilespmem:v2+s3+$0x0], $0xffff;
	v1 =	vand.u32 $0xC00, v1  }
0xee: {  	v1 =	vor.u32 v3, v1  }
0xef: {  	v1 =	vor.u32 $0x1080, v1  }
0xf0: {  	s6 =	simm.s32 $0x10  }
0xf1: {  	s7 =	sand.u32 $0x1F0, s5;
	v3 =	vmov s6  }
0xf2: {  	s9 =	simm.s32 $0x5000;
	v3 =	vshll.u32 v3, $0x3;
	[tilespmem:s7+$0x5000] =	vst v2;
	v2 =	vor.u32 s6, v0;
	s7 =	simm.s32 $0x7600  }
0xf3: {  	v3 =	vand.u32 $0xC00, v3;
	[tilespmem:s7], [sflag:$0x1] =	stream.indirect.gather [hbm4b:s12+s16], $0x1, s9, s16, $0xb8;
	v2 =	vand.u32 $0x7F, v2;
	[tilespmem:$0xAE80] =	vst v63  }
0xf4: {  	v3 =	vor.u32 v2, v3;
	v2 =	vld.idx.msk [tilespmem:v1+s3+$0x0], $0xffff  }
0xf5: {  	v1 =	vor.u32 $0x1080, v3;
	_ =	sdelay $0x1  }
0xf6: {  	s5 =	simm.s32 $0x20  }
0xf7: {  	s8 =	sand.u32 $0x1F0, s8;
	s7 =	simm.s32 $0x30;
	v3 =	vmov s5  }
.LBB2_20:
0xf8: {  	p0 =	sne.s32 s7, $0x1F0;
	v4 =	vor.u32 s5, v0;
	v3 =	vshll.u32 v3, $0x3;
	[tilespmem:s8+$0x5200] =	vst v2;
	s9 =	smov.u32 s5;
	s5 =	smov.u32 s7  }
0xf9: {  	v4 =	vand.u32 $0x7F, v4;
	v3 =	vand.u32 $0xC00, v3;
	v2 =	vld.idx.msk [tilespmem:v1+s3+$0x0], $0xffff  }
.Ltmp9:
0xfa: {  	v1 =	vor.u32 v4, v3;
	(pc) =	sbr.rel @p0 .LBB2_20-.Ltmp9, $2  }
0xfb: {  	v1 =	vor.u32 $0x1080, v1;
	_ =	sdelay $0x2  }
0xfc: {  	s7 =	sadd.s32 $0x10, s7;
	s8 =	sand.u32 $0x1F0, s6;
	s6 =	smov.u32 s9;
	v3 =	vmov s5  }
0xfd: {  	_ =	sdelay $0x2  }
0xfe: {  	v4 =	vor.u32 s5, v0;
	v3 =	vshll.u32 v3, $0x3;
	[tilespmem:s8+$0x5200] =	vst v2  }
0xff: {  	v2 =	vand.u32 $0x7F, v4;
	v3 =	vand.u32 $0xC00, v3;
	v1 =	vld.idx.msk [tilespmem:v1+s3+$0x0], $0xffff  }
0x100: {  	v2 =	vor.u32 v2, v3  }
0x101: {  	v2 =	vor.u32 $0x1080, v2;
	_ =	sdelay $0x1  }
0x102: {  	s6 =	sand.u32 $0x1F0, s6;
	s8 =	simm.s32 $0x0  }
0x103: {  	[tilespmem:s6+$0x5200] =	vst v1;
	v1 =	vmov s8  }
0x104: {  	v3 =	vor.u32 s8, v0;
	v1 =	vshll.u32 v1, $0x3  }
0x105: {  	v3 =	vand.u32 $0x7F, v3;
	v2 =	vld.idx.msk [tilespmem:v2+s3+$0x0], $0xffff;
	v1 =	vand.u32 $0xC00, v1  }
0x106: {  	v1 =	vor.u32 v3, v1  }
0x107: {  	v1 =	vor.u32 $0x1100, v1  }
0x108: {  	s6 =	simm.s32 $0x10  }
0x109: {  	s7 =	sand.u32 $0x1F0, s5;
	v3 =	vmov s6  }
0x10a: {  	s9 =	simm.s32 $0x5200;
	v3 =	vshll.u32 v3, $0x3;
	[tilespmem:s7+$0x5200] =	vst v2;
	v2 =	vor.u32 s6, v0;
	s7 =	simm.s32 $0x7800  }
0x10b: {  	v3 =	vand.u32 $0xC00, v3;
	[tilespmem:s7], [sflag:$0x1] =	stream.indirect.gather [hbm4b:s13+s16], $0x1, s9, s16, $0xb8;
	v2 =	vand.u32 $0x7F, v2;
	[tilespmem:$0xAE80] =	vst v63  }
0x10c: {  	v3 =	vor.u32 v2, v3;
	v2 =	vld.idx.msk [tilespmem:v1+s3+$0x0], $0xffff  }
0x10d: {  	v1 =	vor.u32 $0x1100, v3;
	_ =	sdelay $0x1  }
0x10e: {  	s5 =	simm.s32 $0x20  }
0x10f: {  	s8 =	sand.u32 $0x1F0, s8;
	s7 =	simm.s32 $0x30;
	v3 =	vmov s5  }
.LBB2_22:
0x110: {  	p0 =	sne.s32 s7, $0x1F0;
	v4 =	vor.u32 s5, v0;
	v3 =	vshll.u32 v3, $0x3;
	[tilespmem:s8+$0x5400] =	vst v2;
	s9 =	smov.u32 s5;
	s5 =	smov.u32 s7  }
0x111: {  	v4 =	vand.u32 $0x7F, v4;
	v3 =	vand.u32 $0xC00, v3;
	v2 =	vld.idx.msk [tilespmem:v1+s3+$0x0], $0xffff  }
.Ltmp10:
0x112: {  	v1 =	vor.u32 v4, v3;
	(pc) =	sbr.rel @p0 .LBB2_22-.Ltmp10, $2  }
0x113: {  	v1 =	vor.u32 $0x1100, v1;
	_ =	sdelay $0x2  }
0x114: {  	s7 =	sadd.s32 $0x10, s7;
	s8 =	sand.u32 $0x1F0, s6;
	s6 =	smov.u32 s9;
	v3 =	vmov s5  }
0x115: {  	_ =	sdelay $0x2  }
0x116: {  	v4 =	vor.u32 s5, v0;
	v3 =	vshll.u32 v3, $0x3;
	[tilespmem:s8+$0x5400] =	vst v2  }
0x117: {  	v2 =	vand.u32 $0x7F, v4;
	v3 =	vand.u32 $0xC00, v3;
	v1 =	vld.idx.msk [tilespmem:v1+s3+$0x0], $0xffff  }
0x118: {  	v2 =	vor.u32 v2, v3  }
0x119: {  	v2 =	vor.u32 $0x1100, v2;
	_ =	sdelay $0x1  }
0x11a: {  	s6 =	sand.u32 $0x1F0, s6;
	s8 =	simm.s32 $0x0  }
0x11b: {  	[tilespmem:s6+$0x5400] =	vst v1;
	v1 =	vmov s8  }
0x11c: {  	v3 =	vor.u32 s8, v0;
	v1 =	vshll.u32 v1, $0x3  }
0x11d: {  	v3 =	vand.u32 $0x7F, v3;
	v2 =	vld.idx.msk [tilespmem:v2+s3+$0x0], $0xffff;
	v1 =	vand.u32 $0xC00, v1  }
0x11e: {  	v1 =	vor.u32 v3, v1  }
0x11f: {  	v1 =	vor.u32 $0x1180, v1  }
0x120: {  	s6 =	simm.s32 $0x10  }
0x121: {  	s7 =	sand.u32 $0x1F0, s5;
	v3 =	vmov s6  }
0x122: {  	s9 =	simm.s32 $0x5400;
	v3 =	vshll.u32 v3, $0x3;
	[tilespmem:s7+$0x5400] =	vst v2;
	v2 =	vor.u32 s6, v0;
	s7 =	simm.s32 $0x7A00  }
0x123: {  	v3 =	vand.u32 $0xC00, v3;
	[tilespmem:s7], [sflag:$0x1] =	stream.indirect.gather [hbm4b:s14+s16], $0x1, s9, s16, $0xb8;
	v2 =	vand.u32 $0x7F, v2;
	[tilespmem:$0xAE80] =	vst v63  }
0x124: {  	v3 =	vor.u32 v2, v3;
	v2 =	vld.idx.msk [tilespmem:v1+s3+$0x0], $0xffff  }
0x125: {  	v1 =	vor.u32 $0x1180, v3;
	_ =	sdelay $0x1  }
0x126: {  	s5 =	simm.s32 $0x20  }
0x127: {  	s8 =	sand.u32 $0x1F0, s8;
	s7 =	simm.s32 $0x30;
	v3 =	vmov s5  }
.LBB2_24:
0x128: {  	p0 =	sne.s32 s7, $0x1F0;
	v4 =	vor.u32 s5, v0;
	v3 =	vshll.u32 v3, $0x3;
	[tilespmem:s8+$0x5600] =	vst v2;
	s9 =	smov.u32 s5;
	s5 =	smov.u32 s7  }
0x129: {  	v4 =	vand.u32 $0x7F, v4;
	v3 =	vand.u32 $0xC00, v3;
	v2 =	vld.idx.msk [tilespmem:v1+s3+$0x0], $0xffff  }
.Ltmp11:
0x12a: {  	v1 =	vor.u32 v4, v3;
	(pc) =	sbr.rel @p0 .LBB2_24-.Ltmp11, $2  }
0x12b: {  	v1 =	vor.u32 $0x1180, v1;
	_ =	sdelay $0x2  }
0x12c: {  	s7 =	sadd.s32 $0x10, s7;
	s8 =	sand.u32 $0x1F0, s6;
	s6 =	smov.u32 s9;
	v3 =	vmov s5  }
0x12d: {  	_ =	sdelay $0x2  }
0x12e: {  	v4 =	vor.u32 s5, v0;
	v3 =	vshll.u32 v3, $0x3;
	[tilespmem:s8+$0x5600] =	vst v2  }
0x12f: {  	v2 =	vand.u32 $0x7F, v4;
	v3 =	vand.u32 $0xC00, v3;
	v1 =	vld.idx.msk [tilespmem:v1+s3+$0x0], $0xffff  }
0x130: {  	v2 =	vor.u32 v2, v3  }
0x131: {  	v2 =	vor.u32 $0x1180, v2;
	_ =	sdelay $0x1  }
0x132: {  	s6 =	sand.u32 $0x1F0, s6;
	s8 =	simm.s32 $0x0  }
0x133: {  	[tilespmem:s6+$0x5600] =	vst v1;
	v1 =	vmov s8  }
0x134: {  	v3 =	vor.u32 s8, v0;
	v1 =	vshll.u32 v1, $0x3  }
0x135: {  	v3 =	vand.u32 $0x7F, v3;
	v2 =	vld.idx.msk [tilespmem:v2+s3+$0x0], $0xffff;
	v1 =	vand.u32 $0xC00, v1  }
0x136: {  	v1 =	vor.u32 v3, v1  }
0x137: {  	v1 =	vor.u32 $0x1200, v1  }
0x138: {  	s6 =	simm.s32 $0x10  }
0x139: {  	s7 =	sand.u32 $0x1F0, s5;
	v3 =	vmov s6  }
0x13a: {  	s9 =	simm.s32 $0x5600;
	v3 =	vshll.u32 v3, $0x3;
	[tilespmem:s7+$0x5600] =	vst v2;
	v2 =	vor.u32 s6, v0;
	s7 =	simm.s32 $0x7C00  }
0x13b: {  	v3 =	vand.u32 $0xC00, v3;
	[tilespmem:s7], [sflag:$0x1] =	stream.indirect.gather [hbm4b:s15+s16], $0x1, s9, s16, $0xb8;
	v2 =	vand.u32 $0x7F, v2;
	[tilespmem:$0xAE80] =	vst v63  }
0x13c: {  	v3 =	vor.u32 v2, v3;
	v2 =	vld.idx.msk [tilespmem:v1+s3+$0x0], $0xffff  }
0x13d: {  	v1 =	vor.u32 $0x1200, v3;
	_ =	sdelay $0x1  }
0x13e: {  	s5 =	simm.s32 $0x20  }
0x13f: {  	s8 =	sand.u32 $0x1F0, s8;
	s7 =	simm.s32 $0x30;
	v3 =	vmov s5  }
.LBB2_26:
0x140: {  	p0 =	sne.s32 s7, $0x1F0;
	v4 =	vor.u32 s5, v0;
	v3 =	vshll.u32 v3, $0x3;
	[tilespmem:s8+$0x5800] =	vst v2;
	s9 =	smov.u32 s5;
	s5 =	smov.u32 s7  }
0x141: {  	v4 =	vand.u32 $0x7F, v4;
	v3 =	vand.u32 $0xC00, v3;
	v2 =	vld.idx.msk [tilespmem:v1+s3+$0x0], $0xffff  }
.Ltmp12:
0x142: {  	v1 =	vor.u32 v4, v3;
	(pc) =	sbr.rel @p0 .LBB2_26-.Ltmp12, $2  }
0x143: {  	v1 =	vor.u32 $0x1200, v1;
	_ =	sdelay $0x2  }
0x144: {  	s7 =	sadd.s32 $0x10, s7;
	s8 =	sand.u32 $0x1F0, s6;
	s6 =	smov.u32 s9;
	v3 =	vmov s5  }
0x145: {  	_ =	sdelay $0x2  }
0x146: {  	v4 =	vor.u32 s5, v0;
	v3 =	vshll.u32 v3, $0x3;
	[tilespmem:s8+$0x5800] =	vst v2  }
0x147: {  	v2 =	vand.u32 $0x7F, v4;
	v3 =	vand.u32 $0xC00, v3;
	v1 =	vld.idx.msk [tilespmem:v1+s3+$0x0], $0xffff  }
0x148: {  	v2 =	vor.u32 v2, v3  }
0x149: {  	v2 =	vor.u32 $0x1200, v2;
	_ =	sdelay $0x1  }
0x14a: {  	s6 =	sand.u32 $0x1F0, s6;
	s8 =	simm.s32 $0x0  }
0x14b: {  	[tilespmem:s6+$0x5800] =	vst v1;
	v1 =	vmov s8  }
0x14c: {  	v3 =	vor.u32 s8, v0;
	v1 =	vshll.u32 v1, $0x3  }
0x14d: {  	v3 =	vand.u32 $0x7F, v3;
	v2 =	vld.idx.msk [tilespmem:v2+s3+$0x0], $0xffff;
	v1 =	vand.u32 $0xC00, v1  }
0x14e: {  	v1 =	vor.u32 v3, v1  }
0x14f: {  	v1 =	vor.u32 $0x2200, v1  }
0x150: {  	s6 =	simm.s32 $0x10  }
0x151: {  	s7 =	sand.u32 $0x1F0, s5;
	v3 =	vmov s6  }
0x152: {  	s9 =	simm.s32 $0x5800;
	v3 =	vshll.u32 v3, $0x3;
	[tilespmem:s7+$0x5800] =	vst v2;
	v2 =	vor.u32 s6, v0;
	s7 =	simm.s32 $0x7E00  }
0x153: {  	v3 =	vand.u32 $0xC00, v3;
	[tilespmem:s7], [sflag:$0x1] =	stream.indirect.gather [hbm4b:s17+s16], $0x1, s9, s16, $0xb8;
	v2 =	vand.u32 $0x7F, v2;
	[tilespmem:$0xAE80] =	vst v63  }
0x154: {  	v3 =	vor.u32 v2, v3;
	v2 =	vld.idx.msk [tilespmem:v1+s3+$0x0], $0xffff  }
0x155: {  	v1 =	vor.u32 $0x2200, v3;
	_ =	sdelay $0x1  }
0x156: {  	s5 =	simm.s32 $0x20  }
0x157: {  	s8 =	sand.u32 $0x1F0, s8;
	s7 =	simm.s32 $0x30;
	v3 =	vmov s5  }
.LBB2_28:
0x158: {  	p0 =	sne.s32 s7, $0x1F0;
	v4 =	vor.u32 s5, v0;
	v3 =	vshll.u32 v3, $0x3;
	[tilespmem:s8+$0x5A00] =	vst v2;
	s9 =	smov.u32 s5;
	s5 =	smov.u32 s7  }
0x159: {  	v4 =	vand.u32 $0x7F, v4;
	v3 =	vand.u32 $0xC00, v3;
	v2 =	vld.idx.msk [tilespmem:v1+s3+$0x0], $0xffff  }
.Ltmp13:
0x15a: {  	v1 =	vor.u32 v4, v3;
	(pc) =	sbr.rel @p0 .LBB2_28-.Ltmp13, $2  }
0x15b: {  	v1 =	vor.u32 $0x2200, v1;
	_ =	sdelay $0x2  }
0x15c: {  	s7 =	sadd.s32 $0x10, s7;
	s8 =	sand.u32 $0x1F0, s6;
	s6 =	smov.u32 s9;
	v3 =	vmov s5  }
0x15d: {  	_ =	sdelay $0x2  }
0x15e: {  	v4 =	vor.u32 s5, v0;
	v3 =	vshll.u32 v3, $0x3;
	[tilespmem:s8+$0x5A00] =	vst v2  }
0x15f: {  	v2 =	vand.u32 $0x7F, v4;
	v3 =	vand.u32 $0xC00, v3;
	v1 =	vld.idx.msk [tilespmem:v1+s3+$0x0], $0xffff  }
0x160: {  	v2 =	vor.u32 v2, v3  }
0x161: {  	v2 =	vor.u32 $0x2200, v2;
	_ =	sdelay $0x1  }
0x162: {  	s6 =	sand.u32 $0x1F0, s6;
	s8 =	simm.s32 $0x0  }
0x163: {  	[tilespmem:s6+$0x5A00] =	vst v1;
	v1 =	vmov s8  }
0x164: {  	v3 =	vor.u32 s8, v0;
	v1 =	vshll.u32 v1, $0x3  }
0x165: {  	v3 =	vand.u32 $0x7F, v3;
	v2 =	vld.idx.msk [tilespmem:v2+s3+$0x0], $0xffff;
	v1 =	vand.u32 $0xC00, v1  }
0x166: {  	v1 =	vor.u32 v3, v1  }
0x167: {  	v1 =	vor.u32 $0x2280, v1  }
0x168: {  	s6 =	simm.s32 $0x10  }
0x169: {  	s7 =	sand.u32 $0x1F0, s5;
	v3 =	vmov s6  }
0x16a: {  	s9 =	simm.s32 $0x5A00;
	v3 =	vshll.u32 v3, $0x3;
	[tilespmem:s7+$0x5A00] =	vst v2;
	v2 =	vor.u32 s6, v0;
	s7 =	simm.s32 $0x8000  }
0x16b: {  	v3 =	vand.u32 $0xC00, v3;
	[tilespmem:s7], [sflag:$0x1] =	stream.indirect.gather [hbm4b:s18+s16], $0x1, s9, s16, $0xb8;
	v2 =	vand.u32 $0x7F, v2;
	[tilespmem:$0xAE80] =	vst v63  }
0x16c: {  	v3 =	vor.u32 v2, v3;
	v2 =	vld.idx.msk [tilespmem:v1+s3+$0x0], $0xffff  }
0x16d: {  	v1 =	vor.u32 $0x2280, v3;
	_ =	sdelay $0x1  }
0x16e: {  	s5 =	simm.s32 $0x20  }
0x16f: {  	s8 =	sand.u32 $0x1F0, s8;
	s7 =	simm.s32 $0x30;
	v3 =	vmov s5  }
.LBB2_30:
0x170: {  	p0 =	sne.s32 s7, $0x1F0;
	v4 =	vor.u32 s5, v0;
	v3 =	vshll.u32 v3, $0x3;
	[tilespmem:s8+$0x5C00] =	vst v2;
	s9 =	smov.u32 s5;
	s5 =	smov.u32 s7  }
0x171: {  	v4 =	vand.u32 $0x7F, v4;
	v3 =	vand.u32 $0xC00, v3;
	v2 =	vld.idx.msk [tilespmem:v1+s3+$0x0], $0xffff  }
.Ltmp14:
0x172: {  	v1 =	vor.u32 v4, v3;
	(pc) =	sbr.rel @p0 .LBB2_30-.Ltmp14, $2  }
0x173: {  	v1 =	vor.u32 $0x2280, v1;
	_ =	sdelay $0x2  }
0x174: {  	s7 =	sadd.s32 $0x10, s7;
	s8 =	sand.u32 $0x1F0, s6;
	s6 =	smov.u32 s9;
	v3 =	vmov s5  }
0x175: {  	_ =	sdelay $0x2  }
0x176: {  	v4 =	vor.u32 s5, v0;
	v3 =	vshll.u32 v3, $0x3;
	[tilespmem:s8+$0x5C00] =	vst v2  }
0x177: {  	v2 =	vand.u32 $0x7F, v4;
	v3 =	vand.u32 $0xC00, v3;
	v1 =	vld.idx.msk [tilespmem:v1+s3+$0x0], $0xffff  }
0x178: {  	v2 =	vor.u32 v2, v3  }
0x179: {  	v2 =	vor.u32 $0x2280, v2;
	_ =	sdelay $0x1  }
0x17a: {  	s6 =	sand.u32 $0x1F0, s6;
	s8 =	simm.s32 $0x0  }
0x17b: {  	[tilespmem:s6+$0x5C00] =	vst v1;
	v1 =	vmov s8  }
0x17c: {  	v3 =	vor.u32 s8, v0;
	v1 =	vshll.u32 v1, $0x3  }
0x17d: {  	v3 =	vand.u32 $0x7F, v3;
	v2 =	vld.idx.msk [tilespmem:v2+s3+$0x0], $0xffff;
	v1 =	vand.u32 $0xC00, v1  }
0x17e: {  	v1 =	vor.u32 v3, v1  }
0x17f: {  	v1 =	vor.u32 $0x2300, v1  }
0x180: {  	s6 =	simm.s32 $0x10  }
0x181: {  	s7 =	sand.u32 $0x1F0, s5;
	v3 =	vmov s6  }
0x182: {  	s9 =	simm.s32 $0x5C00;
	v3 =	vshll.u32 v3, $0x3;
	[tilespmem:s7+$0x5C00] =	vst v2;
	v2 =	vor.u32 s6, v0;
	s7 =	simm.s32 $0x8200  }
0x183: {  	v3 =	vand.u32 $0xC00, v3;
	[tilespmem:s7], [sflag:$0x1] =	stream.indirect.gather [hbm4b:s19+s16], $0x1, s9, s16, $0xb8;
	v2 =	vand.u32 $0x7F, v2;
	[tilespmem:$0xAE80] =	vst v63  }
0x184: {  	v3 =	vor.u32 v2, v3;
	v2 =	vld.idx.msk [tilespmem:v1+s3+$0x0], $0xffff  }
0x185: {  	v1 =	vor.u32 $0x2300, v3;
	_ =	sdelay $0x1  }
0x186: {  	s5 =	simm.s32 $0x20  }
0x187: {  	s8 =	sand.u32 $0x1F0, s8;
	s7 =	simm.s32 $0x30;
	v3 =	vmov s5  }
.LBB2_32:
0x188: {  	p0 =	sne.s32 s7, $0x1F0;
	v4 =	vor.u32 s5, v0;
	v3 =	vshll.u32 v3, $0x3;
	[tilespmem:s8+$0x5E00] =	vst v2;
	s9 =	smov.u32 s5;
	s5 =	smov.u32 s7  }
0x189: {  	v4 =	vand.u32 $0x7F, v4;
	v3 =	vand.u32 $0xC00, v3;
	v2 =	vld.idx.msk [tilespmem:v1+s3+$0x0], $0xffff  }
.Ltmp15:
0x18a: {  	v1 =	vor.u32 v4, v3;
	(pc) =	sbr.rel @p0 .LBB2_32-.Ltmp15, $2  }
0x18b: {  	v1 =	vor.u32 $0x2300, v1;
	_ =	sdelay $0x2  }
0x18c: {  	s7 =	sadd.s32 $0x10, s7;
	s8 =	sand.u32 $0x1F0, s6;
	s6 =	smov.u32 s9;
	v3 =	vmov s5  }
0x18d: {  	_ =	sdelay $0x1  }
0x18e: {  	v4 =	vor.u32 s5, v0;
	v3 =	vshll.u32 v3, $0x3  }
0x18f: {  	[tilespmem:s8+$0x5E00] =	vst v2;
	v2 =	vand.u32 $0x7F, v4;
	v3 =	vand.u32 $0xC00, v3  }
0x190: {  	v1 =	vld.idx.msk [tilespmem:v1+s3+$0x0], $0xffff;
	v2 =	vor.u32 v2, v3  }
0x191: {  	v2 =	vor.u32 $0x2300, v2;
	_ =	sdelay $0x2  }
0x192: {  	s6 =	sand.u32 $0x1F0, s6  }
0x193: {  	[tilespmem:s6+$0x5E00] =	vst v1  }
0x194: {  	v1 =	vld.idx.msk [tilespmem:v2+s3+$0x0], $0xffff;
	_ =	sdelay $0x3  }
0x195: {  	s8 =	sand.u32 $0x1F0, s5;
	s6 =	simm.s32 $0x0  }
0x196: {  	v2 =	vor.u32 s6, v0;
	[tilespmem:s8+$0x5E00] =	vst v1;
	v1 =	vmov s6  }
0x197: {  	v2 =	vand.u32 $0x7F, v2;
	v1 =	vshll.u32 v1, $0x3  }
0x198: {  	v1 =	vor.u32 v2, v1  }
0x199: {  	v1 =	vor.u32 $0x2380, v1;
	_ =	sdelay $0x1  }
0x19a: {  	s9 =	simm.s32 $0x5E00;
	s7 =	simm.s32 $0x8400;
	s5 =	simm.s32 $0x10  }
0x19b: {  	[tilespmem:s7], [sflag:$0x1] =	stream.indirect.gather [hbm4b:s20+s16], $0x1, s9, s16, $0xb8;
	[tilespmem:$0xAE80] =	vst v63  }
0x19c: {  	v3 =	vor.u32 s5, v0;
	s7 =	simm.s32 $0x20;
	v2 =	vmov s5  }
.LBB2_34:
0x19d: {  	p0 =	sne.s32 s7, $0x1F0;
	v3 =	vand.u32 $0x7F, v3;
	v2 =	vshll.u32 v2, $0x3;
	v4 =	vld.idx.msk [tilespmem:v1+s3+$0x0], $0xffff  }
0x19e: {  	v1 =	vor.u32 v3, v2  }
.Ltmp16:
0x19f: {  	v1 =	vor.u32 $0x2380, v1;
	(pc) =	sbr.rel @p0 .LBB2_34-.Ltmp16, $3  }
0x1a0: {  	_ =	sdelay $0x1  }
0x1a1: {  	s8 =	sand.u32 $0x1F0, s6;
	s6 =	smov.u32 s5;
	s5 =	smov.u32 s7  }
0x1a2: {  	s7 =	sadd.s32 $0x10, s7;
	v2 =	vmov s5;
	v3 =	vor.u32 s5, v0;
	[tilespmem:s8+$0x6000] =	vst v4  }
0x1a3: {  	_ =	sdelay $0x3  }
0x1a4: {  	v3 =	vand.u32 $0x7F, v3;
	v2 =	vshll.u32 v2, $0x3;
	v1 =	vld.idx.msk [tilespmem:v1+s3+$0x0], $0xffff  }
0x1a5: {  	v2 =	vor.u32 v3, v2  }
0x1a6: {  	v2 =	vor.u32 $0x2380, v2;
	_ =	sdelay $0x1  }
0x1a7: {  	s6 =	sand.u32 $0x1F0, s6;
	s8 =	simm.s32 $0x0  }
0x1a8: {  	[tilespmem:s6+$0x6000] =	vst v1;
	v1 =	vmov s8  }
0x1a9: {  	v3 =	vor.u32 s8, v0;
	v1 =	vshll.u32 v1, $0x3  }
0x1aa: {  	v3 =	vand.u32 $0x7F, v3;
	v2 =	vld.idx.msk [tilespmem:v2+s3+$0x0], $0xffff;
	v1 =	vand.u32 $0xC00, v1  }
0x1ab: {  	v1 =	vor.u32 v3, v1  }
0x1ac: {  	v1 =	vor.u32 $0x3000, v1  }
0x1ad: {  	s6 =	simm.s32 $0x10  }
0x1ae: {  	s5 =	sand.u32 $0x1F0, s5;
	v3 =	vmov s6  }
0x1af: {  	s9 =	simm.s32 $0x6000;
	s7 =	simm.s32 $0x8600;
	v3 =	vshll.u32 v3, $0x3;
	[tilespmem:s5+$0x6000] =	vst v2;
	v2 =	vor.u32 s6, v0  }
0x1b0: {  	v3 =	vand.u32 $0xC00, v3;
	[tilespmem:s7], [sflag:$0x1] =	stream.indirect.gather [hbm4b:s23+s16], $0x1, s9, s16, $0xb8;
	v2 =	vand.u32 $0x7F, v2;
	[tilespmem:$0xAE80] =	vst v63  }
0x1b1: {  	v3 =	vor.u32 v2, v3;
	v2 =	vld.idx.msk [tilespmem:v1+s3+$0x0], $0xffff  }
0x1b2: {  	v1 =	vor.u32 $0x3000, v3;
	_ =	sdelay $0x1  }
0x1b3: {  	s5 =	simm.s32 $0x20  }
0x1b4: {  	s8 =	sand.u32 $0x1F0, s8;
	s7 =	simm.s32 $0x30;
	v3 =	vmov s5  }
.LBB2_36:
0x1b5: {  	p0 =	sne.s32 s7, $0x1F0;
	v4 =	vor.u32 s5, v0;
	v3 =	vshll.u32 v3, $0x3;
	[tilespmem:s8+$0x6200] =	vst v2;
	s9 =	smov.u32 s5;
	s5 =	smov.u32 s7  }
0x1b6: {  	v4 =	vand.u32 $0x7F, v4;
	v3 =	vand.u32 $0xC00, v3;
	v2 =	vld.idx.msk [tilespmem:v1+s3+$0x0], $0xffff  }
.Ltmp17:
0x1b7: {  	v1 =	vor.u32 v4, v3;
	(pc) =	sbr.rel @p0 .LBB2_36-.Ltmp17, $2  }
0x1b8: {  	v1 =	vor.u32 $0x3000, v1;
	_ =	sdelay $0x2  }
0x1b9: {  	s7 =	sadd.s32 $0x10, s7;
	s8 =	sand.u32 $0x1F0, s6;
	s6 =	smov.u32 s9;
	v3 =	vmov s5  }
0x1ba: {  	_ =	sdelay $0x2  }
0x1bb: {  	v4 =	vor.u32 s5, v0;
	v3 =	vshll.u32 v3, $0x3;
	[tilespmem:s8+$0x6200] =	vst v2  }
0x1bc: {  	v2 =	vand.u32 $0x7F, v4;
	v3 =	vand.u32 $0xC00, v3;
	v1 =	vld.idx.msk [tilespmem:v1+s3+$0x0], $0xffff  }
0x1bd: {  	v2 =	vor.u32 v2, v3  }
0x1be: {  	v2 =	vor.u32 $0x3000, v2;
	_ =	sdelay $0x1  }
0x1bf: {  	s6 =	sand.u32 $0x1F0, s6;
	s8 =	simm.s32 $0x0  }
0x1c0: {  	[tilespmem:s6+$0x6200] =	vst v1;
	v1 =	vmov s8  }
0x1c1: {  	v3 =	vor.u32 s8, v0;
	v1 =	vshll.u32 v1, $0x3  }
0x1c2: {  	v3 =	vand.u32 $0x7F, v3;
	v2 =	vld.idx.msk [tilespmem:v2+s3+$0x0], $0xffff;
	v1 =	vand.u32 $0xC00, v1  }
0x1c3: {  	v1 =	vor.u32 v3, v1  }
0x1c4: {  	v1 =	vor.u32 $0x3080, v1  }
0x1c5: {  	s6 =	simm.s32 $0x10  }
0x1c6: {  	s7 =	sand.u32 $0x1F0, s5;
	v3 =	vmov s6  }
0x1c7: {  	s9 =	simm.s32 $0x6200;
	v3 =	vshll.u32 v3, $0x3;
	[tilespmem:s7+$0x6200] =	vst v2;
	v2 =	vor.u32 s6, v0;
	s7 =	simm.s32 $0x8800  }
0x1c8: {  	v3 =	vand.u32 $0xC00, v3;
	[tilespmem:s7], [sflag:$0x1] =	stream.indirect.gather [hbm4b:s26+s16], $0x1, s9, s16, $0xb8;
	v2 =	vand.u32 $0x7F, v2;
	[tilespmem:$0xAE80] =	vst v63  }
0x1c9: {  	v3 =	vor.u32 v2, v3;
	v2 =	vld.idx.msk [tilespmem:v1+s3+$0x0], $0xffff  }
0x1ca: {  	v1 =	vor.u32 $0x3080, v3;
	_ =	sdelay $0x1  }
0x1cb: {  	s5 =	simm.s32 $0x20  }
0x1cc: {  	s8 =	sand.u32 $0x1F0, s8;
	s7 =	simm.s32 $0x30;
	v3 =	vmov s5  }
.LBB2_38:
0x1cd: {  	p0 =	sne.s32 s7, $0x1F0;
	v4 =	vor.u32 s5, v0;
	v3 =	vshll.u32 v3, $0x3;
	[tilespmem:s8+$0x6400] =	vst v2;
	s9 =	smov.u32 s5;
	s5 =	smov.u32 s7  }
0x1ce: {  	v4 =	vand.u32 $0x7F, v4;
	v3 =	vand.u32 $0xC00, v3;
	v2 =	vld.idx.msk [tilespmem:v1+s3+$0x0], $0xffff  }
.Ltmp18:
0x1cf: {  	v1 =	vor.u32 v4, v3;
	(pc) =	sbr.rel @p0 .LBB2_38-.Ltmp18, $2  }
0x1d0: {  	v1 =	vor.u32 $0x3080, v1;
	_ =	sdelay $0x2  }
0x1d1: {  	s7 =	sadd.s32 $0x10, s7;
	s8 =	sand.u32 $0x1F0, s6;
	s6 =	smov.u32 s9;
	v3 =	vmov s5  }
0x1d2: {  	_ =	sdelay $0x1  }
0x1d3: {  	v4 =	vor.u32 s5, v0;
	v3 =	vshll.u32 v3, $0x3  }
0x1d4: {  	[tilespmem:s8+$0x6400] =	vst v2;
	v2 =	vand.u32 $0x7F, v4;
	v3 =	vand.u32 $0xC00, v3  }
0x1d5: {  	v1 =	vld.idx.msk [tilespmem:v1+s3+$0x0], $0xffff;
	v2 =	vor.u32 v2, v3  }
0x1d6: {  	v2 =	vor.u32 $0x3080, v2;
	_ =	sdelay $0x2  }
0x1d7: {  	s6 =	sand.u32 $0x1F0, s6  }
0x1d8: {  	[tilespmem:s6+$0x6400] =	vst v1  }
0x1d9: {  	v1 =	vld.idx.msk [tilespmem:v2+s3+$0x0], $0xffff;
	_ =	sdelay $0x3  }
0x1da: {  	s7 =	sand.u32 $0x1F0, s5  }
0x1db: {  	s8 =	rddreg [dreg:$0x2];
	s9 =	simm.s32 $0x6400;
	[tilespmem:s7+$0x6400] =	vst v1;
	s7 =	simm.s32 $0x8A00  }
0x1dc: {  	[tilespmem:s7], [sflag:$0x1] =	stream.indirect.gather [hbm4b:s8+s16], $0x1, s9, s16, $0xb8;
	[tilespmem:$0xAE80] =	vst v63  }
0x1dd: {  	s7 =	simm.s32 $0x0  }
0x1de: {  	_ =	swait.ge [sflag:s31], $0x2000;
	v1 =	vmov s7  }
0x1df: {  	v2 =	vor.u32 s7, v0;
	[sflag:s31] =	ssyncset.done $0x0;
	v5 =	vshll.u32 v1, $0x3  }
0x1e0: {  	v6 =	vand.u32 $0x7F, v2;
	[sflag:s31] =	ssyncadd.s32 $0xFFFFE000;
	v1 =	vand.u32 $0xC00, v5  }
0x1e1: {  	_ =	swait.ge [sflag:s31], $0x80;
	v10 =	vor.u32 v6, v1  }
0x1e2: {  	[sflag:s31] =	ssyncset.done $0x0  }
0x1e3: {  	v1 =	vor.u32 $0x80, v10;
	[sflag:s31] =	ssyncadd.s32 $0xFFFFFF80  }
0x1e4: {  	v13 =	vld [tilespmem:$0xAC00]  }
0x1e5: {  	v2 =	vor.u32 $0x100, v10  }
0x1e6: {  	v7 =	vld.idx.msk [tilespmem:v10+s30+$0x0], $0xffff  }
0x1e7: {  	v8 =	vor.u32 $0x180, v10  }
0x1e8: {  	v9 =	vld.idx.msk [tilespmem:v1+s30+$0x0], $0xffff  }
0x1e9: {  	v11 =	vor.u32 $0x200, v10;
	v4 =	vbroadcast v13, $0x0  }
0x1ea: {  	v12 =	vld.idx.msk [tilespmem:v2+s30+$0x0], $0xffff  }
0x1eb: {  	v14 =	vor.u32 $0x280, v10;
	v3 =	vbroadcast v13, $0x1;
	v2 =	vmul.f32 v7, v4  }
0x1ec: {  	v5 =	vor.u32 v6, v5;
	v1 =	vbroadcast v13, $0x2;
	v7 =	vld.idx.msk [tilespmem:v8+s30+$0x0], $0xffff  }
0x1ed: {  	v8 =	vor.u32 $0x300, v10;
	v9 =	vmul.f32 v9, v3;
	v15 =	vadd.f32 $0.0e+00, v2  }
0x1ee: {  	v16 =	vor.u32 $0x380, v5;
	v11 =	vld.idx.msk [tilespmem:v11+s30+$0x0], $0xffff  }
0x1ef: {  	v2 =	vbroadcast v13, $0x3;
	v6 =	vadd.f32 v9, v15;
	v9 =	vmul.f32 v12, v1  }
0x1f0: {  	v5 =	vbroadcast v13, $0x4;
	v12 =	vld.idx.msk [tilespmem:v14+s30+$0x0], $0xffff  }
0x1f1: {  	v14 =	vor.u32 $0x1000, v10;
	v7 =	vmul.f32 v7, v2;
	v9 =	vadd.f32 v9, v6  }
0x1f2: {  	v17 =	vor.u32 $0x1080, v10;
	v15 =	vld.idx.msk [tilespmem:v8+s30+$0x0], $0xffff  }
0x1f3: {  	v6 =	vbroadcast v13, $0x5;
	v8 =	vadd.f32 v7, v9;
	v9 =	vmul.f32 v11, v5  }
0x1f4: {  	v7 =	vbroadcast v13, $0x6;
	v11 =	vld.idx.msk [tilespmem:v16+s30+$0x0], $0xffff  }
0x1f5: {  	v16 =	vor.u32 $0x1100, v10;
	v12 =	vmul.f32 v12, v6;
	v9 =	vadd.f32 v9, v8  }
0x1f6: {  	v18 =	vor.u32 $0x1180, v10;
	v14 =	vld.idx.msk [tilespmem:v14+s30+$0x0], $0xffff  }
0x1f7: {  	v8 =	vbroadcast v13, $0x7;
	v15 =	vmul.f32 v15, v7;
	v12 =	vadd.f32 v12, v9  }
0x1f8: {  	v19 =	vor.u32 $0x1200, v10;
	v17 =	vld.idx.msk [tilespmem:v17+s30+$0x0], $0xffff  }
0x1f9: {  	v9 =	vbroadcast v13, $0x8;
	v11 =	vmul.f32 v11, v8;
	v12 =	vadd.f32 v15, v12  }
0x1fa: {  	v15 =	vld.idx.msk [tilespmem:v16+s30+$0x0], $0xffff  }
0x1fb: {  	v10 =	vbroadcast v13, $0x9;
	v14 =	vmul.f32 v14, v9;
	v12 =	vadd.f32 v11, v12  }
0x1fc: {  	v16 =	vld.idx.msk [tilespmem:v18+s30+$0x0], $0xffff  }
0x1fd: {  	v17 =	vmul.f32 v17, v10;
	v11 =	vbroadcast v13, $0xA;
	v14 =	vadd.f32 v14, v12  }
0x1fe: {  	v18 =	vld.idx.msk [tilespmem:v19+s30+$0x0], $0xffff  }
0x1ff: {  	s8 =	simm.s32 $0x10;
	v12 =	vbroadcast v13, $0xB;
	v15 =	vmul.f32 v15, v11;
	v14 =	vadd.f32 v17, v14  }
0x200: {  	v19 =	vor.u32 s8, v0;
	v13 =	vbroadcast v13, $0xC;
	v17 =	vmov s8  }
0x201: {  	v17 =	vshll.u32 v17, $0x3;
	v14 =	vadd.f32 v15, v14;
	v15 =	vmul.f32 v16, v12  }
0x202: {  	v16 =	vand.u32 $0x7F, v19;
	v19 =	vand.u32 $0xC00, v17  }
0x203: {  	v19 =	vor.u32 v16, v19;
	v14 =	vadd.f32 v15, v14;
	v15 =	vmul.f32 v18, v13;
	_ =	sdelay $0x1  }
0x204: {  	v18 =	vor.u32 $0x80, v19;
	v14 =	vadd.f32 v15, v14  }
0x205: {  	s5 =	simm.s32 $0xAC80  }
0x206: {  	v15 =	vor.u32 $0x100, v19;
	[tilespmem:s5+$0x0] =	vst v14  }
0x207: {  	v14 =	vld.idx.msk [tilespmem:v19+s30+$0x0], $0xffff  }
0x208: {  	v20 =	vor.u32 $0x180, v19  }
0x209: {  	v18 =	vld.idx.msk [tilespmem:v18+s30+$0x0], $0xffff  }
0x20a: {  	v21 =	vor.u32 $0x200, v19  }
0x20b: {  	v15 =	vld.idx.msk [tilespmem:v15+s30+$0x0], $0xffff  }
0x20c: {  	v22 =	vor.u32 $0x280, v19;
	v14 =	vmul.f32 v14, v4  }
0x20d: {  	v20 =	vld.idx.msk [tilespmem:v20+s30+$0x0], $0xffff  }
0x20e: {  	v23 =	vor.u32 $0x300, v19;
	v18 =	vmul.f32 v18, v3;
	v14 =	vadd.f32 $0.0e+00, v14  }
0x20f: {  	v16 =	vor.u32 v16, v17;
	v21 =	vld.idx.msk [tilespmem:v21+s30+$0x0], $0xffff  }
0x210: {  	v16 =	vor.u32 $0x380, v16;
	v15 =	vmul.f32 v15, v1;
	v14 =	vadd.f32 v18, v14  }
0x211: {  	v17 =	vld.idx.msk [tilespmem:v22+s30+$0x0], $0xffff  }
0x212: {  	v14 =	vadd.f32 v15, v14;
	v15 =	vmul.f32 v20, v2  }
0x213: {  	v18 =	vor.u32 $0x1000, v19;
	v20 =	vld.idx.msk [tilespmem:v23+s30+$0x0], $0xffff  }
0x214: {  	v14 =	vadd.f32 v15, v14;
	v15 =	vmul.f32 v21, v5  }
0x215: {  	v63 =	vor.u32 $0x1080, v19;
	v16 =	vld.idx.msk [tilespmem:v16+s30+$0x0], $0xffff  }
0x216: {  	v14 =	vadd.f32 v15, v14;
	v15 =	vmul.f32 v17, v6;
	_ =	sdelay $0x1  }
0x217: {  	v18 =	vld.idx.msk [tilespmem:v18+s30+$0x0], $0xffff;
	v17 =	vor.u32 $0x1100, v19;
	v14 =	vadd.f32 v15, v14;
	v15 =	vmul.f32 v20, v7;
	_ =	sdelay $0x1  }
0x218: {  	v20 =	vld.idx.msk [tilespmem:v63+s30+$0x0], $0xffff;
	v14 =	vadd.f32 v15, v14;
	v15 =	vmul.f32 v16, v8;
	v16 =	vor.u32 $0x1180, v19;
	_ =	sdelay $0x1  }
0x219: {  	v19 =	vor.u32 $0x1200, v19  }
0x21a: {  	v17 =	vld.idx.msk [tilespmem:v17+s30+$0x0], $0xffff;
	v14 =	vadd.f32 v15, v14;
	v15 =	vmul.f32 v18, v9;
	_ =	sdelay $0x1  }
0x21b: {  	v18 =	vmul.f32 v20, v10;
	v14 =	vadd.f32 v15, v14;
	v15 =	vld.idx.msk [tilespmem:v16+s30+$0x0], $0xffff;
	_ =	sdelay $0x1  }
0x21c: {  	v16 =	vadd.f32 v18, v14;
	v14 =	vld.idx.msk [tilespmem:v19+s30+$0x0], $0xffff  }
0x21d: {  	s9 =	simm.s32 $0x20;
	v17 =	vmul.f32 v17, v11  }
0x21e: {  	s6 =	simm.s32 $0x30;
	v19 =	vmov s9;
	v18 =	vor.u32 s9, v0  }
.LBB2_40:
0x21f: {  	p0 =	sne.s32 s6, $0x1F0;
	v19 =	vshll.u32 v19, $0x3;
	v16 =	vadd.f32 v17, v16;
	v15 =	vmul.f32 v15, v12  }
0x220: {  	v17 =	vand.u32 $0x7F, v18;
	v18 =	vand.u32 $0xC00, v19  }
0x221: {  	v14 =	vmul.f32 v14, v13;
	v18 =	vor.u32 v17, v18;
	v15 =	vadd.f32 v15, v16;
	_ =	sdelay $0x1  }
0x222: {  	v16 =	vor.u32 $0x80, v18;
	v14 =	vadd.f32 v14, v15  }
0x223: {  	s5 =	sadd.s32 $0x10, s5  }
0x224: {  	v15 =	vor.u32 $0x100, v18;
	[tilespmem:s5+$0x0] =	vst v14  }
0x225: {  	v14 =	vld.idx.msk [tilespmem:v18+s30+$0x0], $0xffff  }
0x226: {  	v20 =	vor.u32 $0x180, v18  }
0x227: {  	v16 =	vld.idx.msk [tilespmem:v16+s30+$0x0], $0xffff  }
0x228: {  	v21 =	vor.u32 $0x200, v18  }
0x229: {  	v15 =	vld.idx.msk [tilespmem:v15+s30+$0x0], $0xffff  }
0x22a: {  	v22 =	vor.u32 $0x280, v18  }
0x22b: {  	v14 =	vmul.f32 v14, v4;
	v20 =	vld.idx.msk [tilespmem:v20+s30+$0x0], $0xffff  }
0x22c: {  	v23 =	vor.u32 $0x300, v18  }
0x22d: {  	v17 =	vor.u32 v17, v19;
	v14 =	vadd.f32 $0.0e+00, v14;
	v16 =	vmul.f32 v16, v3;
	v21 =	vld.idx.msk [tilespmem:v21+s30+$0x0], $0xffff  }
0x22e: {  	v17 =	vor.u32 $0x380, v17  }
0x22f: {  	v14 =	vadd.f32 v16, v14;
	v15 =	vmul.f32 v15, v1;
	v16 =	vld.idx.msk [tilespmem:v22+s30+$0x0], $0xffff  }
0x230: {  	v19 =	vor.u32 $0x1000, v18  }
0x231: {  	v14 =	vadd.f32 v15, v14;
	v15 =	vmul.f32 v20, v2;
	v20 =	vld.idx.msk [tilespmem:v23+s30+$0x0], $0xffff  }
0x232: {  	v22 =	vor.u32 $0x1080, v18  }
0x233: {  	v14 =	vadd.f32 v15, v14;
	v15 =	vmul.f32 v21, v5;
	v17 =	vld.idx.msk [tilespmem:v17+s30+$0x0], $0xffff  }
0x234: {  	v21 =	vor.u32 $0x1100, v18  }
0x235: {  	v14 =	vadd.f32 v15, v14;
	v15 =	vmul.f32 v16, v6;
	v16 =	vld.idx.msk [tilespmem:v19+s30+$0x0], $0xffff  }
0x236: {  	v19 =	vor.u32 $0x1180, v18  }
0x237: {  	v14 =	vadd.f32 v15, v14;
	v15 =	vmul.f32 v20, v7;
	v20 =	vld.idx.msk [tilespmem:v22+s30+$0x0], $0xffff  }
0x238: {  	v18 =	vor.u32 $0x1200, v18  }
0x239: {  	v14 =	vadd.f32 v15, v14;
	v15 =	vmul.f32 v17, v8;
	v17 =	vld.idx.msk [tilespmem:v21+s30+$0x0], $0xffff;
	_ =	sdelay $0x1  }
0x23a: {  	v14 =	vadd.f32 v15, v14;
	v16 =	vmul.f32 v16, v9;
	v15 =	vld.idx.msk [tilespmem:v19+s30+$0x0], $0xffff  }
.Ltmp19:
0x23b: {  	(pc) =	sbr.rel @p0 .LBB2_40-.Ltmp19, $3  }
0x23c: {  	v16 =	vadd.f32 v16, v14;
	v19 =	vmul.f32 v20, v10;
	v14 =	vld.idx.msk [tilespmem:v18+s30+$0x0], $0xffff;
	_ =	sdelay $0x1  }
0x23d: {  	v16 =	vadd.f32 v19, v16;
	v17 =	vmul.f32 v17, v11  }
0x23e: {  	v18 =	vor.u32 s6, v0;
	v19 =	vmov s6;
	s6 =	sadd.s32 $0x10, s6  }
0x23f: {  	v19 =	vshll.u32 v19, $0x3;
	v16 =	vadd.f32 v17, v16;
	v15 =	vmul.f32 v15, v12  }
0x240: {  	v47 =	vand.u32 $0x7F, v18;
	v48 =	vand.u32 $0xC00, v19  }
0x241: {  	v14 =	vmul.f32 v14, v13;
	v18 =	vor.u32 v47, v48;
	v15 =	vadd.f32 v15, v16;
	_ =	sdelay $0x1  }
0x242: {  	v49 =	vor.u32 $0x80, v18;
	v14 =	vadd.f32 v14, v15  }
0x243: {  	s5 =	sadd.s32 $0x10, s5  }
0x244: {  	v50 =	vor.u32 $0x100, v18;
	[tilespmem:s5+$0x0] =	vst v14  }
0x245: {  	v14 =	vld.idx.msk [tilespmem:v18+s30+$0x0], $0xffff  }
0x246: {  	v20 =	vor.u32 $0x180, v18  }
0x247: {  	v16 =	vld.idx.msk [tilespmem:v49+s30+$0x0], $0xffff  }
0x248: {  	v21 =	vor.u32 $0x200, v18  }
0x249: {  	v15 =	vld.idx.msk [tilespmem:v50+s30+$0x0], $0xffff  }
0x24a: {  	v22 =	vor.u32 $0x280, v18;
	v4 =	vmul.f32 v14, v4  }
0x24b: {  	v51 =	vld.idx.msk [tilespmem:v20+s30+$0x0], $0xffff  }
0x24c: {  	v52 =	vor.u32 $0x300, v18;
	v3 =	vmul.f32 v16, v3;
	v4 =	vadd.f32 $0.0e+00, v4  }
0x24d: {  	v17 =	vor.u32 v47, v19;
	v53 =	vld.idx.msk [tilespmem:v21+s30+$0x0], $0xffff  }
0x24e: {  	v17 =	vor.u32 $0x380, v17;
	v1 =	vmul.f32 v15, v1;
	v3 =	vadd.f32 v3, v4  }
0x24f: {  	v54 =	vld.idx.msk [tilespmem:v22+s30+$0x0], $0xffff  }
0x250: {  	v55 =	vor.u32 $0x1000, v18;
	v2 =	vmul.f32 v51, v2;
	v1 =	vadd.f32 v1, v3  }
0x251: {  	v3 =	vld.idx.msk [tilespmem:v52+s30+$0x0], $0xffff  }
0x252: {  	v56 =	vor.u32 $0x1080, v18;
	v1 =	vadd.f32 v2, v1;
	v2 =	vmul.f32 v53, v5  }
0x253: {  	v57 =	vld.idx.msk [tilespmem:v17+s30+$0x0], $0xffff  }
0x254: {  	v58 =	vor.u32 $0x1100, v18;
	v1 =	vadd.f32 v2, v1;
	v2 =	vmul.f32 v54, v6  }
0x255: {  	v59 =	vld.idx.msk [tilespmem:v55+s30+$0x0], $0xffff  }
0x256: {  	v60 =	vor.u32 $0x1180, v18;
	v1 =	vadd.f32 v2, v1;
	v2 =	vmul.f32 v3, v7  }
0x257: {  	v3 =	vld.idx.msk [tilespmem:v56+s30+$0x0], $0xffff  }
0x258: {  	v61 =	vor.u32 $0x1200, v18;
	v1 =	vadd.f32 v2, v1;
	v2 =	vmul.f32 v57, v8  }
0x259: {  	v62 =	vld.idx.msk [tilespmem:v58+s30+$0x0], $0xffff  }
0x25a: {  	v1 =	vadd.f32 v2, v1;
	v2 =	vmul.f32 v59, v9  }
0x25b: {  	v63 =	vld.idx.msk [tilespmem:v60+s30+$0x0], $0xffff  }
0x25c: {  	v1 =	vadd.f32 v2, v1;
	v2 =	vmul.f32 v3, v10  }
0x25d: {  	v3 =	vld.idx.msk [tilespmem:v61+s30+$0x0], $0xffff  }
0x25e: {  	v1 =	vadd.f32 v2, v1;
	v2 =	vmul.f32 v62, v11;
	_ =	sdelay $0x1  }
0x25f: {  	v1 =	vadd.f32 v2, v1;
	v2 =	vmul.f32 v63, v12;
	_ =	sdelay $0x1  }
0x260: {  	v1 =	vadd.f32 v2, v1;
	v2 =	vmul.f32 v3, v13;
	_ =	sdelay $0x1  }
0x261: {  	v1 =	vadd.f32 v2, v1  }
0x262: {  	s5 =	sadd.s32 $0x10, s5  }
0x263: {  	[tilespmem:s5+$0x0] =	vst v1  }
0x264: {  	_ =	swait.ge [sflag:s1], $0x200  }
0x265: {  	[sflag:s1] =	ssyncset.done $0x0  }
0x266: {  	[sflag:s1] =	ssyncadd.s32 $0xFFFFFE00  }
0x267: {  	_ =	swait.ge [sflag:s1], $0x200  }
0x268: {  	[sflag:s1] =	ssyncset.done $0x0  }
0x269: {  	[sflag:s1] =	ssyncadd.s32 $0xFFFFFE00  }
0x26a: {  	_ =	swait.ge [sflag:s1], $0x200  }
0x26b: {  	[sflag:s1] =	ssyncset.done $0x0  }
0x26c: {  	[sflag:s1] =	ssyncadd.s32 $0xFFFFFE00  }
0x26d: {  	_ =	swait.ge [sflag:s1], $0x200  }
0x26e: {  	[sflag:s1] =	ssyncset.done $0x0  }
0x26f: {  	[sflag:s1] =	ssyncadd.s32 $0xFFFFFE00  }
0x270: {  	_ =	swait.ge [sflag:s1], $0x200  }
0x271: {  	[sflag:s1] =	ssyncset.done $0x0  }
0x272: {  	[sflag:s1] =	ssyncadd.s32 $0xFFFFFE00  }
0x273: {  	_ =	swait.ge [sflag:s1], $0x200  }
0x274: {  	[sflag:s1] =	ssyncset.done $0x0  }
0x275: {  	[sflag:s1] =	ssyncadd.s32 $0xFFFFFE00  }
0x276: {  	_ =	swait.ge [sflag:s1], $0x200  }
0x277: {  	[sflag:s1] =	ssyncset.done $0x0  }
0x278: {  	[sflag:s1] =	ssyncadd.s32 $0xFFFFFE00  }
0x279: {  	_ =	swait.ge [sflag:s1], $0x200  }
0x27a: {  	[sflag:s1] =	ssyncset.done $0x0  }
0x27b: {  	[sflag:s1] =	ssyncadd.s32 $0xFFFFFE00  }
0x27c: {  	_ =	swait.ge [sflag:s1], $0x200  }
0x27d: {  	[sflag:s1] =	ssyncset.done $0x0  }
0x27e: {  	[sflag:s1] =	ssyncadd.s32 $0xFFFFFE00  }
0x27f: {  	_ =	swait.ge [sflag:s1], $0x200  }
0x280: {  	[sflag:s1] =	ssyncset.done $0x0  }
0x281: {  	[sflag:s1] =	ssyncadd.s32 $0xFFFFFE00  }
0x282: {  	_ =	swait.ge [sflag:s1], $0x200  }
0x283: {  	[sflag:s1] =	ssyncset.done $0x0  }
0x284: {  	[sflag:s1] =	ssyncadd.s32 $0xFFFFFE00  }
0x285: {  	_ =	swait.ge [sflag:s1], $0x200  }
0x286: {  	[sflag:s1] =	ssyncset.done $0x0  }
0x287: {  	[sflag:s1] =	ssyncadd.s32 $0xFFFFFE00  }
0x288: {  	_ =	swait.ge [sflag:s1], $0x200  }
0x289: {  	[sflag:s1] =	ssyncset.done $0x0  }
0x28a: {  	[sflag:s1] =	ssyncadd.s32 $0xFFFFFE00  }
0x28b: {  	_ =	swait.ge [sflag:s1], $0x200  }
0x28c: {  	[sflag:s1] =	ssyncset.done $0x0  }
0x28d: {  	[sflag:s1] =	ssyncadd.s32 $0xFFFFFE00  }
0x28e: {  	_ =	swait.ge [sflag:s1], $0x200  }
0x28f: {  	[sflag:s1] =	ssyncset.done $0x0  }
0x290: {  	[sflag:s1] =	ssyncadd.s32 $0xFFFFFE00  }
0x291: {  	_ =	swait.ge [sflag:s1], $0x200  }
0x292: {  	[sflag:s1] =	ssyncset.done $0x0  }
0x293: {  	[sflag:s1] =	ssyncadd.s32 $0xFFFFFE00  }
0x294: {  	_ =	swait.ge [sflag:s1], $0x200  }
0x295: {  	[sflag:s1] =	ssyncset.done $0x0  }
0x296: {  	[sflag:s1] =	ssyncadd.s32 $0xFFFFFE00  }
0x297: {  	_ =	swait.ge [sflag:s1], $0x200  }
0x298: {  	[sflag:s1] =	ssyncset.done $0x0  }
0x299: {  	[sflag:s1] =	ssyncadd.s32 $0xFFFFFE00  }
0x29a: {  	_ =	swait.ge [sflag:s1], $0x200  }
0x29b: {  	[sflag:s1] =	ssyncset.done $0x0  }
0x29c: {  	s6 =	simm.s32 $0x6600;
	[sflag:s1] =	ssyncadd.s32 $0xFFFFFE00  }
0x29d: {  	s5 =	simm.s32 $0xAC80;
	v1 =	vld [tilespmem:s6+$0x0]  }
0x29e: {  	s7 =	simm.s32 $0x0;
	s8 =	simm.s32 $0x10;
	v2 =	vld [tilespmem:s5+$0x0]  }
.LBB2_42:
0x29f: {  	p0 =	sne.s32 s8, $0x1F0;
	s9 =	sand.u32 $0x1F0, s7;
	s7 =	smov.u32 s8  }
0x2a0: {  	v3 =	vld [tilespmem:s9+$0x6800];
	_ =	sdelay $0x1  }
0x2a1: {  	v4 =	vld [tilespmem:s9+$0x6A00]  }
0x2a2: {  	v1 =	vadd.f32 v1, v2  }
0x2a3: {  	v2 =	vld [tilespmem:s9+$0x6C00]  }
0x2a4: {  	v1 =	vadd.f32 v3, v1  }
0x2a5: {  	v3 =	vld [tilespmem:s9+$0x6E00]  }
0x2a6: {  	v1 =	vadd.f32 v4, v1  }
0x2a7: {  	v4 =	vld [tilespmem:s9+$0x7000]  }
0x2a8: {  	v1 =	vadd.f32 v2, v1  }
0x2a9: {  	v2 =	vld [tilespmem:s9+$0x7200]  }
0x2aa: {  	v1 =	vadd.f32 v3, v1  }
0x2ab: {  	v3 =	vld [tilespmem:s9+$0x7400]  }
0x2ac: {  	v1 =	vadd.f32 v4, v1  }
0x2ad: {  	v4 =	vld [tilespmem:s9+$0x7600]  }
0x2ae: {  	v1 =	vadd.f32 v2, v1  }
0x2af: {  	v2 =	vld [tilespmem:s9+$0x7800]  }
0x2b0: {  	v1 =	vadd.f32 v3, v1  }
0x2b1: {  	v3 =	vld [tilespmem:s9+$0x7A00]  }
0x2b2: {  	v1 =	vadd.f32 v4, v1  }
0x2b3: {  	v4 =	vld [tilespmem:s9+$0x7C00]  }
0x2b4: {  	v1 =	vadd.f32 v2, v1  }
0x2b5: {  	v2 =	vld [tilespmem:s9+$0x7E00]  }
0x2b6: {  	v1 =	vadd.f32 v3, v1  }
0x2b7: {  	v3 =	vld [tilespmem:s9+$0x8000]  }
0x2b8: {  	v1 =	vadd.f32 v4, v1  }
0x2b9: {  	v4 =	vld [tilespmem:s9+$0x8200]  }
0x2ba: {  	v1 =	vadd.f32 v2, v1  }
0x2bb: {  	v2 =	vld [tilespmem:s9+$0x8400]  }
0x2bc: {  	v1 =	vadd.f32 v3, v1  }
0x2bd: {  	v3 =	vld [tilespmem:s9+$0x8600]  }
0x2be: {  	v1 =	vadd.f32 v4, v1  }
0x2bf: {  	v4 =	vld [tilespmem:s9+$0x8800]  }
0x2c0: {  	v1 =	vadd.f32 v2, v1  }
0x2c1: {  	v2 =	vld [tilespmem:s9+$0x8A00]  }
0x2c2: {  	v1 =	vadd.f32 v3, v1;
	_ =	sdelay $0x1  }
0x2c3: {  	v1 =	vadd.f32 v4, v1;
	_ =	sdelay $0x1  }
.Ltmp20:
0x2c4: {  	v1 =	vadd.f32 v2, v1;
	(pc) =	sbr.rel @p0 .LBB2_42-.Ltmp20, $4  }
0x2c5: {  	_ = 	snop  }
0x2c6: {  	s6 =	sadd.s32 $0x10, s6;
	[tilespmem:s5+$0x0] =	vst v1  }
0x2c7: {  	s5 =	sadd.s32 $0x10, s5;
	v1 =	vld [tilespmem:s6+$0x0]  }
0x2c8: {  	s8 =	sadd.s32 $0x10, s8;
	v2 =	vld [tilespmem:s5+$0x0]  }
0x2c9: {  	s6 =	sand.u32 $0x1F0, s7  }
0x2ca: {  	v3 =	vld [tilespmem:s6+$0x6800];
	_ =	sdelay $0x1  }
0x2cb: {  	v4 =	vld [tilespmem:s6+$0x6A00]  }
0x2cc: {  	v1 =	vadd.f32 v1, v2  }
0x2cd: {  	v2 =	vld [tilespmem:s6+$0x6C00]  }
0x2ce: {  	v1 =	vadd.f32 v3, v1  }
0x2cf: {  	v3 =	vld [tilespmem:s6+$0x6E00]  }
0x2d0: {  	v1 =	vadd.f32 v4, v1  }
0x2d1: {  	v59 =	vld [tilespmem:s6+$0x7000]  }
0x2d2: {  	v1 =	vadd.f32 v2, v1  }
0x2d3: {  	v2 =	vld [tilespmem:s6+$0x7200]  }
0x2d4: {  	v1 =	vadd.f32 v3, v1  }
0x2d5: {  	v3 =	vld [tilespmem:s6+$0x7400]  }
0x2d6: {  	v1 =	vadd.f32 v59, v1  }
0x2d7: {  	v60 =	vld [tilespmem:s6+$0x7600]  }
0x2d8: {  	v1 =	vadd.f32 v2, v1  }
0x2d9: {  	v2 =	vld [tilespmem:s6+$0x7800]  }
0x2da: {  	v1 =	vadd.f32 v3, v1  }
0x2db: {  	v3 =	vld [tilespmem:s6+$0x7A00]  }
0x2dc: {  	v1 =	vadd.f32 v60, v1  }
0x2dd: {  	v61 =	vld [tilespmem:s6+$0x7C00]  }
0x2de: {  	v1 =	vadd.f32 v2, v1  }
0x2df: {  	v2 =	vld [tilespmem:s6+$0x7E00]  }
0x2e0: {  	v1 =	vadd.f32 v3, v1  }
0x2e1: {  	v3 =	vld [tilespmem:s6+$0x8000]  }
0x2e2: {  	v1 =	vadd.f32 v61, v1  }
0x2e3: {  	v62 =	vld [tilespmem:s6+$0x8200]  }
0x2e4: {  	v1 =	vadd.f32 v2, v1  }
0x2e5: {  	v2 =	vld [tilespmem:s6+$0x8400]  }
0x2e6: {  	v1 =	vadd.f32 v3, v1  }
0x2e7: {  	v3 =	vld [tilespmem:s6+$0x8600]  }
0x2e8: {  	v1 =	vadd.f32 v62, v1  }
0x2e9: {  	v63 =	vld [tilespmem:s6+$0x8800]  }
0x2ea: {  	v1 =	vadd.f32 v2, v1  }
0x2eb: {  	v2 =	vld [tilespmem:s6+$0x8A00]  }
0x2ec: {  	v1 =	vadd.f32 v3, v1;
	_ =	sdelay $0x1  }
0x2ed: {  	v1 =	vadd.f32 v63, v1;
	_ =	sdelay $0x1  }
0x2ee: {  	s4 =	sadd.s32 $0x1, s4;
	v1 =	vadd.f32 v2, v1  }
0x2ef: {  	p0 =	sne.s32 s4, s25  }
.Ltmp21:
0x2f0: {  	s9 =	simm.s32 $0xAC80;
	[tilespmem:s5+$0x0] =	vst v1;
	(pc) =	sbr.rel @p0 .LBB2_1-.Ltmp21, $4  }
0x2f1: {  	[hbm4b:s24+s3] =	stream.linear.scatter [tilespmem:s9], [sflag:$0x1], $0x200, $0x38;
	[tilespmem:$0xAE80] =	vst v63  }
0x2f2: {  	_ =	swait.ge [sflag:s1], $0x200  }
0x2f3: {  	[sflag:s1] =	ssyncset.done $0x0  }
0x2f4: {  	[sflag:s1] =	ssyncadd.s32 $0xFFFFFE00  }
0x2f5: {  	_ =	sfence.sel $0x180000  }
0x2f6: {  	[bflag:$0x0] =	sbarrier.arrive $0xFFFF  }
0x2f7: {  	_ =	strace $0x90000047  }
0x2f8: {  	s0 =	stileid.u32;
	[bflag:$0x2] =	sbarrier.arrive $0xFFFF  }
0x2f9: {  	p0 =	sne.s32 s0, $0x0;
	s0 =	rddreg [dreg:$0x4]  }
0x2fa: {  	s0 =	sadd.s32 @!p0 $0x100000, s0  }
0x2fb: {  	[sflag:s0] =	ssyncadd.tile.s32 @!p0 $0x1;
	_ =	shalt  }
.Lfunc_end2:
_tile_overlayer_lowered:
.L_overlay_start_2:
0x2fc: {  	(tag) =	ssettag $0x2  }
0x2fd: {  	s0 =	rddreg [dreg:$0x0];
	s2 =	stileid.u32  }
0x2fe: {  	s1 =	rddreg [dreg:$0x1];
	p0 =	sne.s32 s2, $0x0  }
0x2ff: {  	s3 =	rddreg [dreg:$0x2];
	[bflag:$0x3] =	sbarrier.arrive $0xFFFF;
	s2 =	simm.s32 @!p0 $0x1C04  }
0x300: {  	[timem:s3], [sflag:s2] =	dma.local @!p0 [hbm:s0], s1  }
0x301: {  	s0 =	simm.s32 @!p0 $0x4  }
0x302: {  	_ =	swait.ge @!p0 [sflag:s0], s1  }
0x303: {  	s1 =	ssub.s32 @!p0 $0x0, s1;
	[sflag:s0] =	ssyncset.done @!p0 $0x0  }
0x304: {  	[sflag:s0] =	ssyncadd.s32 @!p0 s1  }
0x305: {  	[bflag:$0x3] =	sbarrier.arrive $0xFFFF  }
0x306: {  	_ =	shalt  }

// kernel: kernel.7.cloned.1.call-start
scs
__scs_entry_jumppad:
0x0: {  	(pc) =	sbr.rel $0x88, $3  }
0x1: {  	(tag) =	ssettag $0x0;
	lr =	simm.s32 $0x1  }
0x2: {  	[smem:$0x3F9D] =	sst lr;
	_ =	strace $0xD0000000  }
0x3: {  	_ = 	snop  }
0x4: {  	_ = 	snop  }
0x5: {  	_ = 	snop  }
0x6: {  	_ = 	snop  }
0x7: {  	_ = 	snop  }
__scs_overlays_trampoline_lowered:
0x8: {  	[smem:$0x3FAC] =	sst s0  }
0x9: {  	[smem:$0x3FAD] =	sst s1  }
0xa: {  	[smem:$0x3FAE] =	sst s2  }
0xb: {  	[smem:$0x3FAF] =	sst s3  }
0xc: {  	[smem:$0x3FB0] =	sst s4  }
0xd: {  	[smem:$0x3FB1] =	sst s5  }
0xe: {  	[smem:$0x3FB2] =	sst s6  }
0xf: {  	[smem:$0x3FB3] =	sst s7  }
0x10: {  	[smem:$0x3FB4] =	sst s8  }
0x11: {  	[smem:$0x3FB5] =	sst s9;
	s0 =	simm.s32 @!p0 $0x0  }
0x12: {  	s1 =	sld [smem:$0x3F9B];
	s0 =	simm.s32 @p0 $0x1  }
0x13: {  	[smem:$0x3FB6] =	sst s0;
	s0 =	simm.s32 @!p1 $0x0  }
0x14: {  	s2 =	sld [smem:$0x3F9A];
	s0 =	simm.s32 @p1 $0x1  }
0x15: {  	[smem:$0x3FB7] =	sst s0;
	s0 =	simm.s32 @!p2 $0x0  }
0x16: {  	s3 =	sld [smem:$0x3FDB];
	s0 =	simm.s32 @p2 $0x1  }
0x17: {  	s4 =	simm.s32 $0x1BF5;
	[smem:$0x3FB9] =	sst s0  }
0x18: {  	s0 =	sld [smem:$0x3F9C];
	_ =	swait.ge [sflag:s4], $0x0  }
0x19: {  	s7 =	sld [smem:$0x3F9D]  }
0x1a: {  	s8 =	sadd.s32 $0xFFFFE003, lr  }
0x1b: {  	s9 =	sadd.s32 $0xFFFFFEF7, lr;
	s5 =	simm.s32 $0xFFFFFFFF;
	p2 =	slt.u32 s8, $0xFFFFF086  }
0x1c: {  	p1 =	slt.u32 s9, $0xF7A;
	s5 =	simm.s32 @!p2 $0x0  }
0x1d: {  	s5 =	simm.s32 @p1 $0x1;
	p0 =	seq.s32 s7, s2  }
0x1e: {  	s7 =	smul.u32 @!p0 $0xF7A, s2;
	p2 =	seq.s32 @!p0 s5, $0x0  }
0x1f: {  	s9 =	smul.u32 $0xF7A, s1;
	s8 =	simm.s32 @!p0 $0x1BF5;
	p2 =	por !p2, p0  }
0x20: {  	[sflag:s8] =	ssyncset.s32 @!p0 $0xFFFFF086;
	s6 =	sadd.s32 @!p0 s3, s7;
	s7 =	simm.s32 @!p0 $0x108  }
0x21: {  	s3 =	sadd.s32 s3, s9;
	s6 =	sadd.s32 @!p0 $0x88, s6;
	s7 =	simm.s32 @p2 $0x1082  }
0x22: {  	[simem:s7], [sflag:s8] =	dma.local @!p0 [hbm:s6], $0xF7A  }
0x23: {  	s9 =	sor.u32 $0xD0000000, s2;
	s6 =	simm.s32 $0x108;
	_ =	swait.ge @!p0 [sflag:s8], $0x0  }
0x24: {  	s3 =	sadd.s32 $0x88, s3;
	s6 =	simm.s32 @!p1 $0x1082;
	[sflag:s4] =	ssyncset.s32 $0xFFFFF086  }
0x25: {  	[simem:s6], [sflag:s4] =	dma.local [hbm:s3], $0xF7A  }
0x26: {  	[smem:$0x3F9D] =	sst s1;
	(tag) =	ssettag s2;
	_ =	strace s9  }
0x27: {  	s1 =	sld [smem:$0x3FAD]  }
0x28: {  	s2 =	sld [smem:$0x3FAE]  }
0x29: {  	s4 =	sld [smem:$0x3FB0]  }
0x2a: {  	p0 =	seq.s32 s5, $0x0;
	s5 =	sld [smem:$0x3FB1]  }
0x2b: {  	s6 =	sld [smem:$0x3FB2]  }
0x2c: {  	s7 =	sld [smem:$0x3FB3]  }
0x2d: {  	s3 =	simm.s32 $0x108;
	s8 =	sld [smem:$0x3FB4]  }
0x2e: {  	s3 =	simm.s32 @!p0 $0x1082;
	s9 =	sld [smem:$0x3FB5]  }
0x2f: {  	lr =	sadd.s32 s0, s3;
	s0 =	sld [smem:$0x3FAC]  }
0x30: {  	s3 =	sld [smem:$0x3FAF]  }
0x31: {  	[smem:$0x3FB8] =	sst s10  }
0x32: {  	s10 =	sld [smem:$0x3FB6];
	_ =	sdelay $0x3  }
0x33: {  	p0 =	seq.s32 s10, $0x1;
	s10 =	sld [smem:$0x3FB8];
	_ =	sdelay $0x3  }
0x34: {  	[smem:$0x3FB8] =	sst s10  }
0x35: {  	s10 =	sld [smem:$0x3FB7];
	_ =	sdelay $0x3  }
0x36: {  	p1 =	seq.s32 s10, $0x1;
	s10 =	sld [smem:$0x3FB8];
	_ =	sdelay $0x3  }
0x37: {  	[smem:$0x3FB8] =	sst s10  }
0x38: {  	s10 =	sld [smem:$0x3FB9]  }
0x39: {  	_ = 	snop;
	(pc) =	sbr.ind lr, $3  }
0x3a: {  	_ = 	snop  }
0x3b: {  	_ = 	snop  }
0x3c: {  	p2 =	seq.s32 s10, $0x1;
	s10 =	sld [smem:$0x3FB8]  }
0x3d: {  	_ =	shalt  }
0x3e: {  	_ =	shalt  }
0x3f: {  	_ =	shalt  }
0x40: {  	_ =	shalt  }
0x41: {  	_ =	shalt  }
0x42: {  	_ =	shalt  }
0x43: {  	_ =	shalt  }
0x44: {  	_ =	shalt  }
0x45: {  	_ =	shalt  }
0x46: {  	_ =	shalt  }
0x47: {  	_ =	shalt  }
0x48: {  	_ =	shalt  }
0x49: {  	_ =	shalt  }
0x4a: {  	_ =	shalt  }
0x4b: {  	_ =	shalt  }
0x4c: {  	_ =	shalt  }
0x4d: {  	_ =	shalt  }
0x4e: {  	_ =	shalt  }
0x4f: {  	_ =	shalt  }
0x50: {  	_ =	shalt  }
0x51: {  	_ =	shalt  }
0x52: {  	_ =	shalt  }
0x53: {  	_ =	shalt  }
0x54: {  	_ =	shalt  }
0x55: {  	_ =	shalt  }
0x56: {  	_ =	shalt  }
0x57: {  	_ =	shalt  }
0x58: {  	_ =	shalt  }
0x59: {  	_ =	shalt  }
0x5a: {  	_ =	shalt  }
0x5b: {  	_ =	shalt  }
0x5c: {  	_ =	shalt  }
0x5d: {  	_ =	shalt  }
0x5e: {  	_ =	shalt  }
0x5f: {  	_ =	shalt  }
0x60: {  	_ =	shalt  }
0x61: {  	_ =	shalt  }
0x62: {  	_ =	shalt  }
0x63: {  	_ =	shalt  }
0x64: {  	_ =	shalt  }
0x65: {  	_ =	shalt  }
0x66: {  	_ =	shalt  }
0x67: {  	_ =	shalt  }
0x68: {  	_ =	shalt  }
0x69: {  	_ =	shalt  }
0x6a: {  	_ =	shalt  }
0x6b: {  	_ =	shalt  }
0x6c: {  	_ =	shalt  }
0x6d: {  	_ =	shalt  }
0x6e: {  	_ =	shalt  }
0x6f: {  	_ =	shalt  }
0x70: {  	_ =	shalt  }
0x71: {  	_ =	shalt  }
0x72: {  	_ =	shalt  }
0x73: {  	_ =	shalt  }
0x74: {  	_ =	shalt  }
0x75: {  	_ =	shalt  }
0x76: {  	_ =	shalt  }
0x77: {  	_ =	shalt  }
0x78: {  	_ =	shalt  }
0x79: {  	_ =	shalt  }
0x7a: {  	_ =	shalt  }
0x7b: {  	_ =	shalt  }
0x7c: {  	_ =	shalt  }
0x7d: {  	_ =	shalt  }
0x7e: {  	_ =	shalt  }
0x7f: {  	_ =	shalt  }
0x80: {  	_ =	shalt  }
0x81: {  	_ =	shalt  }
0x82: {  	_ =	shalt  }
0x83: {  	_ =	shalt  }
0x84: {  	_ =	shalt  }
0x85: {  	_ =	shalt  }
0x86: {  	_ =	shalt  }
0x87: {  	_ =	shalt  }
.Lfunc_end0:
.L_simem_size_0:
called_computation.1_lowered:
.L_overlay_start_0:
0x88: {  	s2 =	sld [smem:$0x3FD9]  }
0x89: {  	s3 =	sld [smem:$0x3FFE];
	_ =	sdelay $0x1  }
0x8a: {  	s1 =	srdreg.scid  }
0x8b: {  	s0 =	sand.u32 $0x1, s1  }
0x8c: {  	s17 =	sshll.u32 s0, $0xA;
	s2 =	sadd.s32 s3, s2  }
0x8d: {  	s2 =	sadd.s32 s2, s17  }
0x8e: {  	[smem:$0x3FC4] =	sst s2  }
0x8f: {  	_ = 	snop  }
0x90: {  	s2 =	sld [smem:$0x3FC9]  }
0x91: {  	s18 =	sld [smem:$0x3FD0];
	(tm) =	ssettm $0x1  }
0x92: {  	s4 =	sld [smem:$0x3FFB];
	_ =	sdelay $0x3  }
0x93: {  	_ =	strace s4  }
0x94: {  	s4 =	sld [smem:$0x3FFC];
	_ =	sdelay $0x3  }
0x95: {  	_ =	strace s4  }
0x96: {  	s4 =	sld [smem:$0x3FFD];
	_ =	sdelay $0x3  }
0x97: {  	_ =	strace s4  }
0x98: {  	_ =	strace $0x8FFFFFFF  }
0x99: {  	s19 =	sld [smem:$0x3FDB];
	_ =	sdelay $0x1  }
0x9a: {  	s5 =	simm.s32 $_scs_section_size  }
0x9b: {  	s6 =	simm.s32 $_size__tile_overlayer_lowered;
	s7 =	simm.s32 $_tile_overlayer_lowered  }
0x9c: {  	s22 =	simm.s32 $0x1BFF;
	s21 =	sshll.u32 s7, $0x1;
	s4 =	sadd.s32 s5, s19  }
0x9d: {  	s8 =	simm.s32 $0x0;
	s20 =	sshll.u32 s6, $0x1;
	s6 =	sadd.s32 s21, s4  }
0x9e: {  	[timem:s8], [sflag:s22] =	dma.local [hbm:s6], s20  }
0x9f: {  	_ =	swait.ge [sflag:s22], s20  }
0xa0: {  	s5 =	ssub.s32 $0x0, s20;
	[sflag:s22] =	ssyncset.done $0x0  }
0xa1: {  	[sflag:s22] =	ssyncadd.s32 s5;
	_ =	sdelay $0x1  }
0xa2: {  	s23 =	simm.s32 $0x1B8B  }
0xa3: {  	_ =	swait.ge [sflag:s23], $0x1  }
0xa4: {  	[sflag:s23] =	ssyncset.done $0x0  }
0xa5: {  	s25 =	simm.s32 $0x1B8E;
	s24 =	sld [smem:$0x3FFE];
	[sflag:s23] =	ssyncadd.s32 $0xFFFFFFFF  }
0xa6: {  	s26 =	simm.s32 $execute0_lowered;
	[smem:$0x3FD2] =	sst s25  }
0xa7: {  	s6 =	sshll.u32 s26, $0x1;
	_ =	strace $0x80000049;
	[dreg:$0x1] =	wrdreg $0xFFFFFFFF  }
0xa8: {  	s28 =	simm.s32 $_size_execute0_lowered;
	s4 =	sadd.s32 s4, s6;
	[dreg:$0x0] =	wrdreg $0x0  }
0xa9: {  	s6 =	sshll.u32 s28, $0x1;
	[dreg:$0x2] =	wrdreg s4  }
0xaa: {  	[dreg:$0x3] =	wrdreg s6  }
0xab: {  	[dreg:$0x4] =	wrdreg $0xC0  }
0xac: {  	_ =	task [dreg:s8], $0x5FFFF  }
0xad: {  	[dreg:$0x1] =	wrdreg $0xFFFFFFFF  }
0xae: {  	[dreg:$0x0] =	wrdreg $0x60  }
0xaf: {  	[dreg:$0x2] =	wrdreg s2  }
0xb0: {  	[dreg:$0x3] =	wrdreg s24  }
0xb1: {  	[dreg:$0x4] =	wrdreg s18  }
0xb2: {  	[dreg:$0x5] =	wrdreg $0x9  }
0xb3: {  	_ =	task.clear_ibuf [dreg:s8], $0x6FFFF;
	_ =	strace $0x90000049  }
0xb4: {  	s29 =	simm.s32 $0x9;
	_ =	strace $0x8000004B  }
0xb5: {  	_ =	swait.ge [sflag:s29], $0x1  }
0xb6: {  	[sflag:s29] =	ssyncadd.s32 $0xFFFFFFFF  }
0xb7: {  	_ =	strace $0x9000004B  }
0xb8: {  	_ =	sfence  }
0xb9: {  	s30 =	sld [smem:$0x0];
	_ =	sdelay $0x2  }
0xba: {  	s31 =	sshll.u32 s1, $0xD;
	s1 =	sshrl.u32 s1, $0x2  }
0xbb: {  	s3 =	sand.u32 $0x4000, s31;
	s1 =	sadd.s32 s1, s30  }
0xbc: {  	s0 =	sor.u32 s3, s0;
	s1 =	sshll.u32 s1, $0x11  }
0xbd: {  	s0 =	sor.u32 s1, s0  }
0xbe: {  	s0 =	sadd.s32 $0x8F2B, s0  }
0xbf: {  	[sflag:s0] =	ssyncadd.remote.s32 $0x1  }
0xc0: {  	_ =	sfence.sel $0xFFFF  }
0xc1: {  	[dreg:$0x0] =	wrdreg $0xFFFFFFFF;
	(pc) =	sbr.abs _section_cstart, $3  }
0xc2: {  	[dreg:$0x1] =	wrdreg $0xFFFFFFFF  }
0xc3: {  	_ =	task.clear_ibuf [dreg:s8], $0x2FFFF;
	_ =	strace $0x9FFFFFFF  }
0xc4: {  	(tm) =	ssettm $0x7FFFFFFF  }
0xc5: {  	_ =	shalt  }
tec
execute0_lowered:
.L_overlay_start_1:
0x0: {  	(tag) =	ssettag $0x1  }
0x1: {  	s0 =	rddreg [dreg:$0x0]  }
0x2: {  	s2 =	rddreg [dreg:$0x1]  }
0x3: {  	s12 =	rddreg [dreg:$0x2]  }
0x4: {  	s1 =	simm.s32 $0x0;
	s6 =	srdreg.scid;
	s7 =	stileid.u32  }
0x5: {  	s17 =	simm.s32 $0x2;
	s18 =	simm.s32 $0x200;
	s25 =	simm.s32 $0x4600  }
0x6: {  	s26 =	simm.s32 $0x5400;
	s28 =	simm.s32 $0x4800;
	s29 =	simm.s32 $0x5600  }
0x7: {  	s30 =	simm.s32 $0x4A00;
	s31 =	simm.s32 $0x5800;
	s15 =	simm.s32 $0x1  }
0x8: {  	s16 =	simm.s32 $0x5E00;
	s19 =	simm.s32 $0x0;
	[smem:$0x7FF] =	sst s1  }
0x9: {  	s3 =	sadd.s32 $0x4EA00, s2;
	s4 =	sadd.s32 $0x4B800, s2;
	s5 =	sadd.s32 $0x48600, s2  }
0xa: {  	s8 =	sand.u32 $0x1, s6;
	s6 =	sadd.s32 $0x45400, s2;
	s9 =	sshll.u32 s7, $0xA  }
0xb: {  	s7 =	sadd.s32 $0x42200, s2;
	_ =	strace $0x8000004A;
	s10 =	sshll.u32 s8, $0x9  }
0xc: {  	s11 =	ssub.s32 $0x2, s8;
	s8 =	sadd.s32 $0x3F000, s2;
	s10 =	sor.u32 s10, s9  }
0xd: {  	s14 =	sshrl.u32 s11, $0x1;
	s9 =	sadd.s32 $0x3BE00, s2;
	s13 =	sshrl.u32 s10, $0x3  }
0xe: {  	s14 =	ssub.s32 s11, s14;
	s10 =	sadd.s32 s0, s10;
	s0 =	simm.s32 $0x4C00  }
0xf: {  	s2 =	sadd.s32 s13, s2;
	s12 =	sadd.s32 s12, s13;
	s13 =	smax.u32 s14, $0x1  }
0x10: {  	v0 =	vlaneseq.u32;
	s14 =	simm.s32 $0x3;
	s11 =	sadd.s32 $0x3B600, s2;
	s2 =	simm.s32 $0x5A00  }
.LBB2_1:
0x11: {  	v1 =	vmov s1  }
0x12: {  	v2 =	vor.u32 s1, v0;
	v1 =	vshll.u32 v1, $0x3  }
0x13: {  	s20 =	simm.s32 $0x1000;
	s21 =	simm.s32 $0x20000;
	v2 =	vand.u32 $0x7F, v2;
	v1 =	vand.u32 $0xC00, v1  }
0x14: {  	[tilespmem:s1], [sflag:$0x2] =	stream.strided.gather [hbm4b:s10+s20], $0x4000, s21, s20, $0x38;
	v1 =	vor.u32 v2, v1;
	[tilespmem:$0x6000] =	vst v63  }
0x15: {  	s23 =	simm.s32 $0x10;
	s24 =	simm.s32 $0x5C00;
	v1 =	vor.u32 $0x1280, v1  }
0x16: {  	[tilespmem:s24], [sflag:$0x3] =	stream.linear.gather [hbm4b:s11+s1], $0x200, $0x38;
	[tilespmem:$0x6000] =	vst v63  }
0x17: {  	v2 =	vmov s23;
	_ =	swait.ge [sflag:s17], $0x4000  }
0x18: {  	v3 =	vor.u32 s23, v0;
	v2 =	vshll.u32 v2, $0x3;
	[sflag:s17] =	ssyncset.done $0x0  }
0x19: {  	v3 =	vand.u32 $0x7F, v3;
	v2 =	vand.u32 $0xC00, v2;
	[sflag:s17] =	ssyncadd.s32 $0xFFFFC000  }
0x1a: {  	v3 =	vor.u32 v3, v2;
	v2 =	vld.idx.msk [tilespmem:v1+s1+$0x0], $0xffff  }
0x1b: {  	v1 =	vor.u32 $0x1280, v3;
	_ =	sdelay $0x1  }
0x1c: {  	s21 =	simm.s32 $0x20  }
0x1d: {  	s22 =	simm.s32 $0x30;
	s20 =	simm.s32 $0x4000;
	v3 =	vmov s21  }
.LBB2_2:
0x1e: {  	p0 =	sne.s32 s22, $0x1F0;
	v4 =	vor.u32 s21, v0;
	v3 =	vshll.u32 v3, $0x3;
	[tilespmem:s20+$0x0] =	vst v2;
	s21 =	smov.u32 s22  }
0x1f: {  	v4 =	vand.u32 $0x7F, v4;
	v3 =	vand.u32 $0xC00, v3;
	v2 =	vld.idx.msk [tilespmem:v1+s1+$0x0], $0xffff  }
.Ltmp0:
0x20: {  	v1 =	vor.u32 v4, v3;
	(pc) =	sbr.rel @p0 .LBB2_2-.Ltmp0, $2  }
0x21: {  	v1 =	vor.u32 $0x1280, v1;
	_ =	sdelay $0x2  }
0x22: {  	s22 =	sadd.s32 $0x10, s22;
	s20 =	sadd.s32 $0x10, s20;
	v3 =	vmov s21  }
0x23: {  	_ =	sdelay $0x2  }
0x24: {  	v4 =	vor.u32 s21, v0;
	v3 =	vshll.u32 v3, $0x3;
	[tilespmem:s20+$0x0] =	vst v2  }
0x25: {  	v2 =	vand.u32 $0x7F, v4;
	v3 =	vand.u32 $0xC00, v3;
	v1 =	vld.idx.msk [tilespmem:v1+s1+$0x0], $0xffff  }
0x26: {  	v2 =	vor.u32 v2, v3  }
0x27: {  	v2 =	vor.u32 $0x1280, v2;
	_ =	sdelay $0x1  }
0x28: {  	s22 =	sadd.s32 $0x10, s20;
	s23 =	simm.s32 $0x0  }
0x29: {  	[tilespmem:s22+$0x0] =	vst v1;
	v1 =	vmov s23  }
0x2a: {  	v3 =	vor.u32 s23, v0;
	v1 =	vshll.u32 v1, $0x3  }
0x2b: {  	v3 =	vand.u32 $0x7F, v3;
	v2 =	vld.idx.msk [tilespmem:v2+s1+$0x0], $0xffff;
	v1 =	vand.u32 $0xC00, v1  }
0x2c: {  	v1 =	vor.u32 v3, v1  }
0x2d: {  	v1 =	vor.u32 $0x1300, v1  }
0x2e: {  	s20 =	simm.s32 $0x10  }
0x2f: {  	s21 =	sadd.s32 $0x10, s22;
	v3 =	vmov s20  }
0x30: {  	s24 =	simm.s32 $0x4000;
	s22 =	simm.s32 $0x4E00;
	v3 =	vshll.u32 v3, $0x3;
	[tilespmem:s21+$0x0] =	vst v2;
	v2 =	vor.u32 s20, v0  }
0x31: {  	v3 =	vand.u32 $0xC00, v3;
	[tilespmem:s22], [sflag:$0x1] =	stream.indirect.gather [hbm4b:s3+s18], $0x1, s24, s18, $0xb8;
	v2 =	vand.u32 $0x7F, v2;
	[tilespmem:$0x6000] =	vst v63  }
0x32: {  	v3 =	vor.u32 v2, v3;
	v2 =	vld.idx.msk [tilespmem:v1+s1+$0x0], $0xffff  }
0x33: {  	v1 =	vor.u32 $0x1300, v3;
	_ =	sdelay $0x1  }
0x34: {  	s21 =	simm.s32 $0x20  }
0x35: {  	s23 =	sand.u32 $0x1F0, s23;
	s22 =	simm.s32 $0x30;
	v3 =	vmov s21  }
.LBB2_4:
0x36: {  	p0 =	sne.s32 s22, $0x1F0;
	v4 =	vor.u32 s21, v0;
	v3 =	vshll.u32 v3, $0x3;
	[tilespmem:s23+$0x4200] =	vst v2;
	s24 =	smov.u32 s21;
	s21 =	smov.u32 s22  }
0x37: {  	v4 =	vand.u32 $0x7F, v4;
	v3 =	vand.u32 $0xC00, v3;
	v2 =	vld.idx.msk [tilespmem:v1+s1+$0x0], $0xffff  }
.Ltmp1:
0x38: {  	v1 =	vor.u32 v4, v3;
	(pc) =	sbr.rel @p0 .LBB2_4-.Ltmp1, $2  }
0x39: {  	v1 =	vor.u32 $0x1300, v1;
	_ =	sdelay $0x2  }
0x3a: {  	s22 =	sadd.s32 $0x10, s22;
	s23 =	sand.u32 $0x1F0, s20;
	s20 =	smov.u32 s24;
	v3 =	vmov s21  }
0x3b: {  	_ =	sdelay $0x1  }
0x3c: {  	v4 =	vor.u32 s21, v0;
	v3 =	vshll.u32 v3, $0x3  }
0x3d: {  	[tilespmem:s23+$0x4200] =	vst v2;
	v2 =	vand.u32 $0x7F, v4;
	v3 =	vand.u32 $0xC00, v3  }
0x3e: {  	v1 =	vld.idx.msk [tilespmem:v1+s1+$0x0], $0xffff;
	v2 =	vor.u32 v2, v3  }
0x3f: {  	v2 =	vor.u32 $0x1300, v2;
	_ =	sdelay $0x2  }
0x40: {  	s20 =	sand.u32 $0x1F0, s20  }
0x41: {  	[tilespmem:s20+$0x4200] =	vst v1  }
0x42: {  	v1 =	vld.idx.msk [tilespmem:v2+s1+$0x0], $0xffff;
	_ =	sdelay $0x3  }
0x43: {  	s23 =	sand.u32 $0x1F0, s21;
	s21 =	simm.s32 $0x0  }
0x44: {  	v2 =	vor.u32 s21, v0;
	[tilespmem:s23+$0x4200] =	vst v1;
	v1 =	vmov s21  }
0x45: {  	v2 =	vand.u32 $0x7F, v2;
	v1 =	vshll.u32 v1, $0x3  }
0x46: {  	v1 =	vor.u32 v2, v1  }
0x47: {  	v1 =	vor.u32 $0x1380, v1;
	_ =	sdelay $0x1  }
0x48: {  	s24 =	simm.s32 $0x4200;
	s22 =	simm.s32 $0x5000;
	s20 =	simm.s32 $0x10  }
0x49: {  	[tilespmem:s22], [sflag:$0x1] =	stream.indirect.gather [hbm4b:s4+s18], $0x1, s24, s18, $0xb8;
	[tilespmem:$0x6000] =	vst v63  }
0x4a: {  	v3 =	vor.u32 s20, v0;
	s22 =	simm.s32 $0x20;
	v2 =	vmov s20  }
.LBB2_6:
0x4b: {  	p0 =	sne.s32 s22, $0x1F0;
	v3 =	vand.u32 $0x7F, v3;
	v2 =	vshll.u32 v2, $0x3;
	v4 =	vld.idx.msk [tilespmem:v1+s1+$0x0], $0xffff  }
0x4c: {  	v1 =	vor.u32 v3, v2  }
.Ltmp2:
0x4d: {  	v1 =	vor.u32 $0x1380, v1;
	(pc) =	sbr.rel @p0 .LBB2_6-.Ltmp2, $3  }
0x4e: {  	_ =	sdelay $0x1  }
0x4f: {  	s23 =	sand.u32 $0x1F0, s21;
	s21 =	smov.u32 s20;
	s20 =	smov.u32 s22  }
0x50: {  	s22 =	sadd.s32 $0x10, s22;
	v2 =	vmov s20;
	v3 =	vor.u32 s20, v0;
	[tilespmem:s23+$0x4400] =	vst v4  }
0x51: {  	_ =	sdelay $0x3  }
0x52: {  	v3 =	vand.u32 $0x7F, v3;
	v2 =	vshll.u32 v2, $0x3;
	v1 =	vld.idx.msk [tilespmem:v1+s1+$0x0], $0xffff  }
0x53: {  	v2 =	vor.u32 v3, v2  }
0x54: {  	v2 =	vor.u32 $0x1380, v2;
	_ =	sdelay $0x1  }
0x55: {  	s21 =	sand.u32 $0x1F0, s21;
	s23 =	simm.s32 $0x0  }
0x56: {  	[tilespmem:s21+$0x4400] =	vst v1;
	v1 =	vmov s23  }
0x57: {  	v3 =	vor.u32 s23, v0;
	v1 =	vshll.u32 v1, $0x3  }
0x58: {  	v3 =	vand.u32 $0x7F, v3;
	v2 =	vld.idx.msk [tilespmem:v2+s1+$0x0], $0xffff;
	v1 =	vand.u32 $0xC00, v1  }
0x59: {  	v1 =	vor.u32 v3, v1  }
0x5a: {  	v1 =	vor.u32 $0x2000, v1  }
0x5b: {  	s21 =	simm.s32 $0x10  }
0x5c: {  	s20 =	sand.u32 $0x1F0, s20;
	v3 =	vmov s21  }
0x5d: {  	s24 =	simm.s32 $0x4400;
	s22 =	simm.s32 $0x5200;
	v3 =	vshll.u32 v3, $0x3;
	[tilespmem:s20+$0x4400] =	vst v2;
	v2 =	vor.u32 s21, v0  }
0x5e: {  	v3 =	vand.u32 $0xC00, v3;
	[tilespmem:s22], [sflag:$0x1] =	stream.indirect.gather [hbm4b:s5+s18], $0x1, s24, s18, $0xb8;
	v2 =	vand.u32 $0x7F, v2;
	[tilespmem:$0x6000] =	vst v63  }
0x5f: {  	v3 =	vor.u32 v2, v3;
	v2 =	vld.idx.msk [tilespmem:v1+s1+$0x0], $0xffff  }
0x60: {  	v1 =	vor.u32 $0x2000, v3;
	_ =	sdelay $0x1  }
0x61: {  	s20 =	simm.s32 $0x20  }
0x62: {  	s23 =	sand.u32 $0x1F0, s23;
	s22 =	simm.s32 $0x30;
	v3 =	vmov s20  }
.LBB2_8:
0x63: {  	p0 =	sne.s32 s22, $0x1F0;
	v4 =	vor.u32 s20, v0;
	v3 =	vshll.u32 v3, $0x3;
	[tilespmem:s23+$0x4600] =	vst v2;
	s24 =	smov.u32 s20;
	s20 =	smov.u32 s22  }
0x64: {  	v4 =	vand.u32 $0x7F, v4;
	v3 =	vand.u32 $0xC00, v3;
	v2 =	vld.idx.msk [tilespmem:v1+s1+$0x0], $0xffff  }
.Ltmp3:
0x65: {  	v1 =	vor.u32 v4, v3;
	(pc) =	sbr.rel @p0 .LBB2_8-.Ltmp3, $2  }
0x66: {  	v1 =	vor.u32 $0x2000, v1;
	_ =	sdelay $0x2  }
0x67: {  	s22 =	sadd.s32 $0x10, s22;
	s23 =	sand.u32 $0x1F0, s21;
	s21 =	smov.u32 s24;
	v3 =	vmov s20  }
0x68: {  	_ =	sdelay $0x2  }
0x69: {  	v4 =	vor.u32 s20, v0;
	v3 =	vshll.u32 v3, $0x3;
	[tilespmem:s23+$0x4600] =	vst v2  }
0x6a: {  	v2 =	vand.u32 $0x7F, v4;
	v3 =	vand.u32 $0xC00, v3;
	v1 =	vld.idx.msk [tilespmem:v1+s1+$0x0], $0xffff  }
0x6b: {  	v2 =	vor.u32 v2, v3  }
0x6c: {  	v2 =	vor.u32 $0x2000, v2;
	_ =	sdelay $0x1  }
0x6d: {  	s21 =	sand.u32 $0x1F0, s21;
	s23 =	simm.s32 $0x0  }
0x6e: {  	[tilespmem:s21+$0x4600] =	vst v1;
	v1 =	vmov s23  }
0x6f: {  	v3 =	vor.u32 s23, v0;
	v1 =	vshll.u32 v1, $0x3  }
0x70: {  	v3 =	vand.u32 $0x7F, v3;
	v2 =	vld.idx.msk [tilespmem:v2+s1+$0x0], $0xffff;
	v1 =	vand.u32 $0xC00, v1  }
0x71: {  	v1 =	vor.u32 v3, v1  }
0x72: {  	v1 =	vor.u32 $0x2080, v1  }
0x73: {  	s21 =	simm.s32 $0x10  }
0x74: {  	s24 =	sand.u32 $0x1F0, s20;
	v3 =	vmov s21  }
0x75: {  	v3 =	vshll.u32 v3, $0x3;
	[tilespmem:s24+$0x4600] =	vst v2;
	v2 =	vor.u32 s21, v0  }
0x76: {  	v3 =	vand.u32 $0xC00, v3;
	[tilespmem:s26], [sflag:$0x1] =	stream.indirect.gather [hbm4b:s6+s18], $0x1, s25, s18, $0xb8;
	v2 =	vand.u32 $0x7F, v2;
	[tilespmem:$0x6000] =	vst v63  }
0x77: {  	v3 =	vor.u32 v2, v3;
	v2 =	vld.idx.msk [tilespmem:v1+s1+$0x0], $0xffff  }
0x78: {  	v1 =	vor.u32 $0x2080, v3;
	_ =	sdelay $0x1  }
0x79: {  	s20 =	simm.s32 $0x20  }
0x7a: {  	s22 =	simm.s32 $0x30;
	s23 =	sand.u32 $0x1F0, s23;
	v3 =	vmov s20  }
.LBB2_10:
0x7b: {  	p0 =	sne.s32 s22, $0x1F0;
	v4 =	vor.u32 s20, v0;
	v3 =	vshll.u32 v3, $0x3;
	[tilespmem:s23+$0x4800] =	vst v2;
	s24 =	smov.u32 s20;
	s20 =	smov.u32 s22  }
0x7c: {  	v4 =	vand.u32 $0x7F, v4;
	v3 =	vand.u32 $0xC00, v3;
	v2 =	vld.idx.msk [tilespmem:v1+s1+$0x0], $0xffff  }
.Ltmp4:
0x7d: {  	v1 =	vor.u32 v4, v3;
	(pc) =	sbr.rel @p0 .LBB2_10-.Ltmp4, $2  }
0x7e: {  	v1 =	vor.u32 $0x2080, v1;
	_ =	sdelay $0x2  }
0x7f: {  	s22 =	sadd.s32 $0x10, s22;
	s23 =	sand.u32 $0x1F0, s21;
	s21 =	smov.u32 s24;
	v3 =	vmov s20  }
0x80: {  	_ =	sdelay $0x2  }
0x81: {  	v4 =	vor.u32 s20, v0;
	v3 =	vshll.u32 v3, $0x3;
	[tilespmem:s23+$0x4800] =	vst v2  }
0x82: {  	v2 =	vand.u32 $0x7F, v4;
	v3 =	vand.u32 $0xC00, v3;
	v1 =	vld.idx.msk [tilespmem:v1+s1+$0x0], $0xffff  }
0x83: {  	v2 =	vor.u32 v2, v3  }
0x84: {  	v2 =	vor.u32 $0x2080, v2;
	_ =	sdelay $0x1  }
0x85: {  	s21 =	sand.u32 $0x1F0, s21;
	s23 =	simm.s32 $0x0  }
0x86: {  	[tilespmem:s21+$0x4800] =	vst v1;
	v1 =	vmov s23  }
0x87: {  	v3 =	vor.u32 s23, v0;
	v1 =	vshll.u32 v1, $0x3  }
0x88: {  	v3 =	vand.u32 $0x7F, v3;
	v2 =	vld.idx.msk [tilespmem:v2+s1+$0x0], $0xffff;
	v1 =	vand.u32 $0xC00, v1  }
0x89: {  	v1 =	vor.u32 v3, v1  }
0x8a: {  	v1 =	vor.u32 $0x2100, v1  }
0x8b: {  	s21 =	simm.s32 $0x10  }
0x8c: {  	s24 =	sand.u32 $0x1F0, s20;
	v3 =	vmov s21  }
0x8d: {  	v3 =	vshll.u32 v3, $0x3;
	[tilespmem:s24+$0x4800] =	vst v2;
	v2 =	vor.u32 s21, v0  }
0x8e: {  	v3 =	vand.u32 $0xC00, v3;
	[tilespmem:s29], [sflag:$0x1] =	stream.indirect.gather [hbm4b:s7+s18], $0x1, s28, s18, $0xb8;
	v2 =	vand.u32 $0x7F, v2;
	[tilespmem:$0x6000] =	vst v63  }
0x8f: {  	v3 =	vor.u32 v2, v3;
	v2 =	vld.idx.msk [tilespmem:v1+s1+$0x0], $0xffff  }
0x90: {  	v1 =	vor.u32 $0x2100, v3;
	_ =	sdelay $0x1  }
0x91: {  	s20 =	simm.s32 $0x20  }
0x92: {  	s22 =	simm.s32 $0x30;
	s23 =	sand.u32 $0x1F0, s23;
	v3 =	vmov s20  }
.LBB2_12:
0x93: {  	p0 =	sne.s32 s22, $0x1F0;
	v4 =	vor.u32 s20, v0;
	v3 =	vshll.u32 v3, $0x3;
	[tilespmem:s23+$0x4A00] =	vst v2;
	s24 =	smov.u32 s20;
	s20 =	smov.u32 s22  }
0x94: {  	v4 =	vand.u32 $0x7F, v4;
	v3 =	vand.u32 $0xC00, v3;
	v2 =	vld.idx.msk [tilespmem:v1+s1+$0x0], $0xffff  }
.Ltmp5:
0x95: {  	v1 =	vor.u32 v4, v3;
	(pc) =	sbr.rel @p0 .LBB2_12-.Ltmp5, $2  }
0x96: {  	v1 =	vor.u32 $0x2100, v1;
	_ =	sdelay $0x2  }
0x97: {  	s22 =	sadd.s32 $0x10, s22;
	s23 =	sand.u32 $0x1F0, s21;
	s21 =	smov.u32 s24;
	v3 =	vmov s20  }
0x98: {  	_ =	sdelay $0x2  }
0x99: {  	v4 =	vor.u32 s20, v0;
	v3 =	vshll.u32 v3, $0x3;
	[tilespmem:s23+$0x4A00] =	vst v2  }
0x9a: {  	v2 =	vand.u32 $0x7F, v4;
	v3 =	vand.u32 $0xC00, v3;
	v1 =	vld.idx.msk [tilespmem:v1+s1+$0x0], $0xffff  }
0x9b: {  	v2 =	vor.u32 v2, v3  }
0x9c: {  	v2 =	vor.u32 $0x2100, v2;
	_ =	sdelay $0x1  }
0x9d: {  	s21 =	sand.u32 $0x1F0, s21;
	s23 =	simm.s32 $0x0  }
0x9e: {  	[tilespmem:s21+$0x4A00] =	vst v1;
	v1 =	vmov s23  }
0x9f: {  	v3 =	vor.u32 s23, v0;
	v1 =	vshll.u32 v1, $0x3  }
0xa0: {  	v3 =	vand.u32 $0x7F, v3;
	v2 =	vld.idx.msk [tilespmem:v2+s1+$0x0], $0xffff;
	v1 =	vand.u32 $0xC00, v1  }
0xa1: {  	v1 =	vor.u32 v3, v1  }
0xa2: {  	v1 =	vor.u32 $0x2180, v1  }
0xa3: {  	s21 =	simm.s32 $0x10  }
0xa4: {  	s24 =	sand.u32 $0x1F0, s20;
	v3 =	vmov s21  }
0xa5: {  	v3 =	vshll.u32 v3, $0x3;
	[tilespmem:s24+$0x4A00] =	vst v2;
	v2 =	vor.u32 s21, v0  }
0xa6: {  	v3 =	vand.u32 $0xC00, v3;
	[tilespmem:s31], [sflag:$0x1] =	stream.indirect.gather [hbm4b:s8+s18], $0x1, s30, s18, $0xb8;
	v2 =	vand.u32 $0x7F, v2;
	[tilespmem:$0x6000] =	vst v63  }
0xa7: {  	v3 =	vor.u32 v2, v3;
	v2 =	vld.idx.msk [tilespmem:v1+s1+$0x0], $0xffff  }
0xa8: {  	v1 =	vor.u32 $0x2180, v3;
	_ =	sdelay $0x1  }
0xa9: {  	s20 =	simm.s32 $0x20  }
0xaa: {  	s22 =	simm.s32 $0x30;
	s23 =	sand.u32 $0x1F0, s23;
	v3 =	vmov s20  }
.LBB2_14:
0xab: {  	p0 =	sne.s32 s22, $0x1F0;
	v4 =	vor.u32 s20, v0;
	v3 =	vshll.u32 v3, $0x3;
	[tilespmem:s23+$0x4C00] =	vst v2;
	s24 =	smov.u32 s20;
	s20 =	smov.u32 s22  }
0xac: {  	v4 =	vand.u32 $0x7F, v4;
	v3 =	vand.u32 $0xC00, v3;
	v2 =	vld.idx.msk [tilespmem:v1+s1+$0x0], $0xffff  }
.Ltmp6:
0xad: {  	v1 =	vor.u32 v4, v3;
	(pc) =	sbr.rel @p0 .LBB2_14-.Ltmp6, $2  }
0xae: {  	v1 =	vor.u32 $0x2180, v1;
	_ =	sdelay $0x2  }
0xaf: {  	s22 =	sadd.s32 $0x10, s22;
	s23 =	sand.u32 $0x1F0, s21;
	s21 =	smov.u32 s24;
	v3 =	vmov s20  }
0xb0: {  	_ =	sdelay $0x1  }
0xb1: {  	v4 =	vor.u32 s20, v0;
	v3 =	vshll.u32 v3, $0x3  }
0xb2: {  	[tilespmem:s23+$0x4C00] =	vst v2;
	v2 =	vand.u32 $0x7F, v4;
	v3 =	vand.u32 $0xC00, v3  }
0xb3: {  	v1 =	vld.idx.msk [tilespmem:v1+s1+$0x0], $0xffff;
	v2 =	vor.u32 v2, v3  }
0xb4: {  	v2 =	vor.u32 $0x2180, v2;
	_ =	sdelay $0x2  }
0xb5: {  	s21 =	sand.u32 $0x1F0, s21  }
0xb6: {  	[tilespmem:s21+$0x4C00] =	vst v1  }
0xb7: {  	v1 =	vld.idx.msk [tilespmem:v2+s1+$0x0], $0xffff;
	_ =	sdelay $0x3  }
0xb8: {  	s24 =	sand.u32 $0x1F0, s20  }
0xb9: {  	[tilespmem:s24+$0x4C00] =	vst v1  }
0xba: {  	[tilespmem:s2], [sflag:$0x1] =	stream.indirect.gather [hbm4b:s9+s18], $0x1, s0, s18, $0xb8;
	[tilespmem:$0x6000] =	vst v63  }
0xbb: {  	_ =	swait.ge [sflag:s14], $0x200  }
0xbc: {  	[sflag:s14] =	ssyncset.done $0x0  }
0xbd: {  	s20 =	simm.s32 $0x0;
	[sflag:s14] =	ssyncadd.s32 $0xFFFFFE00  }
0xbe: {  	s21 =	simm.s32 $0x40;
	v1 =	vld [tilespmem:s20+$0x5C00]  }
.LBB2_16:
0xbf: {  	p0 =	sne.s32 s21, $0x7C0  }
.Ltmp7:
0xc0: {  	_ = 	snop;
	(pc) =	sbr.rel @p0 .LBB2_16-.Ltmp7, $3  }
0xc1: {  	_ =	sdelay $0x1  }
0xc2: {  	[tilespmem:s20+$0x5E00] =	vst v1;
	s20 =	sshra.s32 s21, $0x2;
	s21 =	sadd.s32 $0x40, s21  }
0xc3: {  	v1 =	vld [tilespmem:s20+$0x5C00]  }
0xc4: {  	_ =	sdelay $0x3  }
0xc5: {  	[tilespmem:s20+$0x5E00] =	vst v1  }
0xc6: {  	_ =	swait.ge [sflag:s15], $0x200  }
0xc7: {  	[sflag:s15] =	ssyncset.done $0x0  }
0xc8: {  	[sflag:s15] =	ssyncadd.s32 $0xFFFFFE00  }
0xc9: {  	_ =	swait.ge [sflag:s15], $0x200  }
0xca: {  	[sflag:s15] =	ssyncset.done $0x0  }
0xcb: {  	[sflag:s15] =	ssyncadd.s32 $0xFFFFFE00  }
0xcc: {  	_ =	swait.ge [sflag:s15], $0x200  }
0xcd: {  	[sflag:s15] =	ssyncset.done $0x0  }
0xce: {  	[sflag:s15] =	ssyncadd.s32 $0xFFFFFE00  }
0xcf: {  	_ =	swait.ge [sflag:s15], $0x200  }
0xd0: {  	[sflag:s15] =	ssyncset.done $0x0  }
0xd1: {  	[sflag:s15] =	ssyncadd.s32 $0xFFFFFE00  }
0xd2: {  	_ =	swait.ge [sflag:s15], $0x200  }
0xd3: {  	[sflag:s15] =	ssyncset.done $0x0  }
0xd4: {  	[sflag:s15] =	ssyncadd.s32 $0xFFFFFE00  }
0xd5: {  	_ =	swait.ge [sflag:s15], $0x200  }
0xd6: {  	[sflag:s15] =	ssyncset.done $0x0  }
0xd7: {  	[sflag:s15] =	ssyncadd.s32 $0xFFFFFE00  }
0xd8: {  	_ =	swait.ge [sflag:s15], $0x200  }
0xd9: {  	[sflag:s15] =	ssyncset.done $0x0  }
0xda: {  	s21 =	simm.s32 $0x4E00;
	[sflag:s15] =	ssyncadd.s32 $0xFFFFFE00  }
0xdb: {  	s20 =	simm.s32 $0x5E00;
	v1 =	vld [tilespmem:s21+$0x0]  }
0xdc: {  	s22 =	simm.s32 $0x0;
	s23 =	simm.s32 $0x10;
	v2 =	vld [tilespmem:s20+$0x0]  }
.LBB2_18:
0xdd: {  	p0 =	sne.s32 s23, $0x1F0;
	s24 =	sand.u32 $0x1F0, s22;
	s22 =	smov.u32 s23  }
0xde: {  	v3 =	vld [tilespmem:s24+$0x5000];
	_ =	sdelay $0x1  }
0xdf: {  	v4 =	vld [tilespmem:s24+$0x5200]  }
0xe0: {  	v1 =	vadd.f32 v1, v2  }
0xe1: {  	v2 =	vld [tilespmem:s24+$0x5400]  }
0xe2: {  	v1 =	vadd.f32 v3, v1  }
0xe3: {  	v3 =	vld [tilespmem:s24+$0x5600]  }
0xe4: {  	v1 =	vadd.f32 v4, v1  }
0xe5: {  	v4 =	vld [tilespmem:s24+$0x5800]  }
0xe6: {  	v1 =	vadd.f32 v2, v1  }
0xe7: {  	v2 =	vld [tilespmem:s24+$0x5A00]  }
0xe8: {  	v1 =	vadd.f32 v3, v1;
	_ =	sdelay $0x1  }
0xe9: {  	v1 =	vadd.f32 v4, v1;
	_ =	sdelay $0x1  }
.Ltmp8:
0xea: {  	v1 =	vadd.f32 v2, v1;
	(pc) =	sbr.rel @p0 .LBB2_18-.Ltmp8, $4  }
0xeb: {  	_ = 	snop  }
0xec: {  	s21 =	sadd.s32 $0x10, s21;
	[tilespmem:s20+$0x0] =	vst v1  }
0xed: {  	s20 =	sadd.s32 $0x10, s20;
	v1 =	vld [tilespmem:s21+$0x0]  }
0xee: {  	s23 =	sadd.s32 $0x10, s23;
	v2 =	vld [tilespmem:s20+$0x0]  }
0xef: {  	s21 =	sand.u32 $0x1F0, s22  }
0xf0: {  	v3 =	vld [tilespmem:s21+$0x5000];
	_ =	sdelay $0x1  }
0xf1: {  	v4 =	vld [tilespmem:s21+$0x5200]  }
0xf2: {  	v1 =	vadd.f32 v1, v2  }
0xf3: {  	v2 =	vld [tilespmem:s21+$0x5400]  }
0xf4: {  	v1 =	vadd.f32 v3, v1  }
0xf5: {  	v3 =	vld [tilespmem:s21+$0x5600]  }
0xf6: {  	v1 =	vadd.f32 v4, v1  }
0xf7: {  	v63 =	vld [tilespmem:s21+$0x5800]  }
0xf8: {  	v1 =	vadd.f32 v2, v1  }
0xf9: {  	v2 =	vld [tilespmem:s21+$0x5A00]  }
0xfa: {  	v1 =	vadd.f32 v3, v1;
	_ =	sdelay $0x1  }
0xfb: {  	v1 =	vadd.f32 v63, v1;
	_ =	sdelay $0x1  }
0xfc: {  	s19 =	sadd.s32 $0x1, s19;
	v1 =	vadd.f32 v2, v1  }
0xfd: {  	p0 =	sne.s32 s19, s13  }
.Ltmp9:
0xfe: {  	[tilespmem:s20+$0x0] =	vst v1;
	(pc) =	sbr.rel @p0 .LBB2_1-.Ltmp9, $4  }
0xff: {  	[hbm4b:s12+s1] =	stream.linear.scatter [tilespmem:s16], [sflag:$0x1], $0x200, $0x38;
	[tilespmem:$0x6000] =	vst v63  }
0x100: {  	_ =	swait.ge [sflag:s15], $0x200  }
0x101: {  	[sflag:s15] =	ssyncset.done $0x0  }
0x102: {  	[sflag:s15] =	ssyncadd.s32 $0xFFFFFE00  }
0x103: {  	_ =	sfence.sel $0x180000  }
0x104: {  	[bflag:$0x0] =	sbarrier.arrive $0xFFFF  }
0x105: {  	_ =	strace $0x9000004A  }
0x106: {  	s0 =	stileid.u32;
	[bflag:$0x2] =	sbarrier.arrive $0xFFFF  }
0x107: {  	p0 =	sne.s32 s0, $0x0;
	s0 =	rddreg [dreg:$0x3]  }
0x108: {  	s0 =	sadd.s32 @!p0 $0x100000, s0  }
0x109: {  	[sflag:s0] =	ssyncadd.tile.s32 @!p0 $0x1;
	_ =	shalt  }
.Lfunc_end2:
_tile_overlayer_lowered:
.L_overlay_start_2:
0x10a: {  	(tag) =	ssettag $0x2  }
0x10b: {  	s0 =	rddreg [dreg:$0x0];
	s2 =	stileid.u32  }
0x10c: {  	s1 =	rddreg [dreg:$0x1];
	p0 =	sne.s32 s2, $0x0  }
0x10d: {  	s3 =	rddreg [dreg:$0x2];
	[bflag:$0x3] =	sbarrier.arrive $0xFFFF;
	s2 =	simm.s32 @!p0 $0x1C04  }
0x10e: {  	[timem:s3], [sflag:s2] =	dma.local @!p0 [hbm:s0], s1  }
0x10f: {  	s0 =	simm.s32 @!p0 $0x4  }
0x110: {  	_ =	swait.ge @!p0 [sflag:s0], s1  }
0x111: {  	s1 =	ssub.s32 @!p0 $0x0, s1;
	[sflag:s0] =	ssyncset.done @!p0 $0x0  }
0x112: {  	[sflag:s0] =	ssyncadd.s32 @!p0 s1  }
0x113: {  	[bflag:$0x3] =	sbarrier.arrive $0xFFFF  }
0x114: {  	_ =	shalt  }

</sc_bundles>
